<compile_context>
chip_gen: v7x
topology: tpu7x:2x2x1
jax: 0.10.2.dev20260603
libtpu: 0.0.44.dev20260713+nightly
codegen_flags: <defaults>
</compile_context>

<pallas_src>
import functools

import jax
import jax.numpy as jnp
from jax import lax
from jax.experimental import pallas as pl
from jax.experimental.pallas import tpu as pltpu
from jax.experimental.pallas import tpu_sc as plsc

N = 10000
E = 320000
D1 = 128
H1 = 8
C1 = 16
D2 = 16
R1 = D1 + 16
R2 = D2 + 16

NCORES = 2
NSUB = 16
NTILE = NCORES * NSUB
EPT = E // NTILE
K = 80
NCH = EPT // K
NPAD = 10240
RPT = NPAD // NSUB

BN = 2000
NB = N // BN
BIG = 1e30



def _tc1_body(x_ref, w1_ref, a1s_ref, a1d_ref,
              hs_ref, abd_ref, cvec_ref):
    i = pl.program_id(0)
    h = jnp.dot(x_ref[...], w1_ref[...], preferred_element_type=jnp.float32)
    s = jnp.dot(h, a1s_ref[...], preferred_element_type=jnp.float32)
    d = jnp.dot(h, a1d_ref[...], preferred_element_type=jnp.float32)
    hs_ref[:, 0:D1] = h
    hs_ref[:, D1:R1] = s
    abd_ref[...] = d
    bm = jnp.max(s, axis=0, keepdims=True)

    @pl.when(i == 0)
    def _():
        cvec_ref[...] = bm

    @pl.when(i > 0)
    def _():
        cvec_ref[...] = jnp.maximum(cvec_ref[...], bm)

    @pl.when(i == NB - 1)
    def _():
        m = cvec_ref[...]
        c = m[:, 0:8] + m[:, 8:16]
        c = jnp.where(c >= 0.0, c, 0.2 * c)
        cvec_ref[...] = jnp.concatenate(
            [c, jnp.full((1, 8), BIG, jnp.float32)], axis=1)


def _tc1(x, W1, A1s, A1d):
    return pl.pallas_call(
        _tc1_body,
        grid=(NB,),
        in_specs=[
            pl.BlockSpec((BN, D1), lambda i: (i, 0)),
            pl.BlockSpec((D1, D1), lambda i: (0, 0)),
            pl.BlockSpec((D1, 16), lambda i: (0, 0)),
            pl.BlockSpec((D1, 16), lambda i: (0, 0)),
        ],
        out_specs=[
            pl.BlockSpec((BN, R1), lambda i: (i, 0)),
            pl.BlockSpec((BN, 16), lambda i: (i, 0)),
            pl.BlockSpec((1, 16), lambda i: (0, 0)),
        ],
        out_shape=[
            jax.ShapeDtypeStruct((N, R1), jnp.float32),
            jax.ShapeDtypeStruct((N, 16), jnp.float32),
            jax.ShapeDtypeStruct((1, 16), jnp.float32),
        ],
    )(x, W1, A1s, A1d)


def _tc2_body(acc_ref, b1_ref, w2_ref, p2s_ref, p2d_ref, q_ref,
              hs2_ref, abd_ref, cvec_ref, cm_ref):
    i = pl.program_id(0)
    num = acc_ref[0, :, 0:D1] + acc_ref[1, :, 0:D1]
    den = acc_ref[0, :, D1:R1] + acc_ref[1, :, D1:R1]
    dd = den + 1e-16
    r = 1.0 / dd
    r = r * (2.0 - dd * r)
    r = r * (2.0 - dd * r)
    rb = jnp.dot(r, q_ref[...], preferred_element_type=jnp.float32)
    feat = num * rb + b1_ref[...]
    feat = jnp.where(feat > 0.0, feat, jnp.exp(feat) - 1.0)
    h2 = jnp.dot(feat, w2_ref[...], preferred_element_type=jnp.float32)
    s = jnp.dot(h2, p2s_ref[...], preferred_element_type=jnp.float32)
    d = jnp.dot(h2, p2d_ref[...], preferred_element_type=jnp.float32)
    hs2_ref[:, 0:D2] = h2
    hs2_ref[:, D2:R2] = s
    abd_ref[...] = d
    bs = jnp.max(s, axis=0, keepdims=True)
    bd = jnp.max(d, axis=0, keepdims=True)

    @pl.when(i == 0)
    def _():
        cm_ref[0:1] = bs
        cm_ref[1:2] = bd

    @pl.when(i > 0)
    def _():
        cm_ref[0:1] = jnp.maximum(cm_ref[0:1], bs)
        cm_ref[1:2] = jnp.maximum(cm_ref[1:2], bd)

    @pl.when(i == NB - 1)
    def _():
        c = cm_ref[0:1] + cm_ref[1:2]
        c = jnp.where(c >= 0.0, c, 0.2 * c)
        lane = lax.broadcasted_iota(jnp.int32, (1, 16), 1)
        cvec_ref[...] = jnp.where(lane == 0, c, BIG)


def _tc2(acc, b1, W2, P2s, P2d, Q16):
    return pl.pallas_call(
        _tc2_body,
        grid=(NB,),
        in_specs=[
            pl.BlockSpec((2, BN, R1), lambda i: (0, i, 0)),
            pl.BlockSpec((1, D1), lambda i: (0, 0)),
            pl.BlockSpec((D1, D2), lambda i: (0, 0)),
            pl.BlockSpec((D2, 16), lambda i: (0, 0)),
            pl.BlockSpec((D2, 16), lambda i: (0, 0)),
            pl.BlockSpec((16, D1), lambda i: (0, 0)),
        ],
        out_specs=[
            pl.BlockSpec((BN, R2), lambda i: (i, 0)),
            pl.BlockSpec((BN, 16), lambda i: (i, 0)),
            pl.BlockSpec((1, 16), lambda i: (0, 0)),
        ],
        out_shape=[
            jax.ShapeDtypeStruct((N, R2), jnp.float32),
            jax.ShapeDtypeStruct((N, 16), jnp.float32),
            jax.ShapeDtypeStruct((1, 16), jnp.float32),
        ],
        scratch_shapes=[pltpu.VMEM((2, 16), jnp.float32)],
    )(acc, b1, W2, P2s, P2d, Q16)


def _tc3_body(acc_ref, b2_ref, out_ref):
    num = acc_ref[0, :, 0:D2] + acc_ref[1, :, 0:D2]
    den = acc_ref[0, :, D2:D2 + 1] + acc_ref[1, :, D2:D2 + 1]
    dd = den + 1e-16
    r = 1.0 / dd
    r = r * (2.0 - dd * r)
    r = r * (2.0 - dd * r)
    o = num * r + b2_ref[...]
    m = jnp.max(o, axis=1, keepdims=True)
    z = o - m
    lse = jnp.log(jnp.sum(jnp.exp(z), axis=1, keepdims=True))
    out_ref[...] = z - lse


def _tc3(acc, b2):
    return pl.pallas_call(
        _tc3_body,
        grid=(NB,),
        in_specs=[
            pl.BlockSpec((2, BN, R2), lambda i: (0, i, 0)),
            pl.BlockSpec((1, 16), lambda i: (0, 0)),
        ],
        out_specs=pl.BlockSpec((BN, 16), lambda i: (i, 0)),
        out_shape=jax.ShapeDtypeStruct((N, 16), jnp.float32),
    )(acc, b2)



_MESH = plsc.VectorSubcoreMesh(core_axis_name="c", subcore_axis_name="s")


def _make_edge_body(D, nheads):
    F = D - 16

    def body(hs_hbm, abd_hbm, esrc_hbm, dst2d_hbm, cvec_hbm, zD_hbm,
             acc_out,
             acc, dst_all, si0, si1, hs0, hs1, ad0, ad1, cvec_v,
             gh0, gd0, sn0, ix0, gh1, gd1, sn1, ix1):
        cid = lax.axis_index("c")
        sid = lax.axis_index("s")
        gid = cid * NSUB + sid
        r0 = sid * RPT
        pltpu.sync_copy(zD_hbm.at[pl.ds(r0, RPT)], acc.at[pl.ds(r0, RPT)])
        pltpu.sync_copy(cvec_hbm.at[0], cvec_v)
        pltpu.sync_copy(dst2d_hbm.at[pl.ds(gid * NCH, NCH)], dst_all)
        plsc.subcore_barrier()
        cv = cvec_v[...]

        bufs = ((hs0, ad0, si0, gh0, gd0, sn0, ix0),
                (hs1, ad1, si1, gh1, gd1, sn1, ix1))

        def issue_idx(b, j):
            _hs, _ad, si, _gh, _gd, _sn, ix = bufs[b]
            pltpu.async_copy(esrc_hbm.at[pl.ds(gid * EPT + j * K, K)], si, ix)

        def wait_idx(b, j):
            _hs, _ad, si, _gh, _gd, _sn, ix = bufs[b]
            pltpu.make_async_copy(
                esrc_hbm.at[pl.ds(gid * EPT + j * K, K)], si, ix).wait()

        def issue_g(b, j):
            hs_r, ad_r, si, gh, gd, _sn, _ix = bufs[b]
            pltpu.async_copy(hs_hbm.at[si], hs_r, gh)
            pltpu.async_copy(abd_hbm.at[dst_all.at[j]], ad_r, gd)

        def wait_g(b, j):
            hs_r, ad_r, si, gh, gd, _sn, _ix = bufs[b]
            pltpu.make_async_copy(hs_hbm.at[si], hs_r, gh).wait()
            pltpu.make_async_copy(abd_hbm.at[dst_all.at[j]], ad_r, gd).wait()

        def issue_s(b, j):
            hs_r, _ad, _si, _gh, _gd, sn, _ix = bufs[b]
            pltpu.async_copy(hs_r, acc.at[dst_all.at[j]], sn, add=True)

        def wait_s(b, j):
            hs_r, _ad, _si, _gh, _gd, sn, _ix = bufs[b]
            pltpu.make_async_copy(hs_r, acc.at[dst_all.at[j]], sn).wait()

        def compute(b):
            hs_r, ad_r = bufs[b][0], bufs[b][1]

            @plsc.parallel_loop(0, K, 1, unroll=2)
            def _(e):
                t = hs_r[e, pl.ds(F, 16)] + ad_r[e]
                t = jnp.where(t >= 0.0, t, t * 0.2)
                w = jnp.exp(t - cv)
                if nheads == 1:
                    sl = pl.ds(0, 16)
                    hs_r[e, sl] = hs_r[e, sl] * w[0]
                else:
                    for hh in range(nheads):
                        sl = pl.ds(hh * 16, 16)
                        hs_r[e, sl] = hs_r[e, sl] * w[hh]
                hs_r[e, pl.ds(F, 16)] = w

        issue_idx(0, 0)
        issue_idx(1, 1)
        wait_idx(0, 0)
        issue_g(0, 0)
        wait_idx(1, 1)
        issue_g(1, 1)

        def pair(jj, carry):
            wait_g(0, jj)

            @pl.when(jj + 2 < NCH)
            def _():
                issue_idx(0, jj + 2)

            compute(0)
            issue_s(0, jj)
            wait_g(1, jj + 1)

            @pl.when(jj + 3 < NCH)
            def _():
                issue_idx(1, jj + 3)

            compute(1)
            issue_s(1, jj + 1)

            @pl.when(jj + 2 < NCH)
            def _():
                wait_s(0, jj)
                wait_idx(0, jj + 2)
                issue_g(0, jj + 2)

            @pl.when(jj + 3 < NCH)
            def _():
                wait_s(1, jj + 1)
                wait_idx(1, jj + 3)
                issue_g(1, jj + 3)

            return carry

        lax.fori_loop(0, (NCH - 1) // 2, lambda i, c: pair(2 * i, c), 0)
        wait_g(0, NCH - 1)
        compute(0)
        issue_s(0, NCH - 1)
        wait_s(0, NCH - 1)
        wait_s(1, NCH - 2)
        plsc.subcore_barrier()
        pltpu.sync_copy(acc.at[pl.ds(r0, RPT)],
                        acc_out.at[cid, pl.ds(r0, RPT)])

    return body


def _make_edge(D, nheads):
    return functools.partial(
        pl.kernel,
        out_type=jax.ShapeDtypeStruct((NCORES, NPAD, D), jnp.float32),
        mesh=_MESH,
        compiler_params=pltpu.CompilerParams(use_tc_tiling_on_sc=False),
        scratch_types=[
            pltpu.VMEM_SHARED((NPAD, D), jnp.float32),
            pltpu.VMEM((NCH, K), jnp.int32),
            pltpu.VMEM((K,), jnp.int32),
            pltpu.VMEM((K,), jnp.int32),
            pltpu.VMEM((K, D), jnp.float32),
            pltpu.VMEM((K, D), jnp.float32),
            pltpu.VMEM((K, 16), jnp.float32),
            pltpu.VMEM((K, 16), jnp.float32),
            pltpu.VMEM((16,), jnp.float32),
        ] + [pltpu.SemaphoreType.DMA] * 8,
    )(_make_edge_body(D, nheads))


_edge1 = _make_edge(R1, H1)
_edge2 = _make_edge(R2, 1)



def kernel(x, edge_index, W1, att_src1, att_dst1, b1, W2, att_src2, att_dst2, b2):
    f32 = jnp.float32
    eye8 = jnp.eye(H1, dtype=f32)
    As = (eye8[:, None, :] * att_src1[:, :, None]).reshape(D1, H1)
    Ad = (eye8[:, None, :] * att_dst1[:, :, None]).reshape(D1, H1)
    A1s = jnp.concatenate([As, Ad], axis=1)
    A1d = jnp.concatenate([Ad, As], axis=1)
    P2s = jnp.concatenate(
        [att_src2.reshape(D2, 1), jnp.zeros((D2, 15), f32)], axis=1)
    P2d = jnp.concatenate(
        [att_dst2.reshape(D2, 1), jnp.zeros((D2, 15), f32)], axis=1)
    Q16 = jnp.concatenate(
        [jnp.kron(jnp.eye(H1, dtype=f32), jnp.ones((1, C1), f32)),
         jnp.zeros((8, D1), f32)], axis=0)
    zr1 = jnp.zeros((NPAD, R1), f32)
    zr2 = jnp.zeros((NPAD, R2), f32)

    hs1, ab1d, cvec1 = _tc1(x, W1, A1s, A1d)
    esrc = edge_index[0]
    dst2d = edge_index[1].reshape(E // K, K)
    acc1 = _edge1(hs1, ab1d, esrc, dst2d, cvec1, zr1)
    hs2, ab2d, cvec2 = _tc2(acc1, b1.reshape(1, D1), W2, P2s, P2d, Q16)
    acc2 = _edge2(hs2, ab2d, esrc, dst2d, cvec2, zr2)
    return _tc3(acc2, b2.reshape(1, 16))

# --- scband reference (transcript-rebuilt; emitter-appended) ---
"""Pipeline reference for scband-gat-72859825209692 (READ-ONLY COPY).

The authoritative reference and input builder live on the scoring server;
editing this copy changes nothing except your own understanding.
"""

import jax, jax.numpy as jnp
import numpy as np

N = 10000
E = 320000
IN_CH = 128
HID = 16
OUT_CH = 16
H1 = 8
H2 = 1


def _xavier(key, shape, gain=1.414):
    fan_in = shape[0]
    fan_out = shape[-1]
    limit = gain * np.sqrt(6.0 / (fan_in + fan_out))
    return jax.random.uniform(key, shape, dtype=jnp.float32, minval=-limit, maxval=limit)


def setup_inputs(seed: int = 0) -> dict:
    key = jax.random.key(seed)
    ks = jax.random.split(key, 10)
    x = jax.random.normal(ks[0], (N, IN_CH), dtype=jnp.float32)
    edge_index = jax.random.randint(ks[1], (2, E), 0, N, dtype=jnp.int32)
    W1 = _xavier(ks[2], (IN_CH, H1 * HID))
    att_src1 = _xavier(ks[3], (H1, HID))
    att_dst1 = _xavier(ks[4], (H1, HID))
    b1 = jnp.zeros((H1 * HID,), dtype=jnp.float32)
    W2 = _xavier(ks[5], (H1 * HID, H2 * OUT_CH))
    att_src2 = _xavier(ks[6], (H2, OUT_CH))
    att_dst2 = _xavier(ks[7], (H2, OUT_CH))
    b2 = jnp.zeros((OUT_CH,), dtype=jnp.float32)
    return {"x": x, "edge_index": edge_index, "W1": W1, "att_src1": att_src1,
            "att_dst1": att_dst1, "b1": b1, "W2": W2, "att_src2": att_src2,
            "att_dst2": att_dst2, "b2": b2}


def _gat_conv(x, src, dst, W, att_src, att_dst, bias, heads, out_ch, concat):
    n = x.shape[0]
    h = (x @ W).reshape(n, heads, out_ch)
    a_src = jnp.sum(h * att_src[None, :, :], axis=-1)  # [N, H]
    a_dst = jnp.sum(h * att_dst[None, :, :], axis=-1)  # [N, H]
    alpha = a_src[src] + a_dst[dst]                    # [E, H]
    alpha = jax.nn.leaky_relu(alpha, negative_slope=0.2)
    amax = jax.ops.segment_max(alpha, dst, num_segments=n)
    amax = jnp.where(jnp.isfinite(amax), amax, 0.0)
    expa = jnp.exp(alpha - amax[dst])
    denom = jax.ops.segment_sum(expa, dst, num_segments=n)
    attn = expa / (denom[dst] + 1e-16)                 # [E, H] (dropout is no-op in eval)
    msg = h[src] * attn[:, :, None]                    # [E, H, C]
    out = jax.ops.segment_sum(msg, dst, num_segments=n)  # [N, H, C]
    if concat:
        out = out.reshape(n, heads * out_ch)
    else:
        out = out.mean(axis=1)
    return out + bias, attn


def reference(x, edge_index, W1, att_src1, att_dst1, b1, W2, att_src2, att_dst2, b2):
    src = edge_index[0]
    dst = edge_index[1]
    # eval mode: feature dropout is identity
    h, _attn1 = _gat_conv(x, src, dst, W1, att_src1, att_dst1, b1, H1, HID, True)
    h = jax.nn.elu(h)
    out, _attn2 = _gat_conv(h, src, dst, W2, att_src2, att_dst2, b2, H2, OUT_CH, False)
    return jax.nn.log_softmax(out, axis=1)

if __name__ == "__main__":
    import jax
    _d = setup_inputs()
    print(jax.jit(kernel)(*tuple(_d.values())))

</pallas_src>

<mosaic_0001>
#map = affine_map<(d0, d1) -> (0, 0)>
#map1 = affine_map<(d0, d1) -> (0)>
#map2 = affine_map<(d0, d1) -> (0, 0, 0)>
module attributes {stable_mosaic.version = 14 : i64} {
  func.func @body(%arg0: i32, %arg1: i32, %arg2: memref<10000x144xf32, #tpu.memory_space<hbm>>, %arg3: memref<10000x16xf32, #tpu.memory_space<hbm>>, %arg4: memref<320000xi32, #tpu.memory_space<hbm>>, %arg5: memref<4000x80xi32, #tpu.memory_space<hbm>>, %arg6: memref<1x16xf32, #tpu.memory_space<hbm>>, %arg7: memref<10240x144xf32, #tpu.memory_space<hbm>>, %arg8: memref<2x10240x144xf32, #tpu.memory_space<hbm>>, %arg9: memref<10240x144xf32, #tpu.memory_space<vmem_shared>>, %arg10: memref<125x80xi32, #tpu.memory_space<vmem>>, %arg11: memref<80xi32, #tpu.memory_space<vmem>>, %arg12: memref<80xi32, #tpu.memory_space<vmem>>, %arg13: memref<80x144xf32, #tpu.memory_space<vmem>>, %arg14: memref<80x144xf32, #tpu.memory_space<vmem>>, %arg15: memref<80x16xf32, #tpu.memory_space<vmem>>, %arg16: memref<80x16xf32, #tpu.memory_space<vmem>>, %arg17: memref<16xf32, #tpu.memory_space<vmem>>, %arg18: memref<!tpu.dma_semaphore, #tpu.memory_space<semaphore_mem>>, %arg19: memref<!tpu.dma_semaphore, #tpu.memory_space<semaphore_mem>>, %arg20: memref<!tpu.dma_semaphore, #tpu.memory_space<semaphore_mem>>, %arg21: memref<!tpu.dma_semaphore, #tpu.memory_space<semaphore_mem>>, %arg22: memref<!tpu.dma_semaphore, #tpu.memory_space<semaphore_mem>>, %arg23: memref<!tpu.dma_semaphore, #tpu.memory_space<semaphore_mem>>, %arg24: memref<!tpu.dma_semaphore, #tpu.memory_space<semaphore_mem>>, %arg25: memref<!tpu.dma_semaphore, #tpu.memory_space<semaphore_mem>>) attributes {dimension_semantics = [#tpu.dimension_semantics<core_parallel>, #tpu.dimension_semantics<subcore_parallel>], iteration_bounds = array<i64: 2, 16>, scalar_prefetch = 0 : i64, scratch_operands = 17 : i64, tpu.core_type = #tpu.core_type<sc_vector_subcore>, window_params = [{transform_indices = #map}, {transform_indices = #map}, {transform_indices = #map1}, {transform_indices = #map}, {transform_indices = #map}, {transform_indices = #map}, {transform_indices = #map2}]} {
    %mul3A = arith.constant 16 : i32
    %mul3A_0 = arith.muli %arg0, %mul3A : i32
    %add3A = arith.addi %mul3A_0, %arg1 : i32
    %mul3A_1 = arith.constant 640 : i32
    %mul3A_2 = arith.muli %arg1, %mul3A_1 : i32
    "tpu.region"() ({
      %run_scoped3A_88 = tpu.sem_alloc : memref<!tpu.dma_semaphore, #tpu.memory_space<semaphore_mem>>
      %dma_start3A_89 = arith.constant 0 : i32
      %dma_start3A_90 = tpu.memref_slice %arg9[%mul3A_2, %dma_start3A_89] : memref<10240x144xf32, #tpu.memory_space<vmem_shared>> -> memref<640x144xf32, #tpu.memory_space<vmem_shared>>
      %dma_start3A_91 = arith.constant 0 : i32
      %dma_start3A_92 = tpu.memref_slice %arg7[%mul3A_2, %dma_start3A_91] : memref<10240x144xf32, #tpu.memory_space<hbm>> -> memref<640x144xf32, #tpu.memory_space<hbm>>
      tpu.enqueue_dma source(%dma_start3A_92 : memref<640x144xf32, #tpu.memory_space<hbm>>) target(%dma_start3A_90 : memref<640x144xf32, #tpu.memory_space<vmem_shared>>) target_semaphore(%run_scoped3A_88 : memref<!tpu.dma_semaphore, #tpu.memory_space<semaphore_mem>>)
      %dma_wait3A_93 = arith.constant 0 : i32
      %dma_wait3A_94 = tpu.memref_slice %arg9[%mul3A_2, %dma_wait3A_93] : memref<10240x144xf32, #tpu.memory_space<vmem_shared>> -> memref<640x144xf32, #tpu.memory_space<vmem_shared>>
      %dma_wait3A_95 = arith.constant 0 : i32
      %dma_wait3A_96 = tpu.memref_slice %arg7[%mul3A_2, %dma_wait3A_95] : memref<10240x144xf32, #tpu.memory_space<hbm>> -> memref<640x144xf32, #tpu.memory_space<hbm>>
      tpu.wait_dma2 semaphore(%run_scoped3A_88 : memref<!tpu.dma_semaphore, #tpu.memory_space<semaphore_mem>>) src(%dma_wait3A_96 : memref<640x144xf32, #tpu.memory_space<hbm>>) dst(%dma_wait3A_94 : memref<640x144xf32, #tpu.memory_space<vmem_shared>>)
      tpu.yield
    }) : () -> ()
    %run_scoped3A = arith.constant 0 : i32
    "tpu.region"() ({
      %run_scoped3A_88 = tpu.sem_alloc : memref<!tpu.dma_semaphore, #tpu.memory_space<semaphore_mem>>
      %dma_start3A_89 = arith.constant 0 : i32
      %dma_start3A_90 = tpu.memref_slice %arg6[%run_scoped3A, %dma_start3A_89] : memref<1x16xf32, #tpu.memory_space<hbm>> -> memref<1x16xf32, #tpu.memory_space<hbm>>
      %dma_start3A_91 = tpu.memref_squeeze %dma_start3A_90 : memref<1x16xf32, #tpu.memory_space<hbm>> -> memref<16xf32, #tpu.memory_space<hbm>>
      %dma_start3A_92 = arith.constant 0 : i32
      %dma_start3A_93 = tpu.memref_slice %arg6[%run_scoped3A, %dma_start3A_92] : memref<1x16xf32, #tpu.memory_space<hbm>> -> memref<1x16xf32, #tpu.memory_space<hbm>>
      %dma_start3A_94 = tpu.memref_squeeze %dma_start3A_93 : memref<1x16xf32, #tpu.memory_space<hbm>> -> memref<16xf32, #tpu.memory_space<hbm>>
      tpu.enqueue_dma source(%dma_start3A_94 : memref<16xf32, #tpu.memory_space<hbm>>) target(%arg17 : memref<16xf32, #tpu.memory_space<vmem>>) target_semaphore(%run_scoped3A_88 : memref<!tpu.dma_semaphore, #tpu.memory_space<semaphore_mem>>)
      %dma_wait3A_95 = arith.constant 0 : i32
      %dma_wait3A_96 = tpu.memref_slice %arg6[%run_scoped3A, %dma_wait3A_95] : memref<1x16xf32, #tpu.memory_space<hbm>> -> memref<1x16xf32, #tpu.memory_space<hbm>>
      %dma_wait3A_97 = tpu.memref_squeeze %dma_wait3A_96 : memref<1x16xf32, #tpu.memory_space<hbm>> -> memref<16xf32, #tpu.memory_space<hbm>>
      %dma_wait3A_98 = arith.constant 0 : i32
      %dma_wait3A_99 = tpu.memref_slice %arg6[%run_scoped3A, %dma_wait3A_98] : memref<1x16xf32, #tpu.memory_space<hbm>> -> memref<1x16xf32, #tpu.memory_space<hbm>>
      %dma_wait3A_100 = tpu.memref_squeeze %dma_wait3A_99 : memref<1x16xf32, #tpu.memory_space<hbm>> -> memref<16xf32, #tpu.memory_space<hbm>>
      tpu.wait_dma2 semaphore(%run_scoped3A_88 : memref<!tpu.dma_semaphore, #tpu.memory_space<semaphore_mem>>) src(%dma_wait3A_100 : memref<16xf32, #tpu.memory_space<hbm>>) dst(%arg17 : memref<16xf32, #tpu.memory_space<vmem>>)
      tpu.yield
    }) : () -> ()
    %mul3A_3 = arith.constant 125 : i32
    %mul3A_4 = arith.muli %add3A, %mul3A_3 : i32
    "tpu.region"() ({
      %run_scoped3A_88 = tpu.sem_alloc : memref<!tpu.dma_semaphore, #tpu.memory_space<semaphore_mem>>
      %dma_start3A_89 = arith.constant 0 : i32
      %dma_start3A_90 = tpu.memref_slice %arg5[%mul3A_4, %dma_start3A_89] : memref<4000x80xi32, #tpu.memory_space<hbm>> -> memref<125x80xi32, #tpu.memory_space<hbm>>
      %dma_start3A_91 = arith.constant 0 : i32
      %dma_start3A_92 = tpu.memref_slice %arg5[%mul3A_4, %dma_start3A_91] : memref<4000x80xi32, #tpu.memory_space<hbm>> -> memref<125x80xi32, #tpu.memory_space<hbm>>
      tpu.enqueue_dma source(%dma_start3A_92 : memref<125x80xi32, #tpu.memory_space<hbm>>) target(%arg10 : memref<125x80xi32, #tpu.memory_space<vmem>>) target_semaphore(%run_scoped3A_88 : memref<!tpu.dma_semaphore, #tpu.memory_space<semaphore_mem>>)
      %dma_wait3A_93 = arith.constant 0 : i32
      %dma_wait3A_94 = tpu.memref_slice %arg5[%mul3A_4, %dma_wait3A_93] : memref<4000x80xi32, #tpu.memory_space<hbm>> -> memref<125x80xi32, #tpu.memory_space<hbm>>
      %dma_wait3A_95 = arith.constant 0 : i32
      %dma_wait3A_96 = tpu.memref_slice %arg5[%mul3A_4, %dma_wait3A_95] : memref<4000x80xi32, #tpu.memory_space<hbm>> -> memref<125x80xi32, #tpu.memory_space<hbm>>
      tpu.wait_dma2 semaphore(%run_scoped3A_88 : memref<!tpu.dma_semaphore, #tpu.memory_space<semaphore_mem>>) src(%dma_wait3A_96 : memref<125x80xi32, #tpu.memory_space<hbm>>) dst(%arg10 : memref<125x80xi32, #tpu.memory_space<vmem>>)
      tpu.yield
    }) : () -> ()
    %barrier3A = arith.constant 0 : index
    tpu.barrier barrier_id(%barrier3A)
    %get3A = arith.constant 0 : index
    %get3A_5 = tpu.vector_load %arg17[%get3A] {strides = array<i32>} : memref<16xf32, #tpu.memory_space<vmem>>, vector<16xf32>,
    %get3A_6 = vector.shape_cast %get3A_5 : vector<16xf32> to vector<16xf32>
    %mul3A_7 = arith.constant 10000 : i32
    %mul3A_8 = arith.muli %add3A, %mul3A_7 : i32
    %add3A_9 = arith.constant 0 : i32
    %add3A_10 = arith.addi %mul3A_8, %add3A_9 : i32
    %dma_start3A = tpu.memref_slice %arg4[%add3A_10] : memref<320000xi32, #tpu.memory_space<hbm>> -> memref<80xi32, #tpu.memory_space<hbm>>
    %dma_start3A_11 = tpu.memref_slice %arg4[%add3A_10] : memref<320000xi32, #tpu.memory_space<hbm>> -> memref<80xi32, #tpu.memory_space<hbm>>
    tpu.enqueue_dma source(%dma_start3A_11 : memref<80xi32, #tpu.memory_space<hbm>>) target(%arg11 : memref<80xi32, #tpu.memory_space<vmem>>) target_semaphore(%arg21 : memref<!tpu.dma_semaphore, #tpu.memory_space<semaphore_mem>>)
    %mul3A_12 = arith.constant 10000 : i32
    %mul3A_13 = arith.muli %add3A, %mul3A_12 : i32
    %add3A_14 = arith.constant 80 : i32
    %add3A_15 = arith.addi %mul3A_13, %add3A_14 : i32
    %dma_start3A_16 = tpu.memref_slice %arg4[%add3A_15] : memref<320000xi32, #tpu.memory_space<hbm>> -> memref<80xi32, #tpu.memory_space<hbm>>
    %dma_start3A_17 = tpu.memref_slice %arg4[%add3A_15] : memref<320000xi32, #tpu.memory_space<hbm>> -> memref<80xi32, #tpu.memory_space<hbm>>
    tpu.enqueue_dma source(%dma_start3A_17 : memref<80xi32, #tpu.memory_space<hbm>>) target(%arg12 : memref<80xi32, #tpu.memory_space<vmem>>) target_semaphore(%arg25 : memref<!tpu.dma_semaphore, #tpu.memory_space<semaphore_mem>>)
    %mul3A_18 = arith.constant 10000 : i32
    %mul3A_19 = arith.muli %add3A, %mul3A_18 : i32
    %add3A_20 = arith.constant 0 : i32
    %add3A_21 = arith.addi %mul3A_19, %add3A_20 : i32
    %dma_wait3A = tpu.memref_slice %arg4[%add3A_21] : memref<320000xi32, #tpu.memory_space<hbm>> -> memref<80xi32, #tpu.memory_space<hbm>>
    %dma_wait3A_22 = tpu.memref_slice %arg4[%add3A_21] : memref<320000xi32, #tpu.memory_space<hbm>> -> memref<80xi32, #tpu.memory_space<hbm>>
    tpu.wait_dma2 semaphore(%arg21 : memref<!tpu.dma_semaphore, #tpu.memory_space<semaphore_mem>>) src(%dma_wait3A_22 : memref<80xi32, #tpu.memory_space<hbm>>) dst(%arg11 : memref<80xi32, #tpu.memory_space<vmem>>)
    %dma_start3A_23 = arith.constant 0 : i32
    %dma_start3A_24 = arith.constant 0 : i32
    %dma_start3A_25 = tpu.memref_slice %arg2[%dma_start3A_23, %dma_start3A_24] : memref<10000x144xf32, #tpu.memory_space<hbm>> -> memref<10000x144xf32, #tpu.memory_space<hbm>>
    tpu.enqueue_indirect_dma source(%dma_start3A_25 : memref<10000x144xf32, #tpu.memory_space<hbm>>) target(%arg13 : memref<80x144xf32, #tpu.memory_space<vmem>>) offsets(%arg11 : memref<80xi32, #tpu.memory_space<vmem>>) semaphore(%arg18 : memref<!tpu.dma_semaphore, #tpu.memory_space<semaphore_mem>>)
    %dma_start3A_26 = arith.constant 0 : i32
    %dma_start3A_27 = arith.constant 0 : i32
    %dma_start3A_28 = tpu.memref_slice %arg10[%dma_start3A_26, %dma_start3A_27] : memref<125x80xi32, #tpu.memory_space<vmem>> -> memref<1x80xi32, #tpu.memory_space<vmem>>
    %dma_start3A_29 = tpu.memref_squeeze %dma_start3A_28 : memref<1x80xi32, #tpu.memory_space<vmem>> -> memref<80xi32, #tpu.memory_space<vmem>>
    %dma_start3A_30 = arith.constant 0 : i32
    %dma_start3A_31 = arith.constant 0 : i32
    %dma_start3A_32 = tpu.memref_slice %arg3[%dma_start3A_30, %dma_start3A_31] : memref<10000x16xf32, #tpu.memory_space<hbm>> -> memref<10000x16xf32, #tpu.memory_space<hbm>>
    tpu.enqueue_indirect_dma source(%dma_start3A_32 : memref<10000x16xf32, #tpu.memory_space<hbm>>) target(%arg15 : memref<80x16xf32, #tpu.memory_space<vmem>>) offsets(%dma_start3A_29 : memref<80xi32, #tpu.memory_space<vmem>>) semaphore(%arg19 : memref<!tpu.dma_semaphore, #tpu.memory_space<semaphore_mem>>)
    %mul3A_33 = arith.constant 10000 : i32
    %mul3A_34 = arith.muli %add3A, %mul3A_33 : i32
    %add3A_35 = arith.constant 80 : i32
    %add3A_36 = arith.addi %mul3A_34, %add3A_35 : i32
    %dma_wait3A_37 = tpu.memref_slice %arg4[%add3A_36] : memref<320000xi32, #tpu.memory_space<hbm>> -> memref<80xi32, #tpu.memory_space<hbm>>
    %dma_wait3A_38 = tpu.memref_slice %arg4[%add3A_36] : memref<320000xi32, #tpu.memory_space<hbm>> -> memref<80xi32, #tpu.memory_space<hbm>>
    tpu.wait_dma2 semaphore(%arg25 : memref<!tpu.dma_semaphore, #tpu.memory_space<semaphore_mem>>) src(%dma_wait3A_38 : memref<80xi32, #tpu.memory_space<hbm>>) dst(%arg12 : memref<80xi32, #tpu.memory_space<vmem>>)
    %dma_start3A_39 = arith.constant 0 : i32
    %dma_start3A_40 = arith.constant 0 : i32
    %dma_start3A_41 = tpu.memref_slice %arg2[%dma_start3A_39, %dma_start3A_40] : memref<10000x144xf32, #tpu.memory_space<hbm>> -> memref<10000x144xf32, #tpu.memory_space<hbm>>
    tpu.enqueue_indirect_dma source(%dma_start3A_41 : memref<10000x144xf32, #tpu.memory_space<hbm>>) target(%arg14 : memref<80x144xf32, #tpu.memory_space<vmem>>) offsets(%arg12 : memref<80xi32, #tpu.memory_space<vmem>>) semaphore(%arg22 : memref<!tpu.dma_semaphore, #tpu.memory_space<semaphore_mem>>)
    %dma_start3A_42 = arith.constant 1 : i32
    %dma_start3A_43 = arith.constant 0 : i32
    %dma_start3A_44 = tpu.memref_slice %arg10[%dma_start3A_42, %dma_start3A_43] : memref<125x80xi32, #tpu.memory_space<vmem>> -> memref<1x80xi32, #tpu.memory_space<vmem>>
    %dma_start3A_45 = tpu.memref_squeeze %dma_start3A_44 : memref<1x80xi32, #tpu.memory_space<vmem>> -> memref<80xi32, #tpu.memory_space<vmem>>
    %dma_start3A_46 = arith.constant 0 : i32
    %dma_start3A_47 = arith.constant 0 : i32
    %dma_start3A_48 = tpu.memref_slice %arg3[%dma_start3A_46, %dma_start3A_47] : memref<10000x16xf32, #tpu.memory_space<hbm>> -> memref<10000x16xf32, #tpu.memory_space<hbm>>
    tpu.enqueue_indirect_dma source(%dma_start3A_48 : memref<10000x16xf32, #tpu.memory_space<hbm>>) target(%arg16 : memref<80x16xf32, #tpu.memory_space<vmem>>) offsets(%dma_start3A_45 : memref<80xi32, #tpu.memory_space<vmem>>) semaphore(%arg23 : memref<!tpu.dma_semaphore, #tpu.memory_space<semaphore_mem>>)
    %scan3A = arith.constant 0 : i32
    %scan3A_49 = arith.constant 0 : i32
    %scan3A_50 = arith.constant 62 : i32
    %scan3A_51 = arith.addi %scan3A_49, %scan3A_50 : i32
    %scan3A_52 = arith.constant 1 : i32
    scf.for %scan3A_88 = %scan3A_49 to %scan3A_51 step %scan3A_52  : i32 {
      %mul3A_89 = arith.constant 2 : i32
      %mul3A_90 = arith.muli %mul3A_89, %scan3A_88 : i32
      %dma_wait3A_91 = arith.constant 0 : i32
      %dma_wait3A_92 = arith.constant 0 : i32
      %dma_wait3A_93 = tpu.memref_slice %arg2[%dma_wait3A_91, %dma_wait3A_92] : memref<10000x144xf32, #tpu.memory_space<hbm>> -> memref<10000x144xf32, #tpu.memory_space<hbm>>
      tpu.wait_indirect_dma semaphore(%arg18 : memref<!tpu.dma_semaphore, #tpu.memory_space<semaphore_mem>>) src(%dma_wait3A_93 : memref<10000x144xf32, #tpu.memory_space<hbm>>) dst(%arg13 : memref<80x144xf32, #tpu.memory_space<vmem>>)
      %dma_wait3A_94 = arith.constant 0 : i32
      %dma_wait3A_95 = tpu.memref_slice %arg10[%mul3A_90, %dma_wait3A_94] : memref<125x80xi32, #tpu.memory_space<vmem>> -> memref<1x80xi32, #tpu.memory_space<vmem>>
      %dma_wait3A_96 = tpu.memref_squeeze %dma_wait3A_95 : memref<1x80xi32, #tpu.memory_space<vmem>> -> memref<80xi32, #tpu.memory_space<vmem>>
      %dma_wait3A_97 = arith.constant 0 : i32
      %dma_wait3A_98 = arith.constant 0 : i32
      %dma_wait3A_99 = tpu.memref_slice %arg3[%dma_wait3A_97, %dma_wait3A_98] : memref<10000x16xf32, #tpu.memory_space<hbm>> -> memref<10000x16xf32, #tpu.memory_space<hbm>>
      tpu.wait_indirect_dma semaphore(%arg19 : memref<!tpu.dma_semaphore, #tpu.memory_space<semaphore_mem>>) src(%dma_wait3A_99 : memref<10000x16xf32, #tpu.memory_space<hbm>>) dst(%arg15 : memref<80x16xf32, #tpu.memory_space<vmem>>)
      %add3A_100 = arith.constant 2 : i32
      %add3A_101 = arith.addi %mul3A_90, %add3A_100 : i32
      %lt3A = arith.constant 125 : i32
      %lt3A_102 = arith.cmpi slt, %add3A_101, %lt3A : i32
      %convert_element_type3A = arith.extui %lt3A_102 : i1 to i32
      %cond3A = arith.constant 0 : i32
      %cond3A_103 = arith.cmpi ne, %convert_element_type3A, %cond3A : i32
      scf.if %cond3A_103 {
        %add3A_156 = arith.constant 2 : i32
        %add3A_157 = arith.addi %mul3A_90, %add3A_156 : i32
        %mul3A_158 = arith.constant 10000 : i32
        %mul3A_159 = arith.muli %add3A, %mul3A_158 : i32
        %mul3A_160 = arith.constant 80 : i32
        %mul3A_161 = arith.muli %add3A_157, %mul3A_160 : i32
        %add3A_162 = arith.addi %mul3A_159, %mul3A_161 : i32
        %dma_start3A_163 = tpu.memref_slice %arg4[%add3A_162] : memref<320000xi32, #tpu.memory_space<hbm>> -> memref<80xi32, #tpu.memory_space<hbm>>
        %dma_start3A_164 = tpu.memref_slice %arg4[%add3A_162] : memref<320000xi32, #tpu.memory_space<hbm>> -> memref<80xi32, #tpu.memory_space<hbm>>
        tpu.enqueue_dma source(%dma_start3A_164 : memref<80xi32, #tpu.memory_space<hbm>>) target(%arg11 : memref<80xi32, #tpu.memory_space<vmem>>) target_semaphore(%arg21 : memref<!tpu.dma_semaphore, #tpu.memory_space<semaphore_mem>>)
      } else {
      }
      %parallel_loop3A_104 = arith.constant 0 : i32
      %parallel_loop3A_105 = arith.constant 80 : i32
      %parallel_loop3A_106 = arith.constant 1 : i32
      scf.for %parallel_loop3A_156 = %parallel_loop3A_104 to %parallel_loop3A_105 step %parallel_loop3A_106  : i32 {
        %parallel_loop3A_157 = arith.index_cast %parallel_loop3A_156 : i32 to index
        %parallel_loop3A_158 = arith.constant 128 : index
        %parallel_loop3A_159 = tpu.vector_load %arg13[%parallel_loop3A_157, %parallel_loop3A_158] {strides = array<i32>} : memref<80x144xf32, #tpu.memory_space<vmem>>, vector<1x16xf32>,
        %parallel_loop3A_160 = vector.shape_cast %parallel_loop3A_159 : vector<1x16xf32> to vector<16xf32>
        %parallel_loop3A_161 = arith.index_cast %parallel_loop3A_156 : i32 to index
        %parallel_loop3A_162 = arith.constant 0 : index
        %parallel_loop3A_163 = tpu.vector_load %arg15[%parallel_loop3A_161, %parallel_loop3A_162] {strides = array<i32>} : memref<80x16xf32, #tpu.memory_space<vmem>>, vector<1x16xf32>,
        %parallel_loop3A_164 = vector.shape_cast %parallel_loop3A_163 : vector<1x16xf32> to vector<16xf32>
        %parallel_loop3A_165 = arith.addf %parallel_loop3A_160, %parallel_loop3A_164 : vector<16xf32>
        %parallel_loop3A_166 = arith.constant 0.000000e+00 : f32
        %parallel_loop3A_167 = vector.broadcast %parallel_loop3A_166 : f32 to vector<16xf32>
        %parallel_loop3A_168 = arith.cmpf oge, %parallel_loop3A_165, %parallel_loop3A_167 : vector<16xf32>
        %parallel_loop3A_169 = arith.constant 2.000000e-01 : f32
        %parallel_loop3A_170 = vector.broadcast %parallel_loop3A_169 : f32 to vector<16xf32>
        %parallel_loop3A_171 = arith.mulf %parallel_loop3A_165, %parallel_loop3A_170 : vector<16xf32>
        %parallel_loop3A_172 = arith.select %parallel_loop3A_168, %parallel_loop3A_165, %parallel_loop3A_171 : vector<16xi1>, vector<16xf32>
        %parallel_loop3A_173 = arith.subf %parallel_loop3A_172, %get3A_6 : vector<16xf32>
        %parallel_loop3A_174 = math.exp %parallel_loop3A_173 : vector<16xf32>
        %parallel_loop3A_175 = arith.index_cast %parallel_loop3A_156 : i32 to index
        %parallel_loop3A_176 = arith.constant 0 : index
        %parallel_loop3A_177 = tpu.vector_load %arg13[%parallel_loop3A_175, %parallel_loop3A_176] {strides = array<i32>} : memref<80x144xf32, #tpu.memory_space<vmem>>, vector<1x16xf32>,
        %parallel_loop3A_178 = vector.shape_cast %parallel_loop3A_177 : vector<1x16xf32> to vector<16xf32>
        %parallel_loop3A_179 = vector.extract_strided_slice %parallel_loop3A_174 {offsets = [0], sizes = [1], strides = [1]} : vector<16xf32> to vector<1xf32>
        %parallel_loop3A_180 = vector.extract %parallel_loop3A_179[0] : f32 from vector<1xf32>
        %parallel_loop3A_181 = vector.broadcast %parallel_loop3A_180 : f32 to vector<16xf32>
        %parallel_loop3A_182 = arith.mulf %parallel_loop3A_178, %parallel_loop3A_181 : vector<16xf32>
        %parallel_loop3A_183 = arith.index_cast %parallel_loop3A_156 : i32 to index
        %parallel_loop3A_184 = arith.constant 0 : index
        %parallel_loop3A_185 = tpu.vector_load %arg13[%parallel_loop3A_183, %parallel_loop3A_184] {strides = array<i32>} : memref<80x144xf32, #tpu.memory_space<vmem>>, vector<1x16xf32>,
        %parallel_loop3A_186 = vector.shape_cast %parallel_loop3A_185 : vector<1x16xf32> to vector<16xf32>
        %parallel_loop3A_187 = vector.shape_cast %parallel_loop3A_182 : vector<16xf32> to vector<1x16xf32>
        tpu.vector_store %arg13[%parallel_loop3A_183, %parallel_loop3A_184], %parallel_loop3A_187 {strides = array<i32>} : memref<80x144xf32, #tpu.memory_space<vmem>>, vector<1x16xf32>,
        %parallel_loop3A_188 = arith.index_cast %parallel_loop3A_156 : i32 to index
        %parallel_loop3A_189 = arith.constant 16 : index
        %parallel_loop3A_190 = tpu.vector_load %arg13[%parallel_loop3A_188, %parallel_loop3A_189] {strides = array<i32>} : memref<80x144xf32, #tpu.memory_space<vmem>>, vector<1x16xf32>,
        %parallel_loop3A_191 = vector.shape_cast %parallel_loop3A_190 : vector<1x16xf32> to vector<16xf32>
        %parallel_loop3A_192 = vector.extract_strided_slice %parallel_loop3A_174 {offsets = [1], sizes = [1], strides = [1]} : vector<16xf32> to vector<1xf32>
        %parallel_loop3A_193 = vector.extract %parallel_loop3A_192[0] : f32 from vector<1xf32>
        %parallel_loop3A_194 = vector.broadcast %parallel_loop3A_193 : f32 to vector<16xf32>
        %parallel_loop3A_195 = arith.mulf %parallel_loop3A_191, %parallel_loop3A_194 : vector<16xf32>
        %parallel_loop3A_196 = arith.index_cast %parallel_loop3A_156 : i32 to index
        %parallel_loop3A_197 = arith.constant 16 : index
        %parallel_loop3A_198 = tpu.vector_load %arg13[%parallel_loop3A_196, %parallel_loop3A_197] {strides = array<i32>} : memref<80x144xf32, #tpu.memory_space<vmem>>, vector<1x16xf32>,
        %parallel_loop3A_199 = vector.shape_cast %parallel_loop3A_198 : vector<1x16xf32> to vector<16xf32>
        %parallel_loop3A_200 = vector.shape_cast %parallel_loop3A_195 : vector<16xf32> to vector<1x16xf32>
        tpu.vector_store %arg13[%parallel_loop3A_196, %parallel_loop3A_197], %parallel_loop3A_200 {strides = array<i32>} : memref<80x144xf32, #tpu.memory_space<vmem>>, vector<1x16xf32>,
        %parallel_loop3A_201 = arith.index_cast %parallel_loop3A_156 : i32 to index
        %parallel_loop3A_202 = arith.constant 32 : index
        %parallel_loop3A_203 = tpu.vector_load %arg13[%parallel_loop3A_201, %parallel_loop3A_202] {strides = array<i32>} : memref<80x144xf32, #tpu.memory_space<vmem>>, vector<1x16xf32>,
        %parallel_loop3A_204 = vector.shape_cast %parallel_loop3A_203 : vector<1x16xf32> to vector<16xf32>
        %parallel_loop3A_205 = vector.extract_strided_slice %parallel_loop3A_174 {offsets = [2], sizes = [1], strides = [1]} : vector<16xf32> to vector<1xf32>
        %parallel_loop3A_206 = vector.extract %parallel_loop3A_205[0] : f32 from vector<1xf32>
        %parallel_loop3A_207 = vector.broadcast %parallel_loop3A_206 : f32 to vector<16xf32>
        %parallel_loop3A_208 = arith.mulf %parallel_loop3A_204, %parallel_loop3A_207 : vector<16xf32>
        %parallel_loop3A_209 = arith.index_cast %parallel_loop3A_156 : i32 to index
        %parallel_loop3A_210 = arith.constant 32 : index
        %parallel_loop3A_211 = tpu.vector_load %arg13[%parallel_loop3A_209, %parallel_loop3A_210] {strides = array<i32>} : memref<80x144xf32, #tpu.memory_space<vmem>>, vector<1x16xf32>,
        %parallel_loop3A_212 = vector.shape_cast %parallel_loop3A_211 : vector<1x16xf32> to vector<16xf32>
        %parallel_loop3A_213 = vector.shape_cast %parallel_loop3A_208 : vector<16xf32> to vector<1x16xf32>
        tpu.vector_store %arg13[%parallel_loop3A_209, %parallel_loop3A_210], %parallel_loop3A_213 {strides = array<i32>} : memref<80x144xf32, #tpu.memory_space<vmem>>, vector<1x16xf32>,
        %parallel_loop3A_214 = arith.index_cast %parallel_loop3A_156 : i32 to index
        %parallel_loop3A_215 = arith.constant 48 : index
        %parallel_loop3A_216 = tpu.vector_load %arg13[%parallel_loop3A_214, %parallel_loop3A_215] {strides = array<i32>} : memref<80x144xf32, #tpu.memory_space<vmem>>, vector<1x16xf32>,
        %parallel_loop3A_217 = vector.shape_cast %parallel_loop3A_216 : vector<1x16xf32> to vector<16xf32>
        %parallel_loop3A_218 = vector.extract_strided_slice %parallel_loop3A_174 {offsets = [3], sizes = [1], strides = [1]} : vector<16xf32> to vector<1xf32>
        %parallel_loop3A_219 = vector.extract %parallel_loop3A_218[0] : f32 from vector<1xf32>
        %parallel_loop3A_220 = vector.broadcast %parallel_loop3A_219 : f32 to vector<16xf32>
        %parallel_loop3A_221 = arith.mulf %parallel_loop3A_217, %parallel_loop3A_220 : vector<16xf32>
        %parallel_loop3A_222 = arith.index_cast %parallel_loop3A_156 : i32 to index
        %parallel_loop3A_223 = arith.constant 48 : index
        %parallel_loop3A_224 = tpu.vector_load %arg13[%parallel_loop3A_222, %parallel_loop3A_223] {strides = array<i32>} : memref<80x144xf32, #tpu.memory_space<vmem>>, vector<1x16xf32>,
        %parallel_loop3A_225 = vector.shape_cast %parallel_loop3A_224 : vector<1x16xf32> to vector<16xf32>
        %parallel_loop3A_226 = vector.shape_cast %parallel_loop3A_221 : vector<16xf32> to vector<1x16xf32>
        tpu.vector_store %arg13[%parallel_loop3A_222, %parallel_loop3A_223], %parallel_loop3A_226 {strides = array<i32>} : memref<80x144xf32, #tpu.memory_space<vmem>>, vector<1x16xf32>,
        %parallel_loop3A_227 = arith.index_cast %parallel_loop3A_156 : i32 to index
        %parallel_loop3A_228 = arith.constant 64 : index
        %parallel_loop3A_229 = tpu.vector_load %arg13[%parallel_loop3A_227, %parallel_loop3A_228] {strides = array<i32>} : memref<80x144xf32, #tpu.memory_space<vmem>>, vector<1x16xf32>,
        %parallel_loop3A_230 = vector.shape_cast %parallel_loop3A_229 : vector<1x16xf32> to vector<16xf32>
        %parallel_loop3A_231 = vector.extract_strided_slice %parallel_loop3A_174 {offsets = [4], sizes = [1], strides = [1]} : vector<16xf32> to vector<1xf32>
        %parallel_loop3A_232 = vector.extract %parallel_loop3A_231[0] : f32 from vector<1xf32>
        %parallel_loop3A_233 = vector.broadcast %parallel_loop3A_232 : f32 to vector<16xf32>
        %parallel_loop3A_234 = arith.mulf %parallel_loop3A_230, %parallel_loop3A_233 : vector<16xf32>
        %parallel_loop3A_235 = arith.index_cast %parallel_loop3A_156 : i32 to index
        %parallel_loop3A_236 = arith.constant 64 : index
        %parallel_loop3A_237 = tpu.vector_load %arg13[%parallel_loop3A_235, %parallel_loop3A_236] {strides = array<i32>} : memref<80x144xf32, #tpu.memory_space<vmem>>, vector<1x16xf32>,
        %parallel_loop3A_238 = vector.shape_cast %parallel_loop3A_237 : vector<1x16xf32> to vector<16xf32>
        %parallel_loop3A_239 = vector.shape_cast %parallel_loop3A_234 : vector<16xf32> to vector<1x16xf32>
        tpu.vector_store %arg13[%parallel_loop3A_235, %parallel_loop3A_236], %parallel_loop3A_239 {strides = array<i32>} : memref<80x144xf32, #tpu.memory_space<vmem>>, vector<1x16xf32>,
        %parallel_loop3A_240 = arith.index_cast %parallel_loop3A_156 : i32 to index
        %parallel_loop3A_241 = arith.constant 80 : index
        %parallel_loop3A_242 = tpu.vector_load %arg13[%parallel_loop3A_240, %parallel_loop3A_241] {strides = array<i32>} : memref<80x144xf32, #tpu.memory_space<vmem>>, vector<1x16xf32>,
        %parallel_loop3A_243 = vector.shape_cast %parallel_loop3A_242 : vector<1x16xf32> to vector<16xf32>
        %parallel_loop3A_244 = vector.extract_strided_slice %parallel_loop3A_174 {offsets = [5], sizes = [1], strides = [1]} : vector<16xf32> to vector<1xf32>
        %parallel_loop3A_245 = vector.extract %parallel_loop3A_244[0] : f32 from vector<1xf32>
        %parallel_loop3A_246 = vector.broadcast %parallel_loop3A_245 : f32 to vector<16xf32>
        %parallel_loop3A_247 = arith.mulf %parallel_loop3A_243, %parallel_loop3A_246 : vector<16xf32>
        %parallel_loop3A_248 = arith.index_cast %parallel_loop3A_156 : i32 to index
        %parallel_loop3A_249 = arith.constant 80 : index
        %parallel_loop3A_250 = tpu.vector_load %arg13[%parallel_loop3A_248, %parallel_loop3A_249] {strides = array<i32>} : memref<80x144xf32, #tpu.memory_space<vmem>>, vector<1x16xf32>,
        %parallel_loop3A_251 = vector.shape_cast %parallel_loop3A_250 : vector<1x16xf32> to vector<16xf32>
        %parallel_loop3A_252 = vector.shape_cast %parallel_loop3A_247 : vector<16xf32> to vector<1x16xf32>
        tpu.vector_store %arg13[%parallel_loop3A_248, %parallel_loop3A_249], %parallel_loop3A_252 {strides = array<i32>} : memref<80x144xf32, #tpu.memory_space<vmem>>, vector<1x16xf32>,
        %parallel_loop3A_253 = arith.index_cast %parallel_loop3A_156 : i32 to index
        %parallel_loop3A_254 = arith.constant 96 : index
        %parallel_loop3A_255 = tpu.vector_load %arg13[%parallel_loop3A_253, %parallel_loop3A_254] {strides = array<i32>} : memref<80x144xf32, #tpu.memory_space<vmem>>, vector<1x16xf32>,
        %parallel_loop3A_256 = vector.shape_cast %parallel_loop3A_255 : vector<1x16xf32> to vector<16xf32>
        %parallel_loop3A_257 = vector.extract_strided_slice %parallel_loop3A_174 {offsets = [6], sizes = [1], strides = [1]} : vector<16xf32> to vector<1xf32>
        %parallel_loop3A_258 = vector.extract %parallel_loop3A_257[0] : f32 from vector<1xf32>
        %parallel_loop3A_259 = vector.broadcast %parallel_loop3A_258 : f32 to vector<16xf32>
        %parallel_loop3A_260 = arith.mulf %parallel_loop3A_256, %parallel_loop3A_259 : vector<16xf32>
        %parallel_loop3A_261 = arith.index_cast %parallel_loop3A_156 : i32 to index
        %parallel_loop3A_262 = arith.constant 96 : index
        %parallel_loop3A_263 = tpu.vector_load %arg13[%parallel_loop3A_261, %parallel_loop3A_262] {strides = array<i32>} : memref<80x144xf32, #tpu.memory_space<vmem>>, vector<1x16xf32>,
        %parallel_loop3A_264 = vector.shape_cast %parallel_loop3A_263 : vector<1x16xf32> to vector<16xf32>
        %parallel_loop3A_265 = vector.shape_cast %parallel_loop3A_260 : vector<16xf32> to vector<1x16xf32>
        tpu.vector_store %arg13[%parallel_loop3A_261, %parallel_loop3A_262], %parallel_loop3A_265 {strides = array<i32>} : memref<80x144xf32, #tpu.memory_space<vmem>>, vector<1x16xf32>,
        %parallel_loop3A_266 = arith.index_cast %parallel_loop3A_156 : i32 to index
        %parallel_loop3A_267 = arith.constant 112 : index
        %parallel_loop3A_268 = tpu.vector_load %arg13[%parallel_loop3A_266, %parallel_loop3A_267] {strides = array<i32>} : memref<80x144xf32, #tpu.memory_space<vmem>>, vector<1x16xf32>,
        %parallel_loop3A_269 = vector.shape_cast %parallel_loop3A_268 : vector<1x16xf32> to vector<16xf32>
        %parallel_loop3A_270 = vector.extract_strided_slice %parallel_loop3A_174 {offsets = [7], sizes = [1], strides = [1]} : vector<16xf32> to vector<1xf32>
        %parallel_loop3A_271 = vector.extract %parallel_loop3A_270[0] : f32 from vector<1xf32>
        %parallel_loop3A_272 = vector.broadcast %parallel_loop3A_271 : f32 to vector<16xf32>
        %parallel_loop3A_273 = arith.mulf %parallel_loop3A_269, %parallel_loop3A_272 : vector<16xf32>
        %parallel_loop3A_274 = arith.index_cast %parallel_loop3A_156 : i32 to index
        %parallel_loop3A_275 = arith.constant 112 : index
        %parallel_loop3A_276 = tpu.vector_load %arg13[%parallel_loop3A_274, %parallel_loop3A_275] {strides = array<i32>} : memref<80x144xf32, #tpu.memory_space<vmem>>, vector<1x16xf32>,
        %parallel_loop3A_277 = vector.shape_cast %parallel_loop3A_276 : vector<1x16xf32> to vector<16xf32>
        %parallel_loop3A_278 = vector.shape_cast %parallel_loop3A_273 : vector<16xf32> to vector<1x16xf32>
        tpu.vector_store %arg13[%parallel_loop3A_274, %parallel_loop3A_275], %parallel_loop3A_278 {strides = array<i32>} : memref<80x144xf32, #tpu.memory_space<vmem>>, vector<1x16xf32>,
        %parallel_loop3A_279 = arith.index_cast %parallel_loop3A_156 : i32 to index
        %parallel_loop3A_280 = arith.constant 128 : index
        %parallel_loop3A_281 = tpu.vector_load %arg13[%parallel_loop3A_279, %parallel_loop3A_280] {strides = array<i32>} : memref<80x144xf32, #tpu.memory_space<vmem>>, vector<1x16xf32>,
        %parallel_loop3A_282 = vector.shape_cast %parallel_loop3A_281 : vector<1x16xf32> to vector<16xf32>
        %parallel_loop3A_283 = vector.shape_cast %parallel_loop3A_174 : vector<16xf32> to vector<1x16xf32>
        tpu.vector_store %arg13[%parallel_loop3A_279, %parallel_loop3A_280], %parallel_loop3A_283 {strides = array<i32>} : memref<80x144xf32, #tpu.memory_space<vmem>>, vector<1x16xf32>,
      } {sc.loop_unroll_factor = 2 : i64, sc.parallel_access}
      %dma_start3A_107 = arith.constant 0 : i32
      %dma_start3A_108 = tpu.memref_slice %arg10[%mul3A_90, %dma_start3A_107] : memref<125x80xi32, #tpu.memory_space<vmem>> -> memref<1x80xi32, #tpu.memory_space<vmem>>
      %dma_start3A_109 = tpu.memref_squeeze %dma_start3A_108 : memref<1x80xi32, #tpu.memory_space<vmem>> -> memref<80xi32, #tpu.memory_space<vmem>>
      %dma_start3A_110 = arith.constant 0 : i32
      %dma_start3A_111 = arith.constant 0 : i32
      %dma_start3A_112 = tpu.memref_slice %arg9[%dma_start3A_110, %dma_start3A_111] : memref<10240x144xf32, #tpu.memory_space<vmem_shared>> -> memref<10240x144xf32, #tpu.memory_space<vmem_shared>>
      tpu.enqueue_indirect_dma source(%arg13 : memref<80x144xf32, #tpu.memory_space<vmem>>) target(%dma_start3A_112 : memref<10240x144xf32, #tpu.memory_space<vmem_shared>>) offsets(%dma_start3A_109 : memref<80xi32, #tpu.memory_space<vmem>>) semaphore(%arg20 : memref<!tpu.dma_semaphore, #tpu.memory_space<semaphore_mem>>) {add = true}
      %add3A_113 = arith.constant 1 : i32
      %add3A_114 = arith.addi %mul3A_90, %add3A_113 : i32
      %dma_wait3A_115 = arith.constant 0 : i32
      %dma_wait3A_116 = arith.constant 0 : i32
      %dma_wait3A_117 = tpu.memref_slice %arg2[%dma_wait3A_115, %dma_wait3A_116] : memref<10000x144xf32, #tpu.memory_space<hbm>> -> memref<10000x144xf32, #tpu.memory_space<hbm>>
      tpu.wait_indirect_dma semaphore(%arg22 : memref<!tpu.dma_semaphore, #tpu.memory_space<semaphore_mem>>) src(%dma_wait3A_117 : memref<10000x144xf32, #tpu.memory_space<hbm>>) dst(%arg14 : memref<80x144xf32, #tpu.memory_space<vmem>>)
      %dma_wait3A_118 = arith.constant 0 : i32
      %dma_wait3A_119 = tpu.memref_slice %arg10[%add3A_114, %dma_wait3A_118] : memref<125x80xi32, #tpu.memory_space<vmem>> -> memref<1x80xi32, #tpu.memory_space<vmem>>
      %dma_wait3A_120 = tpu.memref_squeeze %dma_wait3A_119 : memref<1x80xi32, #tpu.memory_space<vmem>> -> memref<80xi32, #tpu.memory_space<vmem>>
      %dma_wait3A_121 = arith.constant 0 : i32
      %dma_wait3A_122 = arith.constant 0 : i32
      %dma_wait3A_123 = tpu.memref_slice %arg3[%dma_wait3A_121, %dma_wait3A_122] : memref<10000x16xf32, #tpu.memory_space<hbm>> -> memref<10000x16xf32, #tpu.memory_space<hbm>>
      tpu.wait_indirect_dma semaphore(%arg23 : memref<!tpu.dma_semaphore, #tpu.memory_space<semaphore_mem>>) src(%dma_wait3A_123 : memref<10000x16xf32, #tpu.memory_space<hbm>>) dst(%arg16 : memref<80x16xf32, #tpu.memory_space<vmem>>)
      %add3A_124 = arith.constant 3 : i32
      %add3A_125 = arith.addi %mul3A_90, %add3A_124 : i32
      %lt3A_126 = arith.constant 125 : i32
      %lt3A_127 = arith.cmpi slt, %add3A_125, %lt3A_126 : i32
      %convert_element_type3A_128 = arith.extui %lt3A_127 : i1 to i32
      %cond3A_129 = arith.constant 0 : i32
      %cond3A_130 = arith.cmpi ne, %convert_element_type3A_128, %cond3A_129 : i32
      scf.if %cond3A_130 {
        %add3A_156 = arith.constant 3 : i32
        %add3A_157 = arith.addi %mul3A_90, %add3A_156 : i32
        %mul3A_158 = arith.constant 10000 : i32
        %mul3A_159 = arith.muli %add3A, %mul3A_158 : i32
        %mul3A_160 = arith.constant 80 : i32
        %mul3A_161 = arith.muli %add3A_157, %mul3A_160 : i32
        %add3A_162 = arith.addi %mul3A_159, %mul3A_161 : i32
        %dma_start3A_163 = tpu.memref_slice %arg4[%add3A_162] : memref<320000xi32, #tpu.memory_space<hbm>> -> memref<80xi32, #tpu.memory_space<hbm>>
        %dma_start3A_164 = tpu.memref_slice %arg4[%add3A_162] : memref<320000xi32, #tpu.memory_space<hbm>> -> memref<80xi32, #tpu.memory_space<hbm>>
        tpu.enqueue_dma source(%dma_start3A_164 : memref<80xi32, #tpu.memory_space<hbm>>) target(%arg12 : memref<80xi32, #tpu.memory_space<vmem>>) target_semaphore(%arg25 : memref<!tpu.dma_semaphore, #tpu.memory_space<semaphore_mem>>)
      } else {
      }
      %parallel_loop3A_131 = arith.constant 0 : i32
      %parallel_loop3A_132 = arith.constant 80 : i32
      %parallel_loop3A_133 = arith.constant 1 : i32
      scf.for %parallel_loop3A_156 = %parallel_loop3A_131 to %parallel_loop3A_132 step %parallel_loop3A_133  : i32 {
        %parallel_loop3A_157 = arith.index_cast %parallel_loop3A_156 : i32 to index
        %parallel_loop3A_158 = arith.constant 128 : index
        %parallel_loop3A_159 = tpu.vector_load %arg14[%parallel_loop3A_157, %parallel_loop3A_158] {strides = array<i32>} : memref<80x144xf32, #tpu.memory_space<vmem>>, vector<1x16xf32>,
        %parallel_loop3A_160 = vector.shape_cast %parallel_loop3A_159 : vector<1x16xf32> to vector<16xf32>
        %parallel_loop3A_161 = arith.index_cast %parallel_loop3A_156 : i32 to index
        %parallel_loop3A_162 = arith.constant 0 : index
        %parallel_loop3A_163 = tpu.vector_load %arg16[%parallel_loop3A_161, %parallel_loop3A_162] {strides = array<i32>} : memref<80x16xf32, #tpu.memory_space<vmem>>, vector<1x16xf32>,
        %parallel_loop3A_164 = vector.shape_cast %parallel_loop3A_163 : vector<1x16xf32> to vector<16xf32>
        %parallel_loop3A_165 = arith.addf %parallel_loop3A_160, %parallel_loop3A_164 : vector<16xf32>
        %parallel_loop3A_166 = arith.constant 0.000000e+00 : f32
        %parallel_loop3A_167 = vector.broadcast %parallel_loop3A_166 : f32 to vector<16xf32>
        %parallel_loop3A_168 = arith.cmpf oge, %parallel_loop3A_165, %parallel_loop3A_167 : vector<16xf32>
        %parallel_loop3A_169 = arith.constant 2.000000e-01 : f32
        %parallel_loop3A_170 = vector.broadcast %parallel_loop3A_169 : f32 to vector<16xf32>
        %parallel_loop3A_171 = arith.mulf %parallel_loop3A_165, %parallel_loop3A_170 : vector<16xf32>
        %parallel_loop3A_172 = arith.select %parallel_loop3A_168, %parallel_loop3A_165, %parallel_loop3A_171 : vector<16xi1>, vector<16xf32>
        %parallel_loop3A_173 = arith.subf %parallel_loop3A_172, %get3A_6 : vector<16xf32>
        %parallel_loop3A_174 = math.exp %parallel_loop3A_173 : vector<16xf32>
        %parallel_loop3A_175 = arith.index_cast %parallel_loop3A_156 : i32 to index
        %parallel_loop3A_176 = arith.constant 0 : index
        %parallel_loop3A_177 = tpu.vector_load %arg14[%parallel_loop3A_175, %parallel_loop3A_176] {strides = array<i32>} : memref<80x144xf32, #tpu.memory_space<vmem>>, vector<1x16xf32>,
        %parallel_loop3A_178 = vector.shape_cast %parallel_loop3A_177 : vector<1x16xf32> to vector<16xf32>
        %parallel_loop3A_179 = vector.extract_strided_slice %parallel_loop3A_174 {offsets = [0], sizes = [1], strides = [1]} : vector<16xf32> to vector<1xf32>
        %parallel_loop3A_180 = vector.extract %parallel_loop3A_179[0] : f32 from vector<1xf32>
        %parallel_loop3A_181 = vector.broadcast %parallel_loop3A_180 : f32 to vector<16xf32>
        %parallel_loop3A_182 = arith.mulf %parallel_loop3A_178, %parallel_loop3A_181 : vector<16xf32>
        %parallel_loop3A_183 = arith.index_cast %parallel_loop3A_156 : i32 to index
        %parallel_loop3A_184 = arith.constant 0 : index
        %parallel_loop3A_185 = tpu.vector_load %arg14[%parallel_loop3A_183, %parallel_loop3A_184] {strides = array<i32>} : memref<80x144xf32, #tpu.memory_space<vmem>>, vector<1x16xf32>,
        %parallel_loop3A_186 = vector.shape_cast %parallel_loop3A_185 : vector<1x16xf32> to vector<16xf32>
        %parallel_loop3A_187 = vector.shape_cast %parallel_loop3A_182 : vector<16xf32> to vector<1x16xf32>
        tpu.vector_store %arg14[%parallel_loop3A_183, %parallel_loop3A_184], %parallel_loop3A_187 {strides = array<i32>} : memref<80x144xf32, #tpu.memory_space<vmem>>, vector<1x16xf32>,
        %parallel_loop3A_188 = arith.index_cast %parallel_loop3A_156 : i32 to index
        %parallel_loop3A_189 = arith.constant 16 : index
        %parallel_loop3A_190 = tpu.vector_load %arg14[%parallel_loop3A_188, %parallel_loop3A_189] {strides = array<i32>} : memref<80x144xf32, #tpu.memory_space<vmem>>, vector<1x16xf32>,
        %parallel_loop3A_191 = vector.shape_cast %parallel_loop3A_190 : vector<1x16xf32> to vector<16xf32>
        %parallel_loop3A_192 = vector.extract_strided_slice %parallel_loop3A_174 {offsets = [1], sizes = [1], strides = [1]} : vector<16xf32> to vector<1xf32>
        %parallel_loop3A_193 = vector.extract %parallel_loop3A_192[0] : f32 from vector<1xf32>
        %parallel_loop3A_194 = vector.broadcast %parallel_loop3A_193 : f32 to vector<16xf32>
        %parallel_loop3A_195 = arith.mulf %parallel_loop3A_191, %parallel_loop3A_194 : vector<16xf32>
        %parallel_loop3A_196 = arith.index_cast %parallel_loop3A_156 : i32 to index
        %parallel_loop3A_197 = arith.constant 16 : index
        %parallel_loop3A_198 = tpu.vector_load %arg14[%parallel_loop3A_196, %parallel_loop3A_197] {strides = array<i32>} : memref<80x144xf32, #tpu.memory_space<vmem>>, vector<1x16xf32>,
        %parallel_loop3A_199 = vector.shape_cast %parallel_loop3A_198 : vector<1x16xf32> to vector<16xf32>
        %parallel_loop3A_200 = vector.shape_cast %parallel_loop3A_195 : vector<16xf32> to vector<1x16xf32>
        tpu.vector_store %arg14[%parallel_loop3A_196, %parallel_loop3A_197], %parallel_loop3A_200 {strides = array<i32>} : memref<80x144xf32, #tpu.memory_space<vmem>>, vector<1x16xf32>,
        %parallel_loop3A_201 = arith.index_cast %parallel_loop3A_156 : i32 to index
        %parallel_loop3A_202 = arith.constant 32 : index
        %parallel_loop3A_203 = tpu.vector_load %arg14[%parallel_loop3A_201, %parallel_loop3A_202] {strides = array<i32>} : memref<80x144xf32, #tpu.memory_space<vmem>>, vector<1x16xf32>,
        %parallel_loop3A_204 = vector.shape_cast %parallel_loop3A_203 : vector<1x16xf32> to vector<16xf32>
        %parallel_loop3A_205 = vector.extract_strided_slice %parallel_loop3A_174 {offsets = [2], sizes = [1], strides = [1]} : vector<16xf32> to vector<1xf32>
        %parallel_loop3A_206 = vector.extract %parallel_loop3A_205[0] : f32 from vector<1xf32>
        %parallel_loop3A_207 = vector.broadcast %parallel_loop3A_206 : f32 to vector<16xf32>
        %parallel_loop3A_208 = arith.mulf %parallel_loop3A_204, %parallel_loop3A_207 : vector<16xf32>
        %parallel_loop3A_209 = arith.index_cast %parallel_loop3A_156 : i32 to index
        %parallel_loop3A_210 = arith.constant 32 : index
        %parallel_loop3A_211 = tpu.vector_load %arg14[%parallel_loop3A_209, %parallel_loop3A_210] {strides = array<i32>} : memref<80x144xf32, #tpu.memory_space<vmem>>, vector<1x16xf32>,
        %parallel_loop3A_212 = vector.shape_cast %parallel_loop3A_211 : vector<1x16xf32> to vector<16xf32>
        %parallel_loop3A_213 = vector.shape_cast %parallel_loop3A_208 : vector<16xf32> to vector<1x16xf32>
        tpu.vector_store %arg14[%parallel_loop3A_209, %parallel_loop3A_210], %parallel_loop3A_213 {strides = array<i32>} : memref<80x144xf32, #tpu.memory_space<vmem>>, vector<1x16xf32>,
        %parallel_loop3A_214 = arith.index_cast %parallel_loop3A_156 : i32 to index
        %parallel_loop3A_215 = arith.constant 48 : index
        %parallel_loop3A_216 = tpu.vector_load %arg14[%parallel_loop3A_214, %parallel_loop3A_215] {strides = array<i32>} : memref<80x144xf32, #tpu.memory_space<vmem>>, vector<1x16xf32>,
        %parallel_loop3A_217 = vector.shape_cast %parallel_loop3A_216 : vector<1x16xf32> to vector<16xf32>
        %parallel_loop3A_218 = vector.extract_strided_slice %parallel_loop3A_174 {offsets = [3], sizes = [1], strides = [1]} : vector<16xf32> to vector<1xf32>
        %parallel_loop3A_219 = vector.extract %parallel_loop3A_218[0] : f32 from vector<1xf32>
        %parallel_loop3A_220 = vector.broadcast %parallel_loop3A_219 : f32 to vector<16xf32>
        %parallel_loop3A_221 = arith.mulf %parallel_loop3A_217, %parallel_loop3A_220 : vector<16xf32>
        %parallel_loop3A_222 = arith.index_cast %parallel_loop3A_156 : i32 to index
        %parallel_loop3A_223 = arith.constant 48 : index
        %parallel_loop3A_224 = tpu.vector_load %arg14[%parallel_loop3A_222, %parallel_loop3A_223] {strides = array<i32>} : memref<80x144xf32, #tpu.memory_space<vmem>>, vector<1x16xf32>,
        %parallel_loop3A_225 = vector.shape_cast %parallel_loop3A_224 : vector<1x16xf32> to vector<16xf32>
        %parallel_loop3A_226 = vector.shape_cast %parallel_loop3A_221 : vector<16xf32> to vector<1x16xf32>
        tpu.vector_store %arg14[%parallel_loop3A_222, %parallel_loop3A_223], %parallel_loop3A_226 {strides = array<i32>} : memref<80x144xf32, #tpu.memory_space<vmem>>, vector<1x16xf32>,
        %parallel_loop3A_227 = arith.index_cast %parallel_loop3A_156 : i32 to index
        %parallel_loop3A_228 = arith.constant 64 : index
        %parallel_loop3A_229 = tpu.vector_load %arg14[%parallel_loop3A_227, %parallel_loop3A_228] {strides = array<i32>} : memref<80x144xf32, #tpu.memory_space<vmem>>, vector<1x16xf32>,
        %parallel_loop3A_230 = vector.shape_cast %parallel_loop3A_229 : vector<1x16xf32> to vector<16xf32>
        %parallel_loop3A_231 = vector.extract_strided_slice %parallel_loop3A_174 {offsets = [4], sizes = [1], strides = [1]} : vector<16xf32> to vector<1xf32>
        %parallel_loop3A_232 = vector.extract %parallel_loop3A_231[0] : f32 from vector<1xf32>
        %parallel_loop3A_233 = vector.broadcast %parallel_loop3A_232 : f32 to vector<16xf32>
        %parallel_loop3A_234 = arith.mulf %parallel_loop3A_230, %parallel_loop3A_233 : vector<16xf32>
        %parallel_loop3A_235 = arith.index_cast %parallel_loop3A_156 : i32 to index
        %parallel_loop3A_236 = arith.constant 64 : index
        %parallel_loop3A_237 = tpu.vector_load %arg14[%parallel_loop3A_235, %parallel_loop3A_236] {strides = array<i32>} : memref<80x144xf32, #tpu.memory_space<vmem>>, vector<1x16xf32>,
        %parallel_loop3A_238 = vector.shape_cast %parallel_loop3A_237 : vector<1x16xf32> to vector<16xf32>
        %parallel_loop3A_239 = vector.shape_cast %parallel_loop3A_234 : vector<16xf32> to vector<1x16xf32>
        tpu.vector_store %arg14[%parallel_loop3A_235, %parallel_loop3A_236], %parallel_loop3A_239 {strides = array<i32>} : memref<80x144xf32, #tpu.memory_space<vmem>>, vector<1x16xf32>,
        %parallel_loop3A_240 = arith.index_cast %parallel_loop3A_156 : i32 to index
        %parallel_loop3A_241 = arith.constant 80 : index
        %parallel_loop3A_242 = tpu.vector_load %arg14[%parallel_loop3A_240, %parallel_loop3A_241] {strides = array<i32>} : memref<80x144xf32, #tpu.memory_space<vmem>>, vector<1x16xf32>,
        %parallel_loop3A_243 = vector.shape_cast %parallel_loop3A_242 : vector<1x16xf32> to vector<16xf32>
        %parallel_loop3A_244 = vector.extract_strided_slice %parallel_loop3A_174 {offsets = [5], sizes = [1], strides = [1]} : vector<16xf32> to vector<1xf32>
        %parallel_loop3A_245 = vector.extract %parallel_loop3A_244[0] : f32 from vector<1xf32>
        %parallel_loop3A_246 = vector.broadcast %parallel_loop3A_245 : f32 to vector<16xf32>
        %parallel_loop3A_247 = arith.mulf %parallel_loop3A_243, %parallel_loop3A_246 : vector<16xf32>
        %parallel_loop3A_248 = arith.index_cast %parallel_loop3A_156 : i32 to index
        %parallel_loop3A_249 = arith.constant 80 : index
        %parallel_loop3A_250 = tpu.vector_load %arg14[%parallel_loop3A_248, %parallel_loop3A_249] {strides = array<i32>} : memref<80x144xf32, #tpu.memory_space<vmem>>, vector<1x16xf32>,
        %parallel_loop3A_251 = vector.shape_cast %parallel_loop3A_250 : vector<1x16xf32> to vector<16xf32>
        %parallel_loop3A_252 = vector.shape_cast %parallel_loop3A_247 : vector<16xf32> to vector<1x16xf32>
        tpu.vector_store %arg14[%parallel_loop3A_248, %parallel_loop3A_249], %parallel_loop3A_252 {strides = array<i32>} : memref<80x144xf32, #tpu.memory_space<vmem>>, vector<1x16xf32>,
        %parallel_loop3A_253 = arith.index_cast %parallel_loop3A_156 : i32 to index
        %parallel_loop3A_254 = arith.constant 96 : index
        %parallel_loop3A_255 = tpu.vector_load %arg14[%parallel_loop3A_253, %parallel_loop3A_254] {strides = array<i32>} : memref<80x144xf32, #tpu.memory_space<vmem>>, vector<1x16xf32>,
        %parallel_loop3A_256 = vector.shape_cast %parallel_loop3A_255 : vector<1x16xf32> to vector<16xf32>
        %parallel_loop3A_257 = vector.extract_strided_slice %parallel_loop3A_174 {offsets = [6], sizes = [1], strides = [1]} : vector<16xf32> to vector<1xf32>
        %parallel_loop3A_258 = vector.extract %parallel_loop3A_257[0] : f32 from vector<1xf32>
        %parallel_loop3A_259 = vector.broadcast %parallel_loop3A_258 : f32 to vector<16xf32>
        %parallel_loop3A_260 = arith.mulf %parallel_loop3A_256, %parallel_loop3A_259 : vector<16xf32>
        %parallel_loop3A_261 = arith.index_cast %parallel_loop3A_156 : i32 to index
        %parallel_loop3A_262 = arith.constant 96 : index
        %parallel_loop3A_263 = tpu.vector_load %arg14[%parallel_loop3A_261, %parallel_loop3A_262] {strides = array<i32>} : memref<80x144xf32, #tpu.memory_space<vmem>>, vector<1x16xf32>,
        %parallel_loop3A_264 = vector.shape_cast %parallel_loop3A_263 : vector<1x16xf32> to vector<16xf32>
        %parallel_loop3A_265 = vector.shape_cast %parallel_loop3A_260 : vector<16xf32> to vector<1x16xf32>
        tpu.vector_store %arg14[%parallel_loop3A_261, %parallel_loop3A_262], %parallel_loop3A_265 {strides = array<i32>} : memref<80x144xf32, #tpu.memory_space<vmem>>, vector<1x16xf32>,
        %parallel_loop3A_266 = arith.index_cast %parallel_loop3A_156 : i32 to index
        %parallel_loop3A_267 = arith.constant 112 : index
        %parallel_loop3A_268 = tpu.vector_load %arg14[%parallel_loop3A_266, %parallel_loop3A_267] {strides = array<i32>} : memref<80x144xf32, #tpu.memory_space<vmem>>, vector<1x16xf32>,
        %parallel_loop3A_269 = vector.shape_cast %parallel_loop3A_268 : vector<1x16xf32> to vector<16xf32>
        %parallel_loop3A_270 = vector.extract_strided_slice %parallel_loop3A_174 {offsets = [7], sizes = [1], strides = [1]} : vector<16xf32> to vector<1xf32>
        %parallel_loop3A_271 = vector.extract %parallel_loop3A_270[0] : f32 from vector<1xf32>
        %parallel_loop3A_272 = vector.broadcast %parallel_loop3A_271 : f32 to vector<16xf32>
        %parallel_loop3A_273 = arith.mulf %parallel_loop3A_269, %parallel_loop3A_272 : vector<16xf32>
        %parallel_loop3A_274 = arith.index_cast %parallel_loop3A_156 : i32 to index
        %parallel_loop3A_275 = arith.constant 112 : index
        %parallel_loop3A_276 = tpu.vector_load %arg14[%parallel_loop3A_274, %parallel_loop3A_275] {strides = array<i32>} : memref<80x144xf32, #tpu.memory_space<vmem>>, vector<1x16xf32>,
        %parallel_loop3A_277 = vector.shape_cast %parallel_loop3A_276 : vector<1x16xf32> to vector<16xf32>
        %parallel_loop3A_278 = vector.shape_cast %parallel_loop3A_273 : vector<16xf32> to vector<1x16xf32>
        tpu.vector_store %arg14[%parallel_loop3A_274, %parallel_loop3A_275], %parallel_loop3A_278 {strides = array<i32>} : memref<80x144xf32, #tpu.memory_space<vmem>>, vector<1x16xf32>,
        %parallel_loop3A_279 = arith.index_cast %parallel_loop3A_156 : i32 to index
        %parallel_loop3A_280 = arith.constant 128 : index
        %parallel_loop3A_281 = tpu.vector_load %arg14[%parallel_loop3A_279, %parallel_loop3A_280] {strides = array<i32>} : memref<80x144xf32, #tpu.memory_space<vmem>>, vector<1x16xf32>,
        %parallel_loop3A_282 = vector.shape_cast %parallel_loop3A_281 : vector<1x16xf32> to vector<16xf32>
        %parallel_loop3A_283 = vector.shape_cast %parallel_loop3A_174 : vector<16xf32> to vector<1x16xf32>
        tpu.vector_store %arg14[%parallel_loop3A_279, %parallel_loop3A_280], %parallel_loop3A_283 {strides = array<i32>} : memref<80x144xf32, #tpu.memory_space<vmem>>, vector<1x16xf32>,
      } {sc.loop_unroll_factor = 2 : i64, sc.parallel_access}
      %add3A_134 = arith.constant 1 : i32
      %add3A_135 = arith.addi %mul3A_90, %add3A_134 : i32
      %dma_start3A_136 = arith.constant 0 : i32
      %dma_start3A_137 = tpu.memref_slice %arg10[%add3A_135, %dma_start3A_136] : memref<125x80xi32, #tpu.memory_space<vmem>> -> memref<1x80xi32, #tpu.memory_space<vmem>>
      %dma_start3A_138 = tpu.memref_squeeze %dma_start3A_137 : memref<1x80xi32, #tpu.memory_space<vmem>> -> memref<80xi32, #tpu.memory_space<vmem>>
      %dma_start3A_139 = arith.constant 0 : i32
      %dma_start3A_140 = arith.constant 0 : i32
      %dma_start3A_141 = tpu.memref_slice %arg9[%dma_start3A_139, %dma_start3A_140] : memref<10240x144xf32, #tpu.memory_space<vmem_shared>> -> memref<10240x144xf32, #tpu.memory_space<vmem_shared>>
      tpu.enqueue_indirect_dma source(%arg14 : memref<80x144xf32, #tpu.memory_space<vmem>>) target(%dma_start3A_141 : memref<10240x144xf32, #tpu.memory_space<vmem_shared>>) offsets(%dma_start3A_138 : memref<80xi32, #tpu.memory_space<vmem>>) semaphore(%arg24 : memref<!tpu.dma_semaphore, #tpu.memory_space<semaphore_mem>>) {add = true}
      %add3A_142 = arith.constant 2 : i32
      %add3A_143 = arith.addi %mul3A_90, %add3A_142 : i32
      %lt3A_144 = arith.constant 125 : i32
      %lt3A_145 = arith.cmpi slt, %add3A_143, %lt3A_144 : i32
      %convert_element_type3A_146 = arith.extui %lt3A_145 : i1 to i32
      %cond3A_147 = arith.constant 0 : i32
      %cond3A_148 = arith.cmpi ne, %convert_element_type3A_146, %cond3A_147 : i32
      scf.if %cond3A_148 {
        %dma_wait3A_156 = arith.constant 0 : i32
        %dma_wait3A_157 = tpu.memref_slice %arg10[%mul3A_90, %dma_wait3A_156] : memref<125x80xi32, #tpu.memory_space<vmem>> -> memref<1x80xi32, #tpu.memory_space<vmem>>
        %dma_wait3A_158 = tpu.memref_squeeze %dma_wait3A_157 : memref<1x80xi32, #tpu.memory_space<vmem>> -> memref<80xi32, #tpu.memory_space<vmem>>
        %dma_wait3A_159 = arith.constant 0 : i32
        %dma_wait3A_160 = arith.constant 0 : i32
        %dma_wait3A_161 = tpu.memref_slice %arg9[%dma_wait3A_159, %dma_wait3A_160] : memref<10240x144xf32, #tpu.memory_space<vmem_shared>> -> memref<10240x144xf32, #tpu.memory_space<vmem_shared>>
        tpu.wait_indirect_dma semaphore(%arg20 : memref<!tpu.dma_semaphore, #tpu.memory_space<semaphore_mem>>) src(%arg13 : memref<80x144xf32, #tpu.memory_space<vmem>>) dst(%dma_wait3A_161 : memref<10240x144xf32, #tpu.memory_space<vmem_shared>>)
        %add3A_162 = arith.constant 2 : i32
        %add3A_163 = arith.addi %mul3A_90, %add3A_162 : i32
        %mul3A_164 = arith.constant 10000 : i32
        %mul3A_165 = arith.muli %add3A, %mul3A_164 : i32
        %mul3A_166 = arith.constant 80 : i32
        %mul3A_167 = arith.muli %add3A_163, %mul3A_166 : i32
        %add3A_168 = arith.addi %mul3A_165, %mul3A_167 : i32
        %dma_wait3A_169 = tpu.memref_slice %arg4[%add3A_168] : memref<320000xi32, #tpu.memory_space<hbm>> -> memref<80xi32, #tpu.memory_space<hbm>>
        %dma_wait3A_170 = tpu.memref_slice %arg4[%add3A_168] : memref<320000xi32, #tpu.memory_space<hbm>> -> memref<80xi32, #tpu.memory_space<hbm>>
        tpu.wait_dma2 semaphore(%arg21 : memref<!tpu.dma_semaphore, #tpu.memory_space<semaphore_mem>>) src(%dma_wait3A_170 : memref<80xi32, #tpu.memory_space<hbm>>) dst(%arg11 : memref<80xi32, #tpu.memory_space<vmem>>)
        %add3A_171 = arith.constant 2 : i32
        %add3A_172 = arith.addi %mul3A_90, %add3A_171 : i32
        %dma_start3A_173 = arith.constant 0 : i32
        %dma_start3A_174 = arith.constant 0 : i32
        %dma_start3A_175 = tpu.memref_slice %arg2[%dma_start3A_173, %dma_start3A_174] : memref<10000x144xf32, #tpu.memory_space<hbm>> -> memref<10000x144xf32, #tpu.memory_space<hbm>>
        tpu.enqueue_indirect_dma source(%dma_start3A_175 : memref<10000x144xf32, #tpu.memory_space<hbm>>) target(%arg13 : memref<80x144xf32, #tpu.memory_space<vmem>>) offsets(%arg11 : memref<80xi32, #tpu.memory_space<vmem>>) semaphore(%arg18 : memref<!tpu.dma_semaphore, #tpu.memory_space<semaphore_mem>>)
        %dma_start3A_176 = arith.constant 0 : i32
        %dma_start3A_177 = tpu.memref_slice %arg10[%add3A_172, %dma_start3A_176] : memref<125x80xi32, #tpu.memory_space<vmem>> -> memref<1x80xi32, #tpu.memory_space<vmem>>
        %dma_start3A_178 = tpu.memref_squeeze %dma_start3A_177 : memref<1x80xi32, #tpu.memory_space<vmem>> -> memref<80xi32, #tpu.memory_space<vmem>>
        %dma_start3A_179 = arith.constant 0 : i32
        %dma_start3A_180 = arith.constant 0 : i32
        %dma_start3A_181 = tpu.memref_slice %arg3[%dma_start3A_179, %dma_start3A_180] : memref<10000x16xf32, #tpu.memory_space<hbm>> -> memref<10000x16xf32, #tpu.memory_space<hbm>>
        tpu.enqueue_indirect_dma source(%dma_start3A_181 : memref<10000x16xf32, #tpu.memory_space<hbm>>) target(%arg15 : memref<80x16xf32, #tpu.memory_space<vmem>>) offsets(%dma_start3A_178 : memref<80xi32, #tpu.memory_space<vmem>>) semaphore(%arg19 : memref<!tpu.dma_semaphore, #tpu.memory_space<semaphore_mem>>)
      } else {
      }
      %add3A_149 = arith.constant 3 : i32
      %add3A_150 = arith.addi %mul3A_90, %add3A_149 : i32
      %lt3A_151 = arith.constant 125 : i32
      %lt3A_152 = arith.cmpi slt, %add3A_150, %lt3A_151 : i32
      %convert_element_type3A_153 = arith.extui %lt3A_152 : i1 to i32
      %cond3A_154 = arith.constant 0 : i32
      %cond3A_155 = arith.cmpi ne, %convert_element_type3A_153, %cond3A_154 : i32
      scf.if %cond3A_155 {
        %add3A_156 = arith.constant 1 : i32
        %add3A_157 = arith.addi %mul3A_90, %add3A_156 : i32
        %dma_wait3A_158 = arith.constant 0 : i32
        %dma_wait3A_159 = tpu.memref_slice %arg10[%add3A_157, %dma_wait3A_158] : memref<125x80xi32, #tpu.memory_space<vmem>> -> memref<1x80xi32, #tpu.memory_space<vmem>>
        %dma_wait3A_160 = tpu.memref_squeeze %dma_wait3A_159 : memref<1x80xi32, #tpu.memory_space<vmem>> -> memref<80xi32, #tpu.memory_space<vmem>>
        %dma_wait3A_161 = arith.constant 0 : i32
        %dma_wait3A_162 = arith.constant 0 : i32
        %dma_wait3A_163 = tpu.memref_slice %arg9[%dma_wait3A_161, %dma_wait3A_162] : memref<10240x144xf32, #tpu.memory_space<vmem_shared>> -> memref<10240x144xf32, #tpu.memory_space<vmem_shared>>
        tpu.wait_indirect_dma semaphore(%arg24 : memref<!tpu.dma_semaphore, #tpu.memory_space<semaphore_mem>>) src(%arg14 : memref<80x144xf32, #tpu.memory_space<vmem>>) dst(%dma_wait3A_163 : memref<10240x144xf32, #tpu.memory_space<vmem_shared>>)
        %add3A_164 = arith.constant 3 : i32
        %add3A_165 = arith.addi %mul3A_90, %add3A_164 : i32
        %mul3A_166 = arith.constant 10000 : i32
        %mul3A_167 = arith.muli %add3A, %mul3A_166 : i32
        %mul3A_168 = arith.constant 80 : i32
        %mul3A_169 = arith.muli %add3A_165, %mul3A_168 : i32
        %add3A_170 = arith.addi %mul3A_167, %mul3A_169 : i32
        %dma_wait3A_171 = tpu.memref_slice %arg4[%add3A_170] : memref<320000xi32, #tpu.memory_space<hbm>> -> memref<80xi32, #tpu.memory_space<hbm>>
        %dma_wait3A_172 = tpu.memref_slice %arg4[%add3A_170] : memref<320000xi32, #tpu.memory_space<hbm>> -> memref<80xi32, #tpu.memory_space<hbm>>
        tpu.wait_dma2 semaphore(%arg25 : memref<!tpu.dma_semaphore, #tpu.memory_space<semaphore_mem>>) src(%dma_wait3A_172 : memref<80xi32, #tpu.memory_space<hbm>>) dst(%arg12 : memref<80xi32, #tpu.memory_space<vmem>>)
        %add3A_173 = arith.constant 3 : i32
        %add3A_174 = arith.addi %mul3A_90, %add3A_173 : i32
        %dma_start3A_175 = arith.constant 0 : i32
        %dma_start3A_176 = arith.constant 0 : i32
        %dma_start3A_177 = tpu.memref_slice %arg2[%dma_start3A_175, %dma_start3A_176] : memref<10000x144xf32, #tpu.memory_space<hbm>> -> memref<10000x144xf32, #tpu.memory_space<hbm>>
        tpu.enqueue_indirect_dma source(%dma_start3A_177 : memref<10000x144xf32, #tpu.memory_space<hbm>>) target(%arg14 : memref<80x144xf32, #tpu.memory_space<vmem>>) offsets(%arg12 : memref<80xi32, #tpu.memory_space<vmem>>) semaphore(%arg22 : memref<!tpu.dma_semaphore, #tpu.memory_space<semaphore_mem>>)
        %dma_start3A_178 = arith.constant 0 : i32
        %dma_start3A_179 = tpu.memref_slice %arg10[%add3A_174, %dma_start3A_178] : memref<125x80xi32, #tpu.memory_space<vmem>> -> memref<1x80xi32, #tpu.memory_space<vmem>>
        %dma_start3A_180 = tpu.memref_squeeze %dma_start3A_179 : memref<1x80xi32, #tpu.memory_space<vmem>> -> memref<80xi32, #tpu.memory_space<vmem>>
        %dma_start3A_181 = arith.constant 0 : i32
        %dma_start3A_182 = arith.constant 0 : i32
        %dma_start3A_183 = tpu.memref_slice %arg3[%dma_start3A_181, %dma_start3A_182] : memref<10000x16xf32, #tpu.memory_space<hbm>> -> memref<10000x16xf32, #tpu.memory_space<hbm>>
        tpu.enqueue_indirect_dma source(%dma_start3A_183 : memref<10000x16xf32, #tpu.memory_space<hbm>>) target(%arg16 : memref<80x16xf32, #tpu.memory_space<vmem>>) offsets(%dma_start3A_180 : memref<80xi32, #tpu.memory_space<vmem>>) semaphore(%arg23 : memref<!tpu.dma_semaphore, #tpu.memory_space<semaphore_mem>>)
      } else {
      }
    }
    %scan3A_53 = arith.constant 62 : i32
    %dma_wait3A_54 = arith.constant 0 : i32
    %dma_wait3A_55 = arith.constant 0 : i32
    %dma_wait3A_56 = tpu.memref_slice %arg2[%dma_wait3A_54, %dma_wait3A_55] : memref<10000x144xf32, #tpu.memory_space<hbm>> -> memref<10000x144xf32, #tpu.memory_space<hbm>>
    tpu.wait_indirect_dma semaphore(%arg18 : memref<!tpu.dma_semaphore, #tpu.memory_space<semaphore_mem>>) src(%dma_wait3A_56 : memref<10000x144xf32, #tpu.memory_space<hbm>>) dst(%arg13 : memref<80x144xf32, #tpu.memory_space<vmem>>)
    %dma_wait3A_57 = arith.constant 124 : i32
    %dma_wait3A_58 = arith.constant 0 : i32
    %dma_wait3A_59 = tpu.memref_slice %arg10[%dma_wait3A_57, %dma_wait3A_58] : memref<125x80xi32, #tpu.memory_space<vmem>> -> memref<1x80xi32, #tpu.memory_space<vmem>>
    %dma_wait3A_60 = tpu.memref_squeeze %dma_wait3A_59 : memref<1x80xi32, #tpu.memory_space<vmem>> -> memref<80xi32, #tpu.memory_space<vmem>>
    %dma_wait3A_61 = arith.constant 0 : i32
    %dma_wait3A_62 = arith.constant 0 : i32
    %dma_wait3A_63 = tpu.memref_slice %arg3[%dma_wait3A_61, %dma_wait3A_62] : memref<10000x16xf32, #tpu.memory_space<hbm>> -> memref<10000x16xf32, #tpu.memory_space<hbm>>
    tpu.wait_indirect_dma semaphore(%arg19 : memref<!tpu.dma_semaphore, #tpu.memory_space<semaphore_mem>>) src(%dma_wait3A_63 : memref<10000x16xf32, #tpu.memory_space<hbm>>) dst(%arg15 : memref<80x16xf32, #tpu.memory_space<vmem>>)
    %parallel_loop3A = arith.constant 0 : i32
    %parallel_loop3A_64 = arith.constant 80 : i32
    %parallel_loop3A_65 = arith.constant 1 : i32
    scf.for %parallel_loop3A_88 = %parallel_loop3A to %parallel_loop3A_64 step %parallel_loop3A_65  : i32 {
      %parallel_loop3A_89 = arith.index_cast %parallel_loop3A_88 : i32 to index
      %parallel_loop3A_90 = arith.constant 128 : index
      %parallel_loop3A_91 = tpu.vector_load %arg13[%parallel_loop3A_89, %parallel_loop3A_90] {strides = array<i32>} : memref<80x144xf32, #tpu.memory_space<vmem>>, vector<1x16xf32>,
      %parallel_loop3A_92 = vector.shape_cast %parallel_loop3A_91 : vector<1x16xf32> to vector<16xf32>
      %parallel_loop3A_93 = arith.index_cast %parallel_loop3A_88 : i32 to index
      %parallel_loop3A_94 = arith.constant 0 : index
      %parallel_loop3A_95 = tpu.vector_load %arg15[%parallel_loop3A_93, %parallel_loop3A_94] {strides = array<i32>} : memref<80x16xf32, #tpu.memory_space<vmem>>, vector<1x16xf32>,
      %parallel_loop3A_96 = vector.shape_cast %parallel_loop3A_95 : vector<1x16xf32> to vector<16xf32>
      %parallel_loop3A_97 = arith.addf %parallel_loop3A_92, %parallel_loop3A_96 : vector<16xf32>
      %parallel_loop3A_98 = arith.constant 0.000000e+00 : f32
      %parallel_loop3A_99 = vector.broadcast %parallel_loop3A_98 : f32 to vector<16xf32>
      %parallel_loop3A_100 = arith.cmpf oge, %parallel_loop3A_97, %parallel_loop3A_99 : vector<16xf32>
      %parallel_loop3A_101 = arith.constant 2.000000e-01 : f32
      %parallel_loop3A_102 = vector.broadcast %parallel_loop3A_101 : f32 to vector<16xf32>
      %parallel_loop3A_103 = arith.mulf %parallel_loop3A_97, %parallel_loop3A_102 : vector<16xf32>
      %parallel_loop3A_104 = arith.select %parallel_loop3A_100, %parallel_loop3A_97, %parallel_loop3A_103 : vector<16xi1>, vector<16xf32>
      %parallel_loop3A_105 = arith.subf %parallel_loop3A_104, %get3A_6 : vector<16xf32>
      %parallel_loop3A_106 = math.exp %parallel_loop3A_105 : vector<16xf32>
      %parallel_loop3A_107 = arith.index_cast %parallel_loop3A_88 : i32 to index
      %parallel_loop3A_108 = arith.constant 0 : index
      %parallel_loop3A_109 = tpu.vector_load %arg13[%parallel_loop3A_107, %parallel_loop3A_108] {strides = array<i32>} : memref<80x144xf32, #tpu.memory_space<vmem>>, vector<1x16xf32>,
      %parallel_loop3A_110 = vector.shape_cast %parallel_loop3A_109 : vector<1x16xf32> to vector<16xf32>
      %parallel_loop3A_111 = vector.extract_strided_slice %parallel_loop3A_106 {offsets = [0], sizes = [1], strides = [1]} : vector<16xf32> to vector<1xf32>
      %parallel_loop3A_112 = vector.extract %parallel_loop3A_111[0] : f32 from vector<1xf32>
      %parallel_loop3A_113 = vector.broadcast %parallel_loop3A_112 : f32 to vector<16xf32>
      %parallel_loop3A_114 = arith.mulf %parallel_loop3A_110, %parallel_loop3A_113 : vector<16xf32>
      %parallel_loop3A_115 = arith.index_cast %parallel_loop3A_88 : i32 to index
      %parallel_loop3A_116 = arith.constant 0 : index
      %parallel_loop3A_117 = tpu.vector_load %arg13[%parallel_loop3A_115, %parallel_loop3A_116] {strides = array<i32>} : memref<80x144xf32, #tpu.memory_space<vmem>>, vector<1x16xf32>,
      %parallel_loop3A_118 = vector.shape_cast %parallel_loop3A_117 : vector<1x16xf32> to vector<16xf32>
      %parallel_loop3A_119 = vector.shape_cast %parallel_loop3A_114 : vector<16xf32> to vector<1x16xf32>
      tpu.vector_store %arg13[%parallel_loop3A_115, %parallel_loop3A_116], %parallel_loop3A_119 {strides = array<i32>} : memref<80x144xf32, #tpu.memory_space<vmem>>, vector<1x16xf32>,
      %parallel_loop3A_120 = arith.index_cast %parallel_loop3A_88 : i32 to index
      %parallel_loop3A_121 = arith.constant 16 : index
      %parallel_loop3A_122 = tpu.vector_load %arg13[%parallel_loop3A_120, %parallel_loop3A_121] {strides = array<i32>} : memref<80x144xf32, #tpu.memory_space<vmem>>, vector<1x16xf32>,
      %parallel_loop3A_123 = vector.shape_cast %parallel_loop3A_122 : vector<1x16xf32> to vector<16xf32>
      %parallel_loop3A_124 = vector.extract_strided_slice %parallel_loop3A_106 {offsets = [1], sizes = [1], strides = [1]} : vector<16xf32> to vector<1xf32>
      %parallel_loop3A_125 = vector.extract %parallel_loop3A_124[0] : f32 from vector<1xf32>
      %parallel_loop3A_126 = vector.broadcast %parallel_loop3A_125 : f32 to vector<16xf32>
      %parallel_loop3A_127 = arith.mulf %parallel_loop3A_123, %parallel_loop3A_126 : vector<16xf32>
      %parallel_loop3A_128 = arith.index_cast %parallel_loop3A_88 : i32 to index
      %parallel_loop3A_129 = arith.constant 16 : index
      %parallel_loop3A_130 = tpu.vector_load %arg13[%parallel_loop3A_128, %parallel_loop3A_129] {strides = array<i32>} : memref<80x144xf32, #tpu.memory_space<vmem>>, vector<1x16xf32>,
      %parallel_loop3A_131 = vector.shape_cast %parallel_loop3A_130 : vector<1x16xf32> to vector<16xf32>
      %parallel_loop3A_132 = vector.shape_cast %parallel_loop3A_127 : vector<16xf32> to vector<1x16xf32>
      tpu.vector_store %arg13[%parallel_loop3A_128, %parallel_loop3A_129], %parallel_loop3A_132 {strides = array<i32>} : memref<80x144xf32, #tpu.memory_space<vmem>>, vector<1x16xf32>,
      %parallel_loop3A_133 = arith.index_cast %parallel_loop3A_88 : i32 to index
      %parallel_loop3A_134 = arith.constant 32 : index
      %parallel_loop3A_135 = tpu.vector_load %arg13[%parallel_loop3A_133, %parallel_loop3A_134] {strides = array<i32>} : memref<80x144xf32, #tpu.memory_space<vmem>>, vector<1x16xf32>,
      %parallel_loop3A_136 = vector.shape_cast %parallel_loop3A_135 : vector<1x16xf32> to vector<16xf32>
      %parallel_loop3A_137 = vector.extract_strided_slice %parallel_loop3A_106 {offsets = [2], sizes = [1], strides = [1]} : vector<16xf32> to vector<1xf32>
      %parallel_loop3A_138 = vector.extract %parallel_loop3A_137[0] : f32 from vector<1xf32>
      %parallel_loop3A_139 = vector.broadcast %parallel_loop3A_138 : f32 to vector<16xf32>
      %parallel_loop3A_140 = arith.mulf %parallel_loop3A_136, %parallel_loop3A_139 : vector<16xf32>
      %parallel_loop3A_141 = arith.index_cast %parallel_loop3A_88 : i32 to index
      %parallel_loop3A_142 = arith.constant 32 : index
      %parallel_loop3A_143 = tpu.vector_load %arg13[%parallel_loop3A_141, %parallel_loop3A_142] {strides = array<i32>} : memref<80x144xf32, #tpu.memory_space<vmem>>, vector<1x16xf32>,
      %parallel_loop3A_144 = vector.shape_cast %parallel_loop3A_143 : vector<1x16xf32> to vector<16xf32>
      %parallel_loop3A_145 = vector.shape_cast %parallel_loop3A_140 : vector<16xf32> to vector<1x16xf32>
      tpu.vector_store %arg13[%parallel_loop3A_141, %parallel_loop3A_142], %parallel_loop3A_145 {strides = array<i32>} : memref<80x144xf32, #tpu.memory_space<vmem>>, vector<1x16xf32>,
      %parallel_loop3A_146 = arith.index_cast %parallel_loop3A_88 : i32 to index
      %parallel_loop3A_147 = arith.constant 48 : index
      %parallel_loop3A_148 = tpu.vector_load %arg13[%parallel_loop3A_146, %parallel_loop3A_147] {strides = array<i32>} : memref<80x144xf32, #tpu.memory_space<vmem>>, vector<1x16xf32>,
      %parallel_loop3A_149 = vector.shape_cast %parallel_loop3A_148 : vector<1x16xf32> to vector<16xf32>
      %parallel_loop3A_150 = vector.extract_strided_slice %parallel_loop3A_106 {offsets = [3], sizes = [1], strides = [1]} : vector<16xf32> to vector<1xf32>
      %parallel_loop3A_151 = vector.extract %parallel_loop3A_150[0] : f32 from vector<1xf32>
      %parallel_loop3A_152 = vector.broadcast %parallel_loop3A_151 : f32 to vector<16xf32>
      %parallel_loop3A_153 = arith.mulf %parallel_loop3A_149, %parallel_loop3A_152 : vector<16xf32>
      %parallel_loop3A_154 = arith.index_cast %parallel_loop3A_88 : i32 to index
      %parallel_loop3A_155 = arith.constant 48 : index
      %parallel_loop3A_156 = tpu.vector_load %arg13[%parallel_loop3A_154, %parallel_loop3A_155] {strides = array<i32>} : memref<80x144xf32, #tpu.memory_space<vmem>>, vector<1x16xf32>,
      %parallel_loop3A_157 = vector.shape_cast %parallel_loop3A_156 : vector<1x16xf32> to vector<16xf32>
      %parallel_loop3A_158 = vector.shape_cast %parallel_loop3A_153 : vector<16xf32> to vector<1x16xf32>
      tpu.vector_store %arg13[%parallel_loop3A_154, %parallel_loop3A_155], %parallel_loop3A_158 {strides = array<i32>} : memref<80x144xf32, #tpu.memory_space<vmem>>, vector<1x16xf32>,
      %parallel_loop3A_159 = arith.index_cast %parallel_loop3A_88 : i32 to index
      %parallel_loop3A_160 = arith.constant 64 : index
      %parallel_loop3A_161 = tpu.vector_load %arg13[%parallel_loop3A_159, %parallel_loop3A_160] {strides = array<i32>} : memref<80x144xf32, #tpu.memory_space<vmem>>, vector<1x16xf32>,
      %parallel_loop3A_162 = vector.shape_cast %parallel_loop3A_161 : vector<1x16xf32> to vector<16xf32>
      %parallel_loop3A_163 = vector.extract_strided_slice %parallel_loop3A_106 {offsets = [4], sizes = [1], strides = [1]} : vector<16xf32> to vector<1xf32>
      %parallel_loop3A_164 = vector.extract %parallel_loop3A_163[0] : f32 from vector<1xf32>
      %parallel_loop3A_165 = vector.broadcast %parallel_loop3A_164 : f32 to vector<16xf32>
      %parallel_loop3A_166 = arith.mulf %parallel_loop3A_162, %parallel_loop3A_165 : vector<16xf32>
      %parallel_loop3A_167 = arith.index_cast %parallel_loop3A_88 : i32 to index
      %parallel_loop3A_168 = arith.constant 64 : index
      %parallel_loop3A_169 = tpu.vector_load %arg13[%parallel_loop3A_167, %parallel_loop3A_168] {strides = array<i32>} : memref<80x144xf32, #tpu.memory_space<vmem>>, vector<1x16xf32>,
      %parallel_loop3A_170 = vector.shape_cast %parallel_loop3A_169 : vector<1x16xf32> to vector<16xf32>
      %parallel_loop3A_171 = vector.shape_cast %parallel_loop3A_166 : vector<16xf32> to vector<1x16xf32>
      tpu.vector_store %arg13[%parallel_loop3A_167, %parallel_loop3A_168], %parallel_loop3A_171 {strides = array<i32>} : memref<80x144xf32, #tpu.memory_space<vmem>>, vector<1x16xf32>,
      %parallel_loop3A_172 = arith.index_cast %parallel_loop3A_88 : i32 to index
      %parallel_loop3A_173 = arith.constant 80 : index
      %parallel_loop3A_174 = tpu.vector_load %arg13[%parallel_loop3A_172, %parallel_loop3A_173] {strides = array<i32>} : memref<80x144xf32, #tpu.memory_space<vmem>>, vector<1x16xf32>,
      %parallel_loop3A_175 = vector.shape_cast %parallel_loop3A_174 : vector<1x16xf32> to vector<16xf32>
      %parallel_loop3A_176 = vector.extract_strided_slice %parallel_loop3A_106 {offsets = [5], sizes = [1], strides = [1]} : vector<16xf32> to vector<1xf32>
      %parallel_loop3A_177 = vector.extract %parallel_loop3A_176[0] : f32 from vector<1xf32>
      %parallel_loop3A_178 = vector.broadcast %parallel_loop3A_177 : f32 to vector<16xf32>
      %parallel_loop3A_179 = arith.mulf %parallel_loop3A_175, %parallel_loop3A_178 : vector<16xf32>
      %parallel_loop3A_180 = arith.index_cast %parallel_loop3A_88 : i32 to index
      %parallel_loop3A_181 = arith.constant 80 : index
      %parallel_loop3A_182 = tpu.vector_load %arg13[%parallel_loop3A_180, %parallel_loop3A_181] {strides = array<i32>} : memref<80x144xf32, #tpu.memory_space<vmem>>, vector<1x16xf32>,
      %parallel_loop3A_183 = vector.shape_cast %parallel_loop3A_182 : vector<1x16xf32> to vector<16xf32>
      %parallel_loop3A_184 = vector.shape_cast %parallel_loop3A_179 : vector<16xf32> to vector<1x16xf32>
      tpu.vector_store %arg13[%parallel_loop3A_180, %parallel_loop3A_181], %parallel_loop3A_184 {strides = array<i32>} : memref<80x144xf32, #tpu.memory_space<vmem>>, vector<1x16xf32>,
      %parallel_loop3A_185 = arith.index_cast %parallel_loop3A_88 : i32 to index
      %parallel_loop3A_186 = arith.constant 96 : index
      %parallel_loop3A_187 = tpu.vector_load %arg13[%parallel_loop3A_185, %parallel_loop3A_186] {strides = array<i32>} : memref<80x144xf32, #tpu.memory_space<vmem>>, vector<1x16xf32>,
      %parallel_loop3A_188 = vector.shape_cast %parallel_loop3A_187 : vector<1x16xf32> to vector<16xf32>
      %parallel_loop3A_189 = vector.extract_strided_slice %parallel_loop3A_106 {offsets = [6], sizes = [1], strides = [1]} : vector<16xf32> to vector<1xf32>
      %parallel_loop3A_190 = vector.extract %parallel_loop3A_189[0] : f32 from vector<1xf32>
      %parallel_loop3A_191 = vector.broadcast %parallel_loop3A_190 : f32 to vector<16xf32>
      %parallel_loop3A_192 = arith.mulf %parallel_loop3A_188, %parallel_loop3A_191 : vector<16xf32>
      %parallel_loop3A_193 = arith.index_cast %parallel_loop3A_88 : i32 to index
      %parallel_loop3A_194 = arith.constant 96 : index
      %parallel_loop3A_195 = tpu.vector_load %arg13[%parallel_loop3A_193, %parallel_loop3A_194] {strides = array<i32>} : memref<80x144xf32, #tpu.memory_space<vmem>>, vector<1x16xf32>,
      %parallel_loop3A_196 = vector.shape_cast %parallel_loop3A_195 : vector<1x16xf32> to vector<16xf32>
      %parallel_loop3A_197 = vector.shape_cast %parallel_loop3A_192 : vector<16xf32> to vector<1x16xf32>
      tpu.vector_store %arg13[%parallel_loop3A_193, %parallel_loop3A_194], %parallel_loop3A_197 {strides = array<i32>} : memref<80x144xf32, #tpu.memory_space<vmem>>, vector<1x16xf32>,
      %parallel_loop3A_198 = arith.index_cast %parallel_loop3A_88 : i32 to index
      %parallel_loop3A_199 = arith.constant 112 : index
      %parallel_loop3A_200 = tpu.vector_load %arg13[%parallel_loop3A_198, %parallel_loop3A_199] {strides = array<i32>} : memref<80x144xf32, #tpu.memory_space<vmem>>, vector<1x16xf32>,
      %parallel_loop3A_201 = vector.shape_cast %parallel_loop3A_200 : vector<1x16xf32> to vector<16xf32>
      %parallel_loop3A_202 = vector.extract_strided_slice %parallel_loop3A_106 {offsets = [7], sizes = [1], strides = [1]} : vector<16xf32> to vector<1xf32>
      %parallel_loop3A_203 = vector.extract %parallel_loop3A_202[0] : f32 from vector<1xf32>
      %parallel_loop3A_204 = vector.broadcast %parallel_loop3A_203 : f32 to vector<16xf32>
      %parallel_loop3A_205 = arith.mulf %parallel_loop3A_201, %parallel_loop3A_204 : vector<16xf32>
      %parallel_loop3A_206 = arith.index_cast %parallel_loop3A_88 : i32 to index
      %parallel_loop3A_207 = arith.constant 112 : index
      %parallel_loop3A_208 = tpu.vector_load %arg13[%parallel_loop3A_206, %parallel_loop3A_207] {strides = array<i32>} : memref<80x144xf32, #tpu.memory_space<vmem>>, vector<1x16xf32>,
      %parallel_loop3A_209 = vector.shape_cast %parallel_loop3A_208 : vector<1x16xf32> to vector<16xf32>
      %parallel_loop3A_210 = vector.shape_cast %parallel_loop3A_205 : vector<16xf32> to vector<1x16xf32>
      tpu.vector_store %arg13[%parallel_loop3A_206, %parallel_loop3A_207], %parallel_loop3A_210 {strides = array<i32>} : memref<80x144xf32, #tpu.memory_space<vmem>>, vector<1x16xf32>,
      %parallel_loop3A_211 = arith.index_cast %parallel_loop3A_88 : i32 to index
      %parallel_loop3A_212 = arith.constant 128 : index
      %parallel_loop3A_213 = tpu.vector_load %arg13[%parallel_loop3A_211, %parallel_loop3A_212] {strides = array<i32>} : memref<80x144xf32, #tpu.memory_space<vmem>>, vector<1x16xf32>,
      %parallel_loop3A_214 = vector.shape_cast %parallel_loop3A_213 : vector<1x16xf32> to vector<16xf32>
      %parallel_loop3A_215 = vector.shape_cast %parallel_loop3A_106 : vector<16xf32> to vector<1x16xf32>
      tpu.vector_store %arg13[%parallel_loop3A_211, %parallel_loop3A_212], %parallel_loop3A_215 {strides = array<i32>} : memref<80x144xf32, #tpu.memory_space<vmem>>, vector<1x16xf32>,
    } {sc.loop_unroll_factor = 2 : i64, sc.parallel_access}
    %dma_start3A_66 = arith.constant 124 : i32
    %dma_start3A_67 = arith.constant 0 : i32
    %dma_start3A_68 = tpu.memref_slice %arg10[%dma_start3A_66, %dma_start3A_67] : memref<125x80xi32, #tpu.memory_space<vmem>> -> memref<1x80xi32, #tpu.memory_space<vmem>>
    %dma_start3A_69 = tpu.memref_squeeze %dma_start3A_68 : memref<1x80xi32, #tpu.memory_space<vmem>> -> memref<80xi32, #tpu.memory_space<vmem>>
    %dma_start3A_70 = arith.constant 0 : i32
    %dma_start3A_71 = arith.constant 0 : i32
    %dma_start3A_72 = tpu.memref_slice %arg9[%dma_start3A_70, %dma_start3A_71] : memref<10240x144xf32, #tpu.memory_space<vmem_shared>> -> memref<10240x144xf32, #tpu.memory_space<vmem_shared>>
    tpu.enqueue_indirect_dma source(%arg13 : memref<80x144xf32, #tpu.memory_space<vmem>>) target(%dma_start3A_72 : memref<10240x144xf32, #tpu.memory_space<vmem_shared>>) offsets(%dma_start3A_69 : memref<80xi32, #tpu.memory_space<vmem>>) semaphore(%arg20 : memref<!tpu.dma_semaphore, #tpu.memory_space<semaphore_mem>>) {add = true}
    %dma_wait3A_73 = arith.constant 124 : i32
    %dma_wait3A_74 = arith.constant 0 : i32
    %dma_wait3A_75 = tpu.memref_slice %arg10[%dma_wait3A_73, %dma_wait3A_74] : memref<125x80xi32, #tpu.memory_space<vmem>> -> memref<1x80xi32, #tpu.memory_space<vmem>>
    %dma_wait3A_76 = tpu.memref_squeeze %dma_wait3A_75 : memref<1x80xi32, #tpu.memory_space<vmem>> -> memref<80xi32, #tpu.memory_space<vmem>>
    %dma_wait3A_77 = arith.constant 0 : i32
    %dma_wait3A_78 = arith.constant 0 : i32
    %dma_wait3A_79 = tpu.memref_slice %arg9[%dma_wait3A_77, %dma_wait3A_78] : memref<10240x144xf32, #tpu.memory_space<vmem_shared>> -> memref<10240x144xf32, #tpu.memory_space<vmem_shared>>
    tpu.wait_indirect_dma semaphore(%arg20 : memref<!tpu.dma_semaphore, #tpu.memory_space<semaphore_mem>>) src(%arg13 : memref<80x144xf32, #tpu.memory_space<vmem>>) dst(%dma_wait3A_79 : memref<10240x144xf32, #tpu.memory_space<vmem_shared>>)
    %dma_wait3A_80 = arith.constant 123 : i32
    %dma_wait3A_81 = arith.constant 0 : i32
    %dma_wait3A_82 = tpu.memref_slice %arg10[%dma_wait3A_80, %dma_wait3A_81] : memref<125x80xi32, #tpu.memory_space<vmem>> -> memref<1x80xi32, #tpu.memory_space<vmem>>
    %dma_wait3A_83 = tpu.memref_squeeze %dma_wait3A_82 : memref<1x80xi32, #tpu.memory_space<vmem>> -> memref<80xi32, #tpu.memory_space<vmem>>
    %dma_wait3A_84 = arith.constant 0 : i32
    %dma_wait3A_85 = arith.constant 0 : i32
    %dma_wait3A_86 = tpu.memref_slice %arg9[%dma_wait3A_84, %dma_wait3A_85] : memref<10240x144xf32, #tpu.memory_space<vmem_shared>> -> memref<10240x144xf32, #tpu.memory_space<vmem_shared>>
    tpu.wait_indirect_dma semaphore(%arg24 : memref<!tpu.dma_semaphore, #tpu.memory_space<semaphore_mem>>) src(%arg14 : memref<80x144xf32, #tpu.memory_space<vmem>>) dst(%dma_wait3A_86 : memref<10240x144xf32, #tpu.memory_space<vmem_shared>>)
    %barrier3A_87 = arith.constant 0 : index
    tpu.barrier barrier_id(%barrier3A_87)
    "tpu.region"() ({
      %run_scoped3A_88 = tpu.sem_alloc : memref<!tpu.dma_semaphore, #tpu.memory_space<semaphore_mem>>
      %dma_start3A_89 = arith.constant 0 : i32
      %dma_start3A_90 = tpu.memref_slice %arg8[%arg0, %mul3A_2, %dma_start3A_89] : memref<2x10240x144xf32, #tpu.memory_space<hbm>> -> memref<1x640x144xf32, #tpu.memory_space<hbm>>
      %dma_start3A_91 = tpu.memref_squeeze %dma_start3A_90 : memref<1x640x144xf32, #tpu.memory_space<hbm>> -> memref<640x144xf32, #tpu.memory_space<hbm>>
      %dma_start3A_92 = arith.constant 0 : i32
      %dma_start3A_93 = tpu.memref_slice %arg9[%mul3A_2, %dma_start3A_92] : memref<10240x144xf32, #tpu.memory_space<vmem_shared>> -> memref<640x144xf32, #tpu.memory_space<vmem_shared>>
      tpu.enqueue_dma source(%dma_start3A_93 : memref<640x144xf32, #tpu.memory_space<vmem_shared>>) target(%dma_start3A_91 : memref<640x144xf32, #tpu.memory_space<hbm>>) target_semaphore(%run_scoped3A_88 : memref<!tpu.dma_semaphore, #tpu.memory_space<semaphore_mem>>)
      %dma_wait3A_94 = arith.constant 0 : i32
      %dma_wait3A_95 = tpu.memref_slice %arg8[%arg0, %mul3A_2, %dma_wait3A_94] : memref<2x10240x144xf32, #tpu.memory_space<hbm>> -> memref<1x640x144xf32, #tpu.memory_space<hbm>>
      %dma_wait3A_96 = tpu.memref_squeeze %dma_wait3A_95 : memref<1x640x144xf32, #tpu.memory_space<hbm>> -> memref<640x144xf32, #tpu.memory_space<hbm>>
      %dma_wait3A_97 = arith.constant 0 : i32
      %dma_wait3A_98 = tpu.memref_slice %arg9[%mul3A_2, %dma_wait3A_97] : memref<10240x144xf32, #tpu.memory_space<vmem_shared>> -> memref<640x144xf32, #tpu.memory_space<vmem_shared>>
      tpu.wait_dma2 semaphore(%run_scoped3A_88 : memref<!tpu.dma_semaphore, #tpu.memory_space<semaphore_mem>>) src(%dma_wait3A_98 : memref<640x144xf32, #tpu.memory_space<vmem_shared>>) dst(%dma_wait3A_96 : memref<640x144xf32, #tpu.memory_space<hbm>>)
      tpu.yield
    }) : () -> ()
    return
  }
}

#map = affine_map<(d0, d1) -> (0, 0)>
#map1 = affine_map<(d0, d1) -> (0)>
#map2 = affine_map<(d0, d1) -> (0, 0, 0)>
module attributes {stable_mosaic.version = 14 : i64} {
  func.func @body(%arg0: i32, %arg1: i32, %arg2: memref<10000x32xf32, #tpu.memory_space<hbm>>, %arg3: memref<10000x16xf32, #tpu.memory_space<hbm>>, %arg4: memref<320000xi32, #tpu.memory_space<hbm>>, %arg5: memref<4000x80xi32, #tpu.memory_space<hbm>>, %arg6: memref<1x16xf32, #tpu.memory_space<hbm>>, %arg7: memref<10240x32xf32, #tpu.memory_space<hbm>>, %arg8: memref<2x10240x32xf32, #tpu.memory_space<hbm>>, %arg9: memref<10240x32xf32, #tpu.memory_space<vmem_shared>>, %arg10: memref<125x80xi32, #tpu.memory_space<vmem>>, %arg11: memref<80xi32, #tpu.memory_space<vmem>>, %arg12: memref<80xi32, #tpu.memory_space<vmem>>, %arg13: memref<80x32xf32, #tpu.memory_space<vmem>>, %arg14: memref<80x32xf32, #tpu.memory_space<vmem>>, %arg15: memref<80x16xf32, #tpu.memory_space<vmem>>, %arg16: memref<80x16xf32, #tpu.memory_space<vmem>>, %arg17: memref<16xf32, #tpu.memory_space<vmem>>, %arg18: memref<!tpu.dma_semaphore, #tpu.memory_space<semaphore_mem>>, %arg19: memref<!tpu.dma_semaphore, #tpu.memory_space<semaphore_mem>>, %arg20: memref<!tpu.dma_semaphore, #tpu.memory_space<semaphore_mem>>, %arg21: memref<!tpu.dma_semaphore, #tpu.memory_space<semaphore_mem>>, %arg22: memref<!tpu.dma_semaphore, #tpu.memory_space<semaphore_mem>>, %arg23: memref<!tpu.dma_semaphore, #tpu.memory_space<semaphore_mem>>, %arg24: memref<!tpu.dma_semaphore, #tpu.memory_space<semaphore_mem>>, %arg25: memref<!tpu.dma_semaphore, #tpu.memory_space<semaphore_mem>>) attributes {dimension_semantics = [#tpu.dimension_semantics<core_parallel>, #tpu.dimension_semantics<subcore_parallel>], iteration_bounds = array<i64: 2, 16>, scalar_prefetch = 0 : i64, scratch_operands = 17 : i64, tpu.core_type = #tpu.core_type<sc_vector_subcore>, window_params = [{transform_indices = #map}, {transform_indices = #map}, {transform_indices = #map1}, {transform_indices = #map}, {transform_indices = #map}, {transform_indices = #map}, {transform_indices = #map2}]} {
    %mul3A = arith.constant 16 : i32
    %mul3A_0 = arith.muli %arg0, %mul3A : i32
    %add3A = arith.addi %mul3A_0, %arg1 : i32
    %mul3A_1 = arith.constant 640 : i32
    %mul3A_2 = arith.muli %arg1, %mul3A_1 : i32
    "tpu.region"() ({
      %run_scoped3A_88 = tpu.sem_alloc : memref<!tpu.dma_semaphore, #tpu.memory_space<semaphore_mem>>
      %dma_start3A_89 = arith.constant 0 : i32
      %dma_start3A_90 = tpu.memref_slice %arg9[%mul3A_2, %dma_start3A_89] : memref<10240x32xf32, #tpu.memory_space<vmem_shared>> -> memref<640x32xf32, #tpu.memory_space<vmem_shared>>
      %dma_start3A_91 = arith.constant 0 : i32
      %dma_start3A_92 = tpu.memref_slice %arg7[%mul3A_2, %dma_start3A_91] : memref<10240x32xf32, #tpu.memory_space<hbm>> -> memref<640x32xf32, #tpu.memory_space<hbm>>
      tpu.enqueue_dma source(%dma_start3A_92 : memref<640x32xf32, #tpu.memory_space<hbm>>) target(%dma_start3A_90 : memref<640x32xf32, #tpu.memory_space<vmem_shared>>) target_semaphore(%run_scoped3A_88 : memref<!tpu.dma_semaphore, #tpu.memory_space<semaphore_mem>>)
      %dma_wait3A_93 = arith.constant 0 : i32
      %dma_wait3A_94 = tpu.memref_slice %arg9[%mul3A_2, %dma_wait3A_93] : memref<10240x32xf32, #tpu.memory_space<vmem_shared>> -> memref<640x32xf32, #tpu.memory_space<vmem_shared>>
      %dma_wait3A_95 = arith.constant 0 : i32
      %dma_wait3A_96 = tpu.memref_slice %arg7[%mul3A_2, %dma_wait3A_95] : memref<10240x32xf32, #tpu.memory_space<hbm>> -> memref<640x32xf32, #tpu.memory_space<hbm>>
      tpu.wait_dma2 semaphore(%run_scoped3A_88 : memref<!tpu.dma_semaphore, #tpu.memory_space<semaphore_mem>>) src(%dma_wait3A_96 : memref<640x32xf32, #tpu.memory_space<hbm>>) dst(%dma_wait3A_94 : memref<640x32xf32, #tpu.memory_space<vmem_shared>>)
      tpu.yield
    }) : () -> ()
    %run_scoped3A = arith.constant 0 : i32
    "tpu.region"() ({
      %run_scoped3A_88 = tpu.sem_alloc : memref<!tpu.dma_semaphore, #tpu.memory_space<semaphore_mem>>
      %dma_start3A_89 = arith.constant 0 : i32
      %dma_start3A_90 = tpu.memref_slice %arg6[%run_scoped3A, %dma_start3A_89] : memref<1x16xf32, #tpu.memory_space<hbm>> -> memref<1x16xf32, #tpu.memory_space<hbm>>
      %dma_start3A_91 = tpu.memref_squeeze %dma_start3A_90 : memref<1x16xf32, #tpu.memory_space<hbm>> -> memref<16xf32, #tpu.memory_space<hbm>>
      %dma_start3A_92 = arith.constant 0 : i32
      %dma_start3A_93 = tpu.memref_slice %arg6[%run_scoped3A, %dma_start3A_92] : memref<1x16xf32, #tpu.memory_space<hbm>> -> memref<1x16xf32, #tpu.memory_space<hbm>>
      %dma_start3A_94 = tpu.memref_squeeze %dma_start3A_93 : memref<1x16xf32, #tpu.memory_space<hbm>> -> memref<16xf32, #tpu.memory_space<hbm>>
      tpu.enqueue_dma source(%dma_start3A_94 : memref<16xf32, #tpu.memory_space<hbm>>) target(%arg17 : memref<16xf32, #tpu.memory_space<vmem>>) target_semaphore(%run_scoped3A_88 : memref<!tpu.dma_semaphore, #tpu.memory_space<semaphore_mem>>)
      %dma_wait3A_95 = arith.constant 0 : i32
      %dma_wait3A_96 = tpu.memref_slice %arg6[%run_scoped3A, %dma_wait3A_95] : memref<1x16xf32, #tpu.memory_space<hbm>> -> memref<1x16xf32, #tpu.memory_space<hbm>>
      %dma_wait3A_97 = tpu.memref_squeeze %dma_wait3A_96 : memref<1x16xf32, #tpu.memory_space<hbm>> -> memref<16xf32, #tpu.memory_space<hbm>>
      %dma_wait3A_98 = arith.constant 0 : i32
      %dma_wait3A_99 = tpu.memref_slice %arg6[%run_scoped3A, %dma_wait3A_98] : memref<1x16xf32, #tpu.memory_space<hbm>> -> memref<1x16xf32, #tpu.memory_space<hbm>>
      %dma_wait3A_100 = tpu.memref_squeeze %dma_wait3A_99 : memref<1x16xf32, #tpu.memory_space<hbm>> -> memref<16xf32, #tpu.memory_space<hbm>>
      tpu.wait_dma2 semaphore(%run_scoped3A_88 : memref<!tpu.dma_semaphore, #tpu.memory_space<semaphore_mem>>) src(%dma_wait3A_100 : memref<16xf32, #tpu.memory_space<hbm>>) dst(%arg17 : memref<16xf32, #tpu.memory_space<vmem>>)
      tpu.yield
    }) : () -> ()
    %mul3A_3 = arith.constant 125 : i32
    %mul3A_4 = arith.muli %add3A, %mul3A_3 : i32
    "tpu.region"() ({
      %run_scoped3A_88 = tpu.sem_alloc : memref<!tpu.dma_semaphore, #tpu.memory_space<semaphore_mem>>
      %dma_start3A_89 = arith.constant 0 : i32
      %dma_start3A_90 = tpu.memref_slice %arg5[%mul3A_4, %dma_start3A_89] : memref<4000x80xi32, #tpu.memory_space<hbm>> -> memref<125x80xi32, #tpu.memory_space<hbm>>
      %dma_start3A_91 = arith.constant 0 : i32
      %dma_start3A_92 = tpu.memref_slice %arg5[%mul3A_4, %dma_start3A_91] : memref<4000x80xi32, #tpu.memory_space<hbm>> -> memref<125x80xi32, #tpu.memory_space<hbm>>
      tpu.enqueue_dma source(%dma_start3A_92 : memref<125x80xi32, #tpu.memory_space<hbm>>) target(%arg10 : memref<125x80xi32, #tpu.memory_space<vmem>>) target_semaphore(%run_scoped3A_88 : memref<!tpu.dma_semaphore, #tpu.memory_space<semaphore_mem>>)
      %dma_wait3A_93 = arith.constant 0 : i32
      %dma_wait3A_94 = tpu.memref_slice %arg5[%mul3A_4, %dma_wait3A_93] : memref<4000x80xi32, #tpu.memory_space<hbm>> -> memref<125x80xi32, #tpu.memory_space<hbm>>
      %dma_wait3A_95 = arith.constant 0 : i32
      %dma_wait3A_96 = tpu.memref_slice %arg5[%mul3A_4, %dma_wait3A_95] : memref<4000x80xi32, #tpu.memory_space<hbm>> -> memref<125x80xi32, #tpu.memory_space<hbm>>
      tpu.wait_dma2 semaphore(%run_scoped3A_88 : memref<!tpu.dma_semaphore, #tpu.memory_space<semaphore_mem>>) src(%dma_wait3A_96 : memref<125x80xi32, #tpu.memory_space<hbm>>) dst(%arg10 : memref<125x80xi32, #tpu.memory_space<vmem>>)
      tpu.yield
    }) : () -> ()
    %barrier3A = arith.constant 0 : index
    tpu.barrier barrier_id(%barrier3A)
    %get3A = arith.constant 0 : index
    %get3A_5 = tpu.vector_load %arg17[%get3A] {strides = array<i32>} : memref<16xf32, #tpu.memory_space<vmem>>, vector<16xf32>,
    %get3A_6 = vector.shape_cast %get3A_5 : vector<16xf32> to vector<16xf32>
    %mul3A_7 = arith.constant 10000 : i32
    %mul3A_8 = arith.muli %add3A, %mul3A_7 : i32
    %add3A_9 = arith.constant 0 : i32
    %add3A_10 = arith.addi %mul3A_8, %add3A_9 : i32
    %dma_start3A = tpu.memref_slice %arg4[%add3A_10] : memref<320000xi32, #tpu.memory_space<hbm>> -> memref<80xi32, #tpu.memory_space<hbm>>
    %dma_start3A_11 = tpu.memref_slice %arg4[%add3A_10] : memref<320000xi32, #tpu.memory_space<hbm>> -> memref<80xi32, #tpu.memory_space<hbm>>
    tpu.enqueue_dma source(%dma_start3A_11 : memref<80xi32, #tpu.memory_space<hbm>>) target(%arg11 : memref<80xi32, #tpu.memory_space<vmem>>) target_semaphore(%arg21 : memref<!tpu.dma_semaphore, #tpu.memory_space<semaphore_mem>>)
    %mul3A_12 = arith.constant 10000 : i32
    %mul3A_13 = arith.muli %add3A, %mul3A_12 : i32
    %add3A_14 = arith.constant 80 : i32
    %add3A_15 = arith.addi %mul3A_13, %add3A_14 : i32
    %dma_start3A_16 = tpu.memref_slice %arg4[%add3A_15] : memref<320000xi32, #tpu.memory_space<hbm>> -> memref<80xi32, #tpu.memory_space<hbm>>
    %dma_start3A_17 = tpu.memref_slice %arg4[%add3A_15] : memref<320000xi32, #tpu.memory_space<hbm>> -> memref<80xi32, #tpu.memory_space<hbm>>
    tpu.enqueue_dma source(%dma_start3A_17 : memref<80xi32, #tpu.memory_space<hbm>>) target(%arg12 : memref<80xi32, #tpu.memory_space<vmem>>) target_semaphore(%arg25 : memref<!tpu.dma_semaphore, #tpu.memory_space<semaphore_mem>>)
    %mul3A_18 = arith.constant 10000 : i32
    %mul3A_19 = arith.muli %add3A, %mul3A_18 : i32
    %add3A_20 = arith.constant 0 : i32
    %add3A_21 = arith.addi %mul3A_19, %add3A_20 : i32
    %dma_wait3A = tpu.memref_slice %arg4[%add3A_21] : memref<320000xi32, #tpu.memory_space<hbm>> -> memref<80xi32, #tpu.memory_space<hbm>>
    %dma_wait3A_22 = tpu.memref_slice %arg4[%add3A_21] : memref<320000xi32, #tpu.memory_space<hbm>> -> memref<80xi32, #tpu.memory_space<hbm>>
    tpu.wait_dma2 semaphore(%arg21 : memref<!tpu.dma_semaphore, #tpu.memory_space<semaphore_mem>>) src(%dma_wait3A_22 : memref<80xi32, #tpu.memory_space<hbm>>) dst(%arg11 : memref<80xi32, #tpu.memory_space<vmem>>)
    %dma_start3A_23 = arith.constant 0 : i32
    %dma_start3A_24 = arith.constant 0 : i32
    %dma_start3A_25 = tpu.memref_slice %arg2[%dma_start3A_23, %dma_start3A_24] : memref<10000x32xf32, #tpu.memory_space<hbm>> -> memref<10000x32xf32, #tpu.memory_space<hbm>>
    tpu.enqueue_indirect_dma source(%dma_start3A_25 : memref<10000x32xf32, #tpu.memory_space<hbm>>) target(%arg13 : memref<80x32xf32, #tpu.memory_space<vmem>>) offsets(%arg11 : memref<80xi32, #tpu.memory_space<vmem>>) semaphore(%arg18 : memref<!tpu.dma_semaphore, #tpu.memory_space<semaphore_mem>>)
    %dma_start3A_26 = arith.constant 0 : i32
    %dma_start3A_27 = arith.constant 0 : i32
    %dma_start3A_28 = tpu.memref_slice %arg10[%dma_start3A_26, %dma_start3A_27] : memref<125x80xi32, #tpu.memory_space<vmem>> -> memref<1x80xi32, #tpu.memory_space<vmem>>
    %dma_start3A_29 = tpu.memref_squeeze %dma_start3A_28 : memref<1x80xi32, #tpu.memory_space<vmem>> -> memref<80xi32, #tpu.memory_space<vmem>>
    %dma_start3A_30 = arith.constant 0 : i32
    %dma_start3A_31 = arith.constant 0 : i32
    %dma_start3A_32 = tpu.memref_slice %arg3[%dma_start3A_30, %dma_start3A_31] : memref<10000x16xf32, #tpu.memory_space<hbm>> -> memref<10000x16xf32, #tpu.memory_space<hbm>>
    tpu.enqueue_indirect_dma source(%dma_start3A_32 : memref<10000x16xf32, #tpu.memory_space<hbm>>) target(%arg15 : memref<80x16xf32, #tpu.memory_space<vmem>>) offsets(%dma_start3A_29 : memref<80xi32, #tpu.memory_space<vmem>>) semaphore(%arg19 : memref<!tpu.dma_semaphore, #tpu.memory_space<semaphore_mem>>)
    %mul3A_33 = arith.constant 10000 : i32
    %mul3A_34 = arith.muli %add3A, %mul3A_33 : i32
    %add3A_35 = arith.constant 80 : i32
    %add3A_36 = arith.addi %mul3A_34, %add3A_35 : i32
    %dma_wait3A_37 = tpu.memref_slice %arg4[%add3A_36] : memref<320000xi32, #tpu.memory_space<hbm>> -> memref<80xi32, #tpu.memory_space<hbm>>
    %dma_wait3A_38 = tpu.memref_slice %arg4[%add3A_36] : memref<320000xi32, #tpu.memory_space<hbm>> -> memref<80xi32, #tpu.memory_space<hbm>>
    tpu.wait_dma2 semaphore(%arg25 : memref<!tpu.dma_semaphore, #tpu.memory_space<semaphore_mem>>) src(%dma_wait3A_38 : memref<80xi32, #tpu.memory_space<hbm>>) dst(%arg12 : memref<80xi32, #tpu.memory_space<vmem>>)
    %dma_start3A_39 = arith.constant 0 : i32
    %dma_start3A_40 = arith.constant 0 : i32
    %dma_start3A_41 = tpu.memref_slice %arg2[%dma_start3A_39, %dma_start3A_40] : memref<10000x32xf32, #tpu.memory_space<hbm>> -> memref<10000x32xf32, #tpu.memory_space<hbm>>
    tpu.enqueue_indirect_dma source(%dma_start3A_41 : memref<10000x32xf32, #tpu.memory_space<hbm>>) target(%arg14 : memref<80x32xf32, #tpu.memory_space<vmem>>) offsets(%arg12 : memref<80xi32, #tpu.memory_space<vmem>>) semaphore(%arg22 : memref<!tpu.dma_semaphore, #tpu.memory_space<semaphore_mem>>)
    %dma_start3A_42 = arith.constant 1 : i32
    %dma_start3A_43 = arith.constant 0 : i32
    %dma_start3A_44 = tpu.memref_slice %arg10[%dma_start3A_42, %dma_start3A_43] : memref<125x80xi32, #tpu.memory_space<vmem>> -> memref<1x80xi32, #tpu.memory_space<vmem>>
    %dma_start3A_45 = tpu.memref_squeeze %dma_start3A_44 : memref<1x80xi32, #tpu.memory_space<vmem>> -> memref<80xi32, #tpu.memory_space<vmem>>
    %dma_start3A_46 = arith.constant 0 : i32
    %dma_start3A_47 = arith.constant 0 : i32
    %dma_start3A_48 = tpu.memref_slice %arg3[%dma_start3A_46, %dma_start3A_47] : memref<10000x16xf32, #tpu.memory_space<hbm>> -> memref<10000x16xf32, #tpu.memory_space<hbm>>
    tpu.enqueue_indirect_dma source(%dma_start3A_48 : memref<10000x16xf32, #tpu.memory_space<hbm>>) target(%arg16 : memref<80x16xf32, #tpu.memory_space<vmem>>) offsets(%dma_start3A_45 : memref<80xi32, #tpu.memory_space<vmem>>) semaphore(%arg23 : memref<!tpu.dma_semaphore, #tpu.memory_space<semaphore_mem>>)
    %scan3A = arith.constant 0 : i32
    %scan3A_49 = arith.constant 0 : i32
    %scan3A_50 = arith.constant 62 : i32
    %scan3A_51 = arith.addi %scan3A_49, %scan3A_50 : i32
    %scan3A_52 = arith.constant 1 : i32
    scf.for %scan3A_88 = %scan3A_49 to %scan3A_51 step %scan3A_52  : i32 {
      %mul3A_89 = arith.constant 2 : i32
      %mul3A_90 = arith.muli %mul3A_89, %scan3A_88 : i32
      %dma_wait3A_91 = arith.constant 0 : i32
      %dma_wait3A_92 = arith.constant 0 : i32
      %dma_wait3A_93 = tpu.memref_slice %arg2[%dma_wait3A_91, %dma_wait3A_92] : memref<10000x32xf32, #tpu.memory_space<hbm>> -> memref<10000x32xf32, #tpu.memory_space<hbm>>
      tpu.wait_indirect_dma semaphore(%arg18 : memref<!tpu.dma_semaphore, #tpu.memory_space<semaphore_mem>>) src(%dma_wait3A_93 : memref<10000x32xf32, #tpu.memory_space<hbm>>) dst(%arg13 : memref<80x32xf32, #tpu.memory_space<vmem>>)
      %dma_wait3A_94 = arith.constant 0 : i32
      %dma_wait3A_95 = tpu.memref_slice %arg10[%mul3A_90, %dma_wait3A_94] : memref<125x80xi32, #tpu.memory_space<vmem>> -> memref<1x80xi32, #tpu.memory_space<vmem>>
      %dma_wait3A_96 = tpu.memref_squeeze %dma_wait3A_95 : memref<1x80xi32, #tpu.memory_space<vmem>> -> memref<80xi32, #tpu.memory_space<vmem>>
      %dma_wait3A_97 = arith.constant 0 : i32
      %dma_wait3A_98 = arith.constant 0 : i32
      %dma_wait3A_99 = tpu.memref_slice %arg3[%dma_wait3A_97, %dma_wait3A_98] : memref<10000x16xf32, #tpu.memory_space<hbm>> -> memref<10000x16xf32, #tpu.memory_space<hbm>>
      tpu.wait_indirect_dma semaphore(%arg19 : memref<!tpu.dma_semaphore, #tpu.memory_space<semaphore_mem>>) src(%dma_wait3A_99 : memref<10000x16xf32, #tpu.memory_space<hbm>>) dst(%arg15 : memref<80x16xf32, #tpu.memory_space<vmem>>)
      %add3A_100 = arith.constant 2 : i32
      %add3A_101 = arith.addi %mul3A_90, %add3A_100 : i32
      %lt3A = arith.constant 125 : i32
      %lt3A_102 = arith.cmpi slt, %add3A_101, %lt3A : i32
      %convert_element_type3A = arith.extui %lt3A_102 : i1 to i32
      %cond3A = arith.constant 0 : i32
      %cond3A_103 = arith.cmpi ne, %convert_element_type3A, %cond3A : i32
      scf.if %cond3A_103 {
        %add3A_156 = arith.constant 2 : i32
        %add3A_157 = arith.addi %mul3A_90, %add3A_156 : i32
        %mul3A_158 = arith.constant 10000 : i32
        %mul3A_159 = arith.muli %add3A, %mul3A_158 : i32
        %mul3A_160 = arith.constant 80 : i32
        %mul3A_161 = arith.muli %add3A_157, %mul3A_160 : i32
        %add3A_162 = arith.addi %mul3A_159, %mul3A_161 : i32
        %dma_start3A_163 = tpu.memref_slice %arg4[%add3A_162] : memref<320000xi32, #tpu.memory_space<hbm>> -> memref<80xi32, #tpu.memory_space<hbm>>
        %dma_start3A_164 = tpu.memref_slice %arg4[%add3A_162] : memref<320000xi32, #tpu.memory_space<hbm>> -> memref<80xi32, #tpu.memory_space<hbm>>
        tpu.enqueue_dma source(%dma_start3A_164 : memref<80xi32, #tpu.memory_space<hbm>>) target(%arg11 : memref<80xi32, #tpu.memory_space<vmem>>) target_semaphore(%arg21 : memref<!tpu.dma_semaphore, #tpu.memory_space<semaphore_mem>>)
      } else {
      }
      %parallel_loop3A_104 = arith.constant 0 : i32
      %parallel_loop3A_105 = arith.constant 80 : i32
      %parallel_loop3A_106 = arith.constant 1 : i32
      scf.for %parallel_loop3A_156 = %parallel_loop3A_104 to %parallel_loop3A_105 step %parallel_loop3A_106  : i32 {
        %parallel_loop3A_157 = arith.index_cast %parallel_loop3A_156 : i32 to index
        %parallel_loop3A_158 = arith.constant 16 : index
        %parallel_loop3A_159 = tpu.vector_load %arg13[%parallel_loop3A_157, %parallel_loop3A_158] {strides = array<i32>} : memref<80x32xf32, #tpu.memory_space<vmem>>, vector<1x16xf32>,
        %parallel_loop3A_160 = vector.shape_cast %parallel_loop3A_159 : vector<1x16xf32> to vector<16xf32>
        %parallel_loop3A_161 = arith.index_cast %parallel_loop3A_156 : i32 to index
        %parallel_loop3A_162 = arith.constant 0 : index
        %parallel_loop3A_163 = tpu.vector_load %arg15[%parallel_loop3A_161, %parallel_loop3A_162] {strides = array<i32>} : memref<80x16xf32, #tpu.memory_space<vmem>>, vector<1x16xf32>,
        %parallel_loop3A_164 = vector.shape_cast %parallel_loop3A_163 : vector<1x16xf32> to vector<16xf32>
        %parallel_loop3A_165 = arith.addf %parallel_loop3A_160, %parallel_loop3A_164 : vector<16xf32>
        %parallel_loop3A_166 = arith.constant 0.000000e+00 : f32
        %parallel_loop3A_167 = vector.broadcast %parallel_loop3A_166 : f32 to vector<16xf32>
        %parallel_loop3A_168 = arith.cmpf oge, %parallel_loop3A_165, %parallel_loop3A_167 : vector<16xf32>
        %parallel_loop3A_169 = arith.constant 2.000000e-01 : f32
        %parallel_loop3A_170 = vector.broadcast %parallel_loop3A_169 : f32 to vector<16xf32>
        %parallel_loop3A_171 = arith.mulf %parallel_loop3A_165, %parallel_loop3A_170 : vector<16xf32>
        %parallel_loop3A_172 = arith.select %parallel_loop3A_168, %parallel_loop3A_165, %parallel_loop3A_171 : vector<16xi1>, vector<16xf32>
        %parallel_loop3A_173 = arith.subf %parallel_loop3A_172, %get3A_6 : vector<16xf32>
        %parallel_loop3A_174 = math.exp %parallel_loop3A_173 : vector<16xf32>
        %parallel_loop3A_175 = arith.index_cast %parallel_loop3A_156 : i32 to index
        %parallel_loop3A_176 = arith.constant 0 : index
        %parallel_loop3A_177 = tpu.vector_load %arg13[%parallel_loop3A_175, %parallel_loop3A_176] {strides = array<i32>} : memref<80x32xf32, #tpu.memory_space<vmem>>, vector<1x16xf32>,
        %parallel_loop3A_178 = vector.shape_cast %parallel_loop3A_177 : vector<1x16xf32> to vector<16xf32>
        %parallel_loop3A_179 = vector.extract_strided_slice %parallel_loop3A_174 {offsets = [0], sizes = [1], strides = [1]} : vector<16xf32> to vector<1xf32>
        %parallel_loop3A_180 = vector.extract %parallel_loop3A_179[0] : f32 from vector<1xf32>
        %parallel_loop3A_181 = vector.broadcast %parallel_loop3A_180 : f32 to vector<16xf32>
        %parallel_loop3A_182 = arith.mulf %parallel_loop3A_178, %parallel_loop3A_181 : vector<16xf32>
        %parallel_loop3A_183 = arith.index_cast %parallel_loop3A_156 : i32 to index
        %parallel_loop3A_184 = arith.constant 0 : index
        %parallel_loop3A_185 = tpu.vector_load %arg13[%parallel_loop3A_183, %parallel_loop3A_184] {strides = array<i32>} : memref<80x32xf32, #tpu.memory_space<vmem>>, vector<1x16xf32>,
        %parallel_loop3A_186 = vector.shape_cast %parallel_loop3A_185 : vector<1x16xf32> to vector<16xf32>
        %parallel_loop3A_187 = vector.shape_cast %parallel_loop3A_182 : vector<16xf32> to vector<1x16xf32>
        tpu.vector_store %arg13[%parallel_loop3A_183, %parallel_loop3A_184], %parallel_loop3A_187 {strides = array<i32>} : memref<80x32xf32, #tpu.memory_space<vmem>>, vector<1x16xf32>,
        %parallel_loop3A_188 = arith.index_cast %parallel_loop3A_156 : i32 to index
        %parallel_loop3A_189 = arith.constant 16 : index
        %parallel_loop3A_190 = tpu.vector_load %arg13[%parallel_loop3A_188, %parallel_loop3A_189] {strides = array<i32>} : memref<80x32xf32, #tpu.memory_space<vmem>>, vector<1x16xf32>,
        %parallel_loop3A_191 = vector.shape_cast %parallel_loop3A_190 : vector<1x16xf32> to vector<16xf32>
        %parallel_loop3A_192 = vector.shape_cast %parallel_loop3A_174 : vector<16xf32> to vector<1x16xf32>
        tpu.vector_store %arg13[%parallel_loop3A_188, %parallel_loop3A_189], %parallel_loop3A_192 {strides = array<i32>} : memref<80x32xf32, #tpu.memory_space<vmem>>, vector<1x16xf32>,
      } {sc.loop_unroll_factor = 2 : i64, sc.parallel_access}
      %dma_start3A_107 = arith.constant 0 : i32
      %dma_start3A_108 = tpu.memref_slice %arg10[%mul3A_90, %dma_start3A_107] : memref<125x80xi32, #tpu.memory_space<vmem>> -> memref<1x80xi32, #tpu.memory_space<vmem>>
      %dma_start3A_109 = tpu.memref_squeeze %dma_start3A_108 : memref<1x80xi32, #tpu.memory_space<vmem>> -> memref<80xi32, #tpu.memory_space<vmem>>
      %dma_start3A_110 = arith.constant 0 : i32
      %dma_start3A_111 = arith.constant 0 : i32
      %dma_start3A_112 = tpu.memref_slice %arg9[%dma_start3A_110, %dma_start3A_111] : memref<10240x32xf32, #tpu.memory_space<vmem_shared>> -> memref<10240x32xf32, #tpu.memory_space<vmem_shared>>
      tpu.enqueue_indirect_dma source(%arg13 : memref<80x32xf32, #tpu.memory_space<vmem>>) target(%dma_start3A_112 : memref<10240x32xf32, #tpu.memory_space<vmem_shared>>) offsets(%dma_start3A_109 : memref<80xi32, #tpu.memory_space<vmem>>) semaphore(%arg20 : memref<!tpu.dma_semaphore, #tpu.memory_space<semaphore_mem>>) {add = true}
      %add3A_113 = arith.constant 1 : i32
      %add3A_114 = arith.addi %mul3A_90, %add3A_113 : i32
      %dma_wait3A_115 = arith.constant 0 : i32
      %dma_wait3A_116 = arith.constant 0 : i32
      %dma_wait3A_117 = tpu.memref_slice %arg2[%dma_wait3A_115, %dma_wait3A_116] : memref<10000x32xf32, #tpu.memory_space<hbm>> -> memref<10000x32xf32, #tpu.memory_space<hbm>>
      tpu.wait_indirect_dma semaphore(%arg22 : memref<!tpu.dma_semaphore, #tpu.memory_space<semaphore_mem>>) src(%dma_wait3A_117 : memref<10000x32xf32, #tpu.memory_space<hbm>>) dst(%arg14 : memref<80x32xf32, #tpu.memory_space<vmem>>)
      %dma_wait3A_118 = arith.constant 0 : i32
      %dma_wait3A_119 = tpu.memref_slice %arg10[%add3A_114, %dma_wait3A_118] : memref<125x80xi32, #tpu.memory_space<vmem>> -> memref<1x80xi32, #tpu.memory_space<vmem>>
      %dma_wait3A_120 = tpu.memref_squeeze %dma_wait3A_119 : memref<1x80xi32, #tpu.memory_space<vmem>> -> memref<80xi32, #tpu.memory_space<vmem>>
      %dma_wait3A_121 = arith.constant 0 : i32
      %dma_wait3A_122 = arith.constant 0 : i32
      %dma_wait3A_123 = tpu.memref_slice %arg3[%dma_wait3A_121, %dma_wait3A_122] : memref<10000x16xf32, #tpu.memory_space<hbm>> -> memref<10000x16xf32, #tpu.memory_space<hbm>>
      tpu.wait_indirect_dma semaphore(%arg23 : memref<!tpu.dma_semaphore, #tpu.memory_space<semaphore_mem>>) src(%dma_wait3A_123 : memref<10000x16xf32, #tpu.memory_space<hbm>>) dst(%arg16 : memref<80x16xf32, #tpu.memory_space<vmem>>)
      %add3A_124 = arith.constant 3 : i32
      %add3A_125 = arith.addi %mul3A_90, %add3A_124 : i32
      %lt3A_126 = arith.constant 125 : i32
      %lt3A_127 = arith.cmpi slt, %add3A_125, %lt3A_126 : i32
      %convert_element_type3A_128 = arith.extui %lt3A_127 : i1 to i32
      %cond3A_129 = arith.constant 0 : i32
      %cond3A_130 = arith.cmpi ne, %convert_element_type3A_128, %cond3A_129 : i32
      scf.if %cond3A_130 {
        %add3A_156 = arith.constant 3 : i32
        %add3A_157 = arith.addi %mul3A_90, %add3A_156 : i32
        %mul3A_158 = arith.constant 10000 : i32
        %mul3A_159 = arith.muli %add3A, %mul3A_158 : i32
        %mul3A_160 = arith.constant 80 : i32
        %mul3A_161 = arith.muli %add3A_157, %mul3A_160 : i32
        %add3A_162 = arith.addi %mul3A_159, %mul3A_161 : i32
        %dma_start3A_163 = tpu.memref_slice %arg4[%add3A_162] : memref<320000xi32, #tpu.memory_space<hbm>> -> memref<80xi32, #tpu.memory_space<hbm>>
        %dma_start3A_164 = tpu.memref_slice %arg4[%add3A_162] : memref<320000xi32, #tpu.memory_space<hbm>> -> memref<80xi32, #tpu.memory_space<hbm>>
        tpu.enqueue_dma source(%dma_start3A_164 : memref<80xi32, #tpu.memory_space<hbm>>) target(%arg12 : memref<80xi32, #tpu.memory_space<vmem>>) target_semaphore(%arg25 : memref<!tpu.dma_semaphore, #tpu.memory_space<semaphore_mem>>)
      } else {
      }
      %parallel_loop3A_131 = arith.constant 0 : i32
      %parallel_loop3A_132 = arith.constant 80 : i32
      %parallel_loop3A_133 = arith.constant 1 : i32
      scf.for %parallel_loop3A_156 = %parallel_loop3A_131 to %parallel_loop3A_132 step %parallel_loop3A_133  : i32 {
        %parallel_loop3A_157 = arith.index_cast %parallel_loop3A_156 : i32 to index
        %parallel_loop3A_158 = arith.constant 16 : index
        %parallel_loop3A_159 = tpu.vector_load %arg14[%parallel_loop3A_157, %parallel_loop3A_158] {strides = array<i32>} : memref<80x32xf32, #tpu.memory_space<vmem>>, vector<1x16xf32>,
        %parallel_loop3A_160 = vector.shape_cast %parallel_loop3A_159 : vector<1x16xf32> to vector<16xf32>
        %parallel_loop3A_161 = arith.index_cast %parallel_loop3A_156 : i32 to index
        %parallel_loop3A_162 = arith.constant 0 : index
        %parallel_loop3A_163 = tpu.vector_load %arg16[%parallel_loop3A_161, %parallel_loop3A_162] {strides = array<i32>} : memref<80x16xf32, #tpu.memory_space<vmem>>, vector<1x16xf32>,
        %parallel_loop3A_164 = vector.shape_cast %parallel_loop3A_163 : vector<1x16xf32> to vector<16xf32>
        %parallel_loop3A_165 = arith.addf %parallel_loop3A_160, %parallel_loop3A_164 : vector<16xf32>
        %parallel_loop3A_166 = arith.constant 0.000000e+00 : f32
        %parallel_loop3A_167 = vector.broadcast %parallel_loop3A_166 : f32 to vector<16xf32>
        %parallel_loop3A_168 = arith.cmpf oge, %parallel_loop3A_165, %parallel_loop3A_167 : vector<16xf32>
        %parallel_loop3A_169 = arith.constant 2.000000e-01 : f32
        %parallel_loop3A_170 = vector.broadcast %parallel_loop3A_169 : f32 to vector<16xf32>
        %parallel_loop3A_171 = arith.mulf %parallel_loop3A_165, %parallel_loop3A_170 : vector<16xf32>
        %parallel_loop3A_172 = arith.select %parallel_loop3A_168, %parallel_loop3A_165, %parallel_loop3A_171 : vector<16xi1>, vector<16xf32>
        %parallel_loop3A_173 = arith.subf %parallel_loop3A_172, %get3A_6 : vector<16xf32>
        %parallel_loop3A_174 = math.exp %parallel_loop3A_173 : vector<16xf32>
        %parallel_loop3A_175 = arith.index_cast %parallel_loop3A_156 : i32 to index
        %parallel_loop3A_176 = arith.constant 0 : index
        %parallel_loop3A_177 = tpu.vector_load %arg14[%parallel_loop3A_175, %parallel_loop3A_176] {strides = array<i32>} : memref<80x32xf32, #tpu.memory_space<vmem>>, vector<1x16xf32>,
        %parallel_loop3A_178 = vector.shape_cast %parallel_loop3A_177 : vector<1x16xf32> to vector<16xf32>
        %parallel_loop3A_179 = vector.extract_strided_slice %parallel_loop3A_174 {offsets = [0], sizes = [1], strides = [1]} : vector<16xf32> to vector<1xf32>
        %parallel_loop3A_180 = vector.extract %parallel_loop3A_179[0] : f32 from vector<1xf32>
        %parallel_loop3A_181 = vector.broadcast %parallel_loop3A_180 : f32 to vector<16xf32>
        %parallel_loop3A_182 = arith.mulf %parallel_loop3A_178, %parallel_loop3A_181 : vector<16xf32>
        %parallel_loop3A_183 = arith.index_cast %parallel_loop3A_156 : i32 to index
        %parallel_loop3A_184 = arith.constant 0 : index
        %parallel_loop3A_185 = tpu.vector_load %arg14[%parallel_loop3A_183, %parallel_loop3A_184] {strides = array<i32>} : memref<80x32xf32, #tpu.memory_space<vmem>>, vector<1x16xf32>,
        %parallel_loop3A_186 = vector.shape_cast %parallel_loop3A_185 : vector<1x16xf32> to vector<16xf32>
        %parallel_loop3A_187 = vector.shape_cast %parallel_loop3A_182 : vector<16xf32> to vector<1x16xf32>
        tpu.vector_store %arg14[%parallel_loop3A_183, %parallel_loop3A_184], %parallel_loop3A_187 {strides = array<i32>} : memref<80x32xf32, #tpu.memory_space<vmem>>, vector<1x16xf32>,
        %parallel_loop3A_188 = arith.index_cast %parallel_loop3A_156 : i32 to index
        %parallel_loop3A_189 = arith.constant 16 : index
        %parallel_loop3A_190 = tpu.vector_load %arg14[%parallel_loop3A_188, %parallel_loop3A_189] {strides = array<i32>} : memref<80x32xf32, #tpu.memory_space<vmem>>, vector<1x16xf32>,
        %parallel_loop3A_191 = vector.shape_cast %parallel_loop3A_190 : vector<1x16xf32> to vector<16xf32>
        %parallel_loop3A_192 = vector.shape_cast %parallel_loop3A_174 : vector<16xf32> to vector<1x16xf32>
        tpu.vector_store %arg14[%parallel_loop3A_188, %parallel_loop3A_189], %parallel_loop3A_192 {strides = array<i32>} : memref<80x32xf32, #tpu.memory_space<vmem>>, vector<1x16xf32>,
      } {sc.loop_unroll_factor = 2 : i64, sc.parallel_access}
      %add3A_134 = arith.constant 1 : i32
      %add3A_135 = arith.addi %mul3A_90, %add3A_134 : i32
      %dma_start3A_136 = arith.constant 0 : i32
      %dma_start3A_137 = tpu.memref_slice %arg10[%add3A_135, %dma_start3A_136] : memref<125x80xi32, #tpu.memory_space<vmem>> -> memref<1x80xi32, #tpu.memory_space<vmem>>
      %dma_start3A_138 = tpu.memref_squeeze %dma_start3A_137 : memref<1x80xi32, #tpu.memory_space<vmem>> -> memref<80xi32, #tpu.memory_space<vmem>>
      %dma_start3A_139 = arith.constant 0 : i32
      %dma_start3A_140 = arith.constant 0 : i32
      %dma_start3A_141 = tpu.memref_slice %arg9[%dma_start3A_139, %dma_start3A_140] : memref<10240x32xf32, #tpu.memory_space<vmem_shared>> -> memref<10240x32xf32, #tpu.memory_space<vmem_shared>>
      tpu.enqueue_indirect_dma source(%arg14 : memref<80x32xf32, #tpu.memory_space<vmem>>) target(%dma_start3A_141 : memref<10240x32xf32, #tpu.memory_space<vmem_shared>>) offsets(%dma_start3A_138 : memref<80xi32, #tpu.memory_space<vmem>>) semaphore(%arg24 : memref<!tpu.dma_semaphore, #tpu.memory_space<semaphore_mem>>) {add = true}
      %add3A_142 = arith.constant 2 : i32
      %add3A_143 = arith.addi %mul3A_90, %add3A_142 : i32
      %lt3A_144 = arith.constant 125 : i32
      %lt3A_145 = arith.cmpi slt, %add3A_143, %lt3A_144 : i32
      %convert_element_type3A_146 = arith.extui %lt3A_145 : i1 to i32
      %cond3A_147 = arith.constant 0 : i32
      %cond3A_148 = arith.cmpi ne, %convert_element_type3A_146, %cond3A_147 : i32
      scf.if %cond3A_148 {
        %dma_wait3A_156 = arith.constant 0 : i32
        %dma_wait3A_157 = tpu.memref_slice %arg10[%mul3A_90, %dma_wait3A_156] : memref<125x80xi32, #tpu.memory_space<vmem>> -> memref<1x80xi32, #tpu.memory_space<vmem>>
        %dma_wait3A_158 = tpu.memref_squeeze %dma_wait3A_157 : memref<1x80xi32, #tpu.memory_space<vmem>> -> memref<80xi32, #tpu.memory_space<vmem>>
        %dma_wait3A_159 = arith.constant 0 : i32
        %dma_wait3A_160 = arith.constant 0 : i32
        %dma_wait3A_161 = tpu.memref_slice %arg9[%dma_wait3A_159, %dma_wait3A_160] : memref<10240x32xf32, #tpu.memory_space<vmem_shared>> -> memref<10240x32xf32, #tpu.memory_space<vmem_shared>>
        tpu.wait_indirect_dma semaphore(%arg20 : memref<!tpu.dma_semaphore, #tpu.memory_space<semaphore_mem>>) src(%arg13 : memref<80x32xf32, #tpu.memory_space<vmem>>) dst(%dma_wait3A_161 : memref<10240x32xf32, #tpu.memory_space<vmem_shared>>)
        %add3A_162 = arith.constant 2 : i32
        %add3A_163 = arith.addi %mul3A_90, %add3A_162 : i32
        %mul3A_164 = arith.constant 10000 : i32
        %mul3A_165 = arith.muli %add3A, %mul3A_164 : i32
        %mul3A_166 = arith.constant 80 : i32
        %mul3A_167 = arith.muli %add3A_163, %mul3A_166 : i32
        %add3A_168 = arith.addi %mul3A_165, %mul3A_167 : i32
        %dma_wait3A_169 = tpu.memref_slice %arg4[%add3A_168] : memref<320000xi32, #tpu.memory_space<hbm>> -> memref<80xi32, #tpu.memory_space<hbm>>
        %dma_wait3A_170 = tpu.memref_slice %arg4[%add3A_168] : memref<320000xi32, #tpu.memory_space<hbm>> -> memref<80xi32, #tpu.memory_space<hbm>>
        tpu.wait_dma2 semaphore(%arg21 : memref<!tpu.dma_semaphore, #tpu.memory_space<semaphore_mem>>) src(%dma_wait3A_170 : memref<80xi32, #tpu.memory_space<hbm>>) dst(%arg11 : memref<80xi32, #tpu.memory_space<vmem>>)
        %add3A_171 = arith.constant 2 : i32
        %add3A_172 = arith.addi %mul3A_90, %add3A_171 : i32
        %dma_start3A_173 = arith.constant 0 : i32
        %dma_start3A_174 = arith.constant 0 : i32
        %dma_start3A_175 = tpu.memref_slice %arg2[%dma_start3A_173, %dma_start3A_174] : memref<10000x32xf32, #tpu.memory_space<hbm>> -> memref<10000x32xf32, #tpu.memory_space<hbm>>
        tpu.enqueue_indirect_dma source(%dma_start3A_175 : memref<10000x32xf32, #tpu.memory_space<hbm>>) target(%arg13 : memref<80x32xf32, #tpu.memory_space<vmem>>) offsets(%arg11 : memref<80xi32, #tpu.memory_space<vmem>>) semaphore(%arg18 : memref<!tpu.dma_semaphore, #tpu.memory_space<semaphore_mem>>)
        %dma_start3A_176 = arith.constant 0 : i32
        %dma_start3A_177 = tpu.memref_slice %arg10[%add3A_172, %dma_start3A_176] : memref<125x80xi32, #tpu.memory_space<vmem>> -> memref<1x80xi32, #tpu.memory_space<vmem>>
        %dma_start3A_178 = tpu.memref_squeeze %dma_start3A_177 : memref<1x80xi32, #tpu.memory_space<vmem>> -> memref<80xi32, #tpu.memory_space<vmem>>
        %dma_start3A_179 = arith.constant 0 : i32
        %dma_start3A_180 = arith.constant 0 : i32
        %dma_start3A_181 = tpu.memref_slice %arg3[%dma_start3A_179, %dma_start3A_180] : memref<10000x16xf32, #tpu.memory_space<hbm>> -> memref<10000x16xf32, #tpu.memory_space<hbm>>
        tpu.enqueue_indirect_dma source(%dma_start3A_181 : memref<10000x16xf32, #tpu.memory_space<hbm>>) target(%arg15 : memref<80x16xf32, #tpu.memory_space<vmem>>) offsets(%dma_start3A_178 : memref<80xi32, #tpu.memory_space<vmem>>) semaphore(%arg19 : memref<!tpu.dma_semaphore, #tpu.memory_space<semaphore_mem>>)
      } else {
      }
      %add3A_149 = arith.constant 3 : i32
      %add3A_150 = arith.addi %mul3A_90, %add3A_149 : i32
      %lt3A_151 = arith.constant 125 : i32
      %lt3A_152 = arith.cmpi slt, %add3A_150, %lt3A_151 : i32
      %convert_element_type3A_153 = arith.extui %lt3A_152 : i1 to i32
      %cond3A_154 = arith.constant 0 : i32
      %cond3A_155 = arith.cmpi ne, %convert_element_type3A_153, %cond3A_154 : i32
      scf.if %cond3A_155 {
        %add3A_156 = arith.constant 1 : i32
        %add3A_157 = arith.addi %mul3A_90, %add3A_156 : i32
        %dma_wait3A_158 = arith.constant 0 : i32
        %dma_wait3A_159 = tpu.memref_slice %arg10[%add3A_157, %dma_wait3A_158] : memref<125x80xi32, #tpu.memory_space<vmem>> -> memref<1x80xi32, #tpu.memory_space<vmem>>
        %dma_wait3A_160 = tpu.memref_squeeze %dma_wait3A_159 : memref<1x80xi32, #tpu.memory_space<vmem>> -> memref<80xi32, #tpu.memory_space<vmem>>
        %dma_wait3A_161 = arith.constant 0 : i32
        %dma_wait3A_162 = arith.constant 0 : i32
        %dma_wait3A_163 = tpu.memref_slice %arg9[%dma_wait3A_161, %dma_wait3A_162] : memref<10240x32xf32, #tpu.memory_space<vmem_shared>> -> memref<10240x32xf32, #tpu.memory_space<vmem_shared>>
        tpu.wait_indirect_dma semaphore(%arg24 : memref<!tpu.dma_semaphore, #tpu.memory_space<semaphore_mem>>) src(%arg14 : memref<80x32xf32, #tpu.memory_space<vmem>>) dst(%dma_wait3A_163 : memref<10240x32xf32, #tpu.memory_space<vmem_shared>>)
        %add3A_164 = arith.constant 3 : i32
        %add3A_165 = arith.addi %mul3A_90, %add3A_164 : i32
        %mul3A_166 = arith.constant 10000 : i32
        %mul3A_167 = arith.muli %add3A, %mul3A_166 : i32
        %mul3A_168 = arith.constant 80 : i32
        %mul3A_169 = arith.muli %add3A_165, %mul3A_168 : i32
        %add3A_170 = arith.addi %mul3A_167, %mul3A_169 : i32
        %dma_wait3A_171 = tpu.memref_slice %arg4[%add3A_170] : memref<320000xi32, #tpu.memory_space<hbm>> -> memref<80xi32, #tpu.memory_space<hbm>>
        %dma_wait3A_172 = tpu.memref_slice %arg4[%add3A_170] : memref<320000xi32, #tpu.memory_space<hbm>> -> memref<80xi32, #tpu.memory_space<hbm>>
        tpu.wait_dma2 semaphore(%arg25 : memref<!tpu.dma_semaphore, #tpu.memory_space<semaphore_mem>>) src(%dma_wait3A_172 : memref<80xi32, #tpu.memory_space<hbm>>) dst(%arg12 : memref<80xi32, #tpu.memory_space<vmem>>)
        %add3A_173 = arith.constant 3 : i32
        %add3A_174 = arith.addi %mul3A_90, %add3A_173 : i32
        %dma_start3A_175 = arith.constant 0 : i32
        %dma_start3A_176 = arith.constant 0 : i32
        %dma_start3A_177 = tpu.memref_slice %arg2[%dma_start3A_175, %dma_start3A_176] : memref<10000x32xf32, #tpu.memory_space<hbm>> -> memref<10000x32xf32, #tpu.memory_space<hbm>>
        tpu.enqueue_indirect_dma source(%dma_start3A_177 : memref<10000x32xf32, #tpu.memory_space<hbm>>) target(%arg14 : memref<80x32xf32, #tpu.memory_space<vmem>>) offsets(%arg12 : memref<80xi32, #tpu.memory_space<vmem>>) semaphore(%arg22 : memref<!tpu.dma_semaphore, #tpu.memory_space<semaphore_mem>>)
        %dma_start3A_178 = arith.constant 0 : i32
        %dma_start3A_179 = tpu.memref_slice %arg10[%add3A_174, %dma_start3A_178] : memref<125x80xi32, #tpu.memory_space<vmem>> -> memref<1x80xi32, #tpu.memory_space<vmem>>
        %dma_start3A_180 = tpu.memref_squeeze %dma_start3A_179 : memref<1x80xi32, #tpu.memory_space<vmem>> -> memref<80xi32, #tpu.memory_space<vmem>>
        %dma_start3A_181 = arith.constant 0 : i32
        %dma_start3A_182 = arith.constant 0 : i32
        %dma_start3A_183 = tpu.memref_slice %arg3[%dma_start3A_181, %dma_start3A_182] : memref<10000x16xf32, #tpu.memory_space<hbm>> -> memref<10000x16xf32, #tpu.memory_space<hbm>>
        tpu.enqueue_indirect_dma source(%dma_start3A_183 : memref<10000x16xf32, #tpu.memory_space<hbm>>) target(%arg16 : memref<80x16xf32, #tpu.memory_space<vmem>>) offsets(%dma_start3A_180 : memref<80xi32, #tpu.memory_space<vmem>>) semaphore(%arg23 : memref<!tpu.dma_semaphore, #tpu.memory_space<semaphore_mem>>)
      } else {
      }
    }
    %scan3A_53 = arith.constant 62 : i32
    %dma_wait3A_54 = arith.constant 0 : i32
    %dma_wait3A_55 = arith.constant 0 : i32
    %dma_wait3A_56 = tpu.memref_slice %arg2[%dma_wait3A_54, %dma_wait3A_55] : memref<10000x32xf32, #tpu.memory_space<hbm>> -> memref<10000x32xf32, #tpu.memory_space<hbm>>
    tpu.wait_indirect_dma semaphore(%arg18 : memref<!tpu.dma_semaphore, #tpu.memory_space<semaphore_mem>>) src(%dma_wait3A_56 : memref<10000x32xf32, #tpu.memory_space<hbm>>) dst(%arg13 : memref<80x32xf32, #tpu.memory_space<vmem>>)
    %dma_wait3A_57 = arith.constant 124 : i32
    %dma_wait3A_58 = arith.constant 0 : i32
    %dma_wait3A_59 = tpu.memref_slice %arg10[%dma_wait3A_57, %dma_wait3A_58] : memref<125x80xi32, #tpu.memory_space<vmem>> -> memref<1x80xi32, #tpu.memory_space<vmem>>
    %dma_wait3A_60 = tpu.memref_squeeze %dma_wait3A_59 : memref<1x80xi32, #tpu.memory_space<vmem>> -> memref<80xi32, #tpu.memory_space<vmem>>
    %dma_wait3A_61 = arith.constant 0 : i32
    %dma_wait3A_62 = arith.constant 0 : i32
    %dma_wait3A_63 = tpu.memref_slice %arg3[%dma_wait3A_61, %dma_wait3A_62] : memref<10000x16xf32, #tpu.memory_space<hbm>> -> memref<10000x16xf32, #tpu.memory_space<hbm>>
    tpu.wait_indirect_dma semaphore(%arg19 : memref<!tpu.dma_semaphore, #tpu.memory_space<semaphore_mem>>) src(%dma_wait3A_63 : memref<10000x16xf32, #tpu.memory_space<hbm>>) dst(%arg15 : memref<80x16xf32, #tpu.memory_space<vmem>>)
    %parallel_loop3A = arith.constant 0 : i32
    %parallel_loop3A_64 = arith.constant 80 : i32
    %parallel_loop3A_65 = arith.constant 1 : i32
    scf.for %parallel_loop3A_88 = %parallel_loop3A to %parallel_loop3A_64 step %parallel_loop3A_65  : i32 {
      %parallel_loop3A_89 = arith.index_cast %parallel_loop3A_88 : i32 to index
      %parallel_loop3A_90 = arith.constant 16 : index
      %parallel_loop3A_91 = tpu.vector_load %arg13[%parallel_loop3A_89, %parallel_loop3A_90] {strides = array<i32>} : memref<80x32xf32, #tpu.memory_space<vmem>>, vector<1x16xf32>,
      %parallel_loop3A_92 = vector.shape_cast %parallel_loop3A_91 : vector<1x16xf32> to vector<16xf32>
      %parallel_loop3A_93 = arith.index_cast %parallel_loop3A_88 : i32 to index
      %parallel_loop3A_94 = arith.constant 0 : index
      %parallel_loop3A_95 = tpu.vector_load %arg15[%parallel_loop3A_93, %parallel_loop3A_94] {strides = array<i32>} : memref<80x16xf32, #tpu.memory_space<vmem>>, vector<1x16xf32>,
      %parallel_loop3A_96 = vector.shape_cast %parallel_loop3A_95 : vector<1x16xf32> to vector<16xf32>
      %parallel_loop3A_97 = arith.addf %parallel_loop3A_92, %parallel_loop3A_96 : vector<16xf32>
      %parallel_loop3A_98 = arith.constant 0.000000e+00 : f32
      %parallel_loop3A_99 = vector.broadcast %parallel_loop3A_98 : f32 to vector<16xf32>
      %parallel_loop3A_100 = arith.cmpf oge, %parallel_loop3A_97, %parallel_loop3A_99 : vector<16xf32>
      %parallel_loop3A_101 = arith.constant 2.000000e-01 : f32
      %parallel_loop3A_102 = vector.broadcast %parallel_loop3A_101 : f32 to vector<16xf32>
      %parallel_loop3A_103 = arith.mulf %parallel_loop3A_97, %parallel_loop3A_102 : vector<16xf32>
      %parallel_loop3A_104 = arith.select %parallel_loop3A_100, %parallel_loop3A_97, %parallel_loop3A_103 : vector<16xi1>, vector<16xf32>
      %parallel_loop3A_105 = arith.subf %parallel_loop3A_104, %get3A_6 : vector<16xf32>
      %parallel_loop3A_106 = math.exp %parallel_loop3A_105 : vector<16xf32>
      %parallel_loop3A_107 = arith.index_cast %parallel_loop3A_88 : i32 to index
      %parallel_loop3A_108 = arith.constant 0 : index
      %parallel_loop3A_109 = tpu.vector_load %arg13[%parallel_loop3A_107, %parallel_loop3A_108] {strides = array<i32>} : memref<80x32xf32, #tpu.memory_space<vmem>>, vector<1x16xf32>,
      %parallel_loop3A_110 = vector.shape_cast %parallel_loop3A_109 : vector<1x16xf32> to vector<16xf32>
      %parallel_loop3A_111 = vector.extract_strided_slice %parallel_loop3A_106 {offsets = [0], sizes = [1], strides = [1]} : vector<16xf32> to vector<1xf32>
      %parallel_loop3A_112 = vector.extract %parallel_loop3A_111[0] : f32 from vector<1xf32>
      %parallel_loop3A_113 = vector.broadcast %parallel_loop3A_112 : f32 to vector<16xf32>
      %parallel_loop3A_114 = arith.mulf %parallel_loop3A_110, %parallel_loop3A_113 : vector<16xf32>
      %parallel_loop3A_115 = arith.index_cast %parallel_loop3A_88 : i32 to index
      %parallel_loop3A_116 = arith.constant 0 : index
      %parallel_loop3A_117 = tpu.vector_load %arg13[%parallel_loop3A_115, %parallel_loop3A_116] {strides = array<i32>} : memref<80x32xf32, #tpu.memory_space<vmem>>, vector<1x16xf32>,
      %parallel_loop3A_118 = vector.shape_cast %parallel_loop3A_117 : vector<1x16xf32> to vector<16xf32>
      %parallel_loop3A_119 = vector.shape_cast %parallel_loop3A_114 : vector<16xf32> to vector<1x16xf32>
      tpu.vector_store %arg13[%parallel_loop3A_115, %parallel_loop3A_116], %parallel_loop3A_119 {strides = array<i32>} : memref<80x32xf32, #tpu.memory_space<vmem>>, vector<1x16xf32>,
      %parallel_loop3A_120 = arith.index_cast %parallel_loop3A_88 : i32 to index
      %parallel_loop3A_121 = arith.constant 16 : index
      %parallel_loop3A_122 = tpu.vector_load %arg13[%parallel_loop3A_120, %parallel_loop3A_121] {strides = array<i32>} : memref<80x32xf32, #tpu.memory_space<vmem>>, vector<1x16xf32>,
      %parallel_loop3A_123 = vector.shape_cast %parallel_loop3A_122 : vector<1x16xf32> to vector<16xf32>
      %parallel_loop3A_124 = vector.shape_cast %parallel_loop3A_106 : vector<16xf32> to vector<1x16xf32>
      tpu.vector_store %arg13[%parallel_loop3A_120, %parallel_loop3A_121], %parallel_loop3A_124 {strides = array<i32>} : memref<80x32xf32, #tpu.memory_space<vmem>>, vector<1x16xf32>,
    } {sc.loop_unroll_factor = 2 : i64, sc.parallel_access}
    %dma_start3A_66 = arith.constant 124 : i32
    %dma_start3A_67 = arith.constant 0 : i32
    %dma_start3A_68 = tpu.memref_slice %arg10[%dma_start3A_66, %dma_start3A_67] : memref<125x80xi32, #tpu.memory_space<vmem>> -> memref<1x80xi32, #tpu.memory_space<vmem>>
    %dma_start3A_69 = tpu.memref_squeeze %dma_start3A_68 : memref<1x80xi32, #tpu.memory_space<vmem>> -> memref<80xi32, #tpu.memory_space<vmem>>
    %dma_start3A_70 = arith.constant 0 : i32
    %dma_start3A_71 = arith.constant 0 : i32
    %dma_start3A_72 = tpu.memref_slice %arg9[%dma_start3A_70, %dma_start3A_71] : memref<10240x32xf32, #tpu.memory_space<vmem_shared>> -> memref<10240x32xf32, #tpu.memory_space<vmem_shared>>
    tpu.enqueue_indirect_dma source(%arg13 : memref<80x32xf32, #tpu.memory_space<vmem>>) target(%dma_start3A_72 : memref<10240x32xf32, #tpu.memory_space<vmem_shared>>) offsets(%dma_start3A_69 : memref<80xi32, #tpu.memory_space<vmem>>) semaphore(%arg20 : memref<!tpu.dma_semaphore, #tpu.memory_space<semaphore_mem>>) {add = true}
    %dma_wait3A_73 = arith.constant 124 : i32
    %dma_wait3A_74 = arith.constant 0 : i32
    %dma_wait3A_75 = tpu.memref_slice %arg10[%dma_wait3A_73, %dma_wait3A_74] : memref<125x80xi32, #tpu.memory_space<vmem>> -> memref<1x80xi32, #tpu.memory_space<vmem>>
    %dma_wait3A_76 = tpu.memref_squeeze %dma_wait3A_75 : memref<1x80xi32, #tpu.memory_space<vmem>> -> memref<80xi32, #tpu.memory_space<vmem>>
    %dma_wait3A_77 = arith.constant 0 : i32
    %dma_wait3A_78 = arith.constant 0 : i32
    %dma_wait3A_79 = tpu.memref_slice %arg9[%dma_wait3A_77, %dma_wait3A_78] : memref<10240x32xf32, #tpu.memory_space<vmem_shared>> -> memref<10240x32xf32, #tpu.memory_space<vmem_shared>>
    tpu.wait_indirect_dma semaphore(%arg20 : memref<!tpu.dma_semaphore, #tpu.memory_space<semaphore_mem>>) src(%arg13 : memref<80x32xf32, #tpu.memory_space<vmem>>) dst(%dma_wait3A_79 : memref<10240x32xf32, #tpu.memory_space<vmem_shared>>)
    %dma_wait3A_80 = arith.constant 123 : i32
    %dma_wait3A_81 = arith.constant 0 : i32
    %dma_wait3A_82 = tpu.memref_slice %arg10[%dma_wait3A_80, %dma_wait3A_81] : memref<125x80xi32, #tpu.memory_space<vmem>> -> memref<1x80xi32, #tpu.memory_space<vmem>>
    %dma_wait3A_83 = tpu.memref_squeeze %dma_wait3A_82 : memref<1x80xi32, #tpu.memory_space<vmem>> -> memref<80xi32, #tpu.memory_space<vmem>>
    %dma_wait3A_84 = arith.constant 0 : i32
    %dma_wait3A_85 = arith.constant 0 : i32
    %dma_wait3A_86 = tpu.memref_slice %arg9[%dma_wait3A_84, %dma_wait3A_85] : memref<10240x32xf32, #tpu.memory_space<vmem_shared>> -> memref<10240x32xf32, #tpu.memory_space<vmem_shared>>
    tpu.wait_indirect_dma semaphore(%arg24 : memref<!tpu.dma_semaphore, #tpu.memory_space<semaphore_mem>>) src(%arg14 : memref<80x32xf32, #tpu.memory_space<vmem>>) dst(%dma_wait3A_86 : memref<10240x32xf32, #tpu.memory_space<vmem_shared>>)
    %barrier3A_87 = arith.constant 0 : index
    tpu.barrier barrier_id(%barrier3A_87)
    "tpu.region"() ({
      %run_scoped3A_88 = tpu.sem_alloc : memref<!tpu.dma_semaphore, #tpu.memory_space<semaphore_mem>>
      %dma_start3A_89 = arith.constant 0 : i32
      %dma_start3A_90 = tpu.memref_slice %arg8[%arg0, %mul3A_2, %dma_start3A_89] : memref<2x10240x32xf32, #tpu.memory_space<hbm>> -> memref<1x640x32xf32, #tpu.memory_space<hbm>>
      %dma_start3A_91 = tpu.memref_squeeze %dma_start3A_90 : memref<1x640x32xf32, #tpu.memory_space<hbm>> -> memref<640x32xf32, #tpu.memory_space<hbm>>
      %dma_start3A_92 = arith.constant 0 : i32
      %dma_start3A_93 = tpu.memref_slice %arg9[%mul3A_2, %dma_start3A_92] : memref<10240x32xf32, #tpu.memory_space<vmem_shared>> -> memref<640x32xf32, #tpu.memory_space<vmem_shared>>
      tpu.enqueue_dma source(%dma_start3A_93 : memref<640x32xf32, #tpu.memory_space<vmem_shared>>) target(%dma_start3A_91 : memref<640x32xf32, #tpu.memory_space<hbm>>) target_semaphore(%run_scoped3A_88 : memref<!tpu.dma_semaphore, #tpu.memory_space<semaphore_mem>>)
      %dma_wait3A_94 = arith.constant 0 : i32
      %dma_wait3A_95 = tpu.memref_slice %arg8[%arg0, %mul3A_2, %dma_wait3A_94] : memref<2x10240x32xf32, #tpu.memory_space<hbm>> -> memref<1x640x32xf32, #tpu.memory_space<hbm>>
      %dma_wait3A_96 = tpu.memref_squeeze %dma_wait3A_95 : memref<1x640x32xf32, #tpu.memory_space<hbm>> -> memref<640x32xf32, #tpu.memory_space<hbm>>
      %dma_wait3A_97 = arith.constant 0 : i32
      %dma_wait3A_98 = tpu.memref_slice %arg9[%mul3A_2, %dma_wait3A_97] : memref<10240x32xf32, #tpu.memory_space<vmem_shared>> -> memref<640x32xf32, #tpu.memory_space<vmem_shared>>
      tpu.wait_dma2 semaphore(%run_scoped3A_88 : memref<!tpu.dma_semaphore, #tpu.memory_space<semaphore_mem>>) src(%dma_wait3A_98 : memref<640x32xf32, #tpu.memory_space<vmem_shared>>) dst(%dma_wait3A_96 : memref<640x32xf32, #tpu.memory_space<hbm>>)
      tpu.yield
    }) : () -> ()
    return
  }
}

module attributes {stable_mosaic.version = 14 : i64} {
  func.func @_tc1_body(%arg0: i32, %arg1: memref<2000x128xf32, #tpu.memory_space<vmem>>, %arg2: memref<128x128xf32, #tpu.memory_space<vmem>>, %arg3: memref<128x16xf32, #tpu.memory_space<vmem>>, %arg4: memref<128x16xf32, #tpu.memory_space<vmem>>, %arg5: memref<2000x144xf32, #tpu.memory_space<vmem>>, %arg6: memref<2000x16xf32, #tpu.memory_space<vmem>>, %arg7: memref<1x16xf32, #tpu.memory_space<vmem>>) attributes {dimension_semantics = [#tpu.dimension_semantics<arbitrary>], iteration_bounds = array<i64: 5>, scalar_prefetch = 0 : i64, scratch_operands = 0 : i64, tpu.core_type = #tpu.core_type<tc>, window_params = [{transform_indices = @transform_0, window_bounds = array<i64: 2000, 128>}, {pipeline_mode = #tpu.pipeline_mode<synchronous>, transform_indices = @transform_1, window_bounds = array<i64: 128, 128>}, {pipeline_mode = #tpu.pipeline_mode<synchronous>, transform_indices = @transform_2, window_bounds = array<i64: 128, 16>}, {pipeline_mode = #tpu.pipeline_mode<synchronous>, transform_indices = @transform_3, window_bounds = array<i64: 128, 16>}, {transform_indices = @transform_4, window_bounds = array<i64: 2000, 144>}, {transform_indices = @transform_5, window_bounds = array<i64: 2000, 16>}, {pipeline_mode = #tpu.pipeline_mode<synchronous>, transform_indices = @transform_6, window_bounds = array<i64: 1, 16>}]} {
    %get3A = arith.constant 0 : index
    %get3A_0 = arith.constant 0 : index
    %get3A_1 = vector.load %arg1[%get3A, %get3A_0] : memref<2000x128xf32, #tpu.memory_space<vmem>>, vector<2000x128xf32>
    %get3A_2 = arith.constant 0 : index
    %get3A_3 = arith.constant 0 : index
    %get3A_4 = vector.load %arg2[%get3A_2, %get3A_3] : memref<128x128xf32, #tpu.memory_space<vmem>>, vector<128x128xf32>
    %dot_general3A = arith.constant dense<0.000000e+00> : vector<2000x128xf32>
    %dot_general3A_5 = tpu.matmul %get3A_1, %get3A_4, %dot_general3A {dimension_numbers = #tpu.dot_dimension_numbers<[1], [0], [0], [1], [0, 0, 1, 1], [], []>, transpose_lhs_hint = false} : vector<2000x128xf32>, vector<128x128xf32>, vector<2000x128xf32> -> vector<2000x128xf32>
    %get3A_6 = arith.constant 0 : index
    %get3A_7 = arith.constant 0 : index
    %get3A_8 = vector.load %arg3[%get3A_6, %get3A_7] : memref<128x16xf32, #tpu.memory_space<vmem>>, vector<128x16xf32>
    %dot_general3A_9 = arith.constant dense<0.000000e+00> : vector<2000x16xf32>
    %dot_general3A_10 = tpu.matmul %dot_general3A_5, %get3A_8, %dot_general3A_9 {dimension_numbers = #tpu.dot_dimension_numbers<[1], [0], [0], [1], [0, 0, 1, 1], [], []>, transpose_lhs_hint = false} : vector<2000x128xf32>, vector<128x16xf32>, vector<2000x16xf32> -> vector<2000x16xf32>
    %get3A_11 = arith.constant 0 : index
    %get3A_12 = arith.constant 0 : index
    %get3A_13 = vector.load %arg4[%get3A_11, %get3A_12] : memref<128x16xf32, #tpu.memory_space<vmem>>, vector<128x16xf32>
    %dot_general3A_14 = arith.constant dense<0.000000e+00> : vector<2000x16xf32>
    %dot_general3A_15 = tpu.matmul %dot_general3A_5, %get3A_13, %dot_general3A_14 {dimension_numbers = #tpu.dot_dimension_numbers<[1], [0], [0], [1], [0, 0, 1, 1], [], []>, transpose_lhs_hint = false} : vector<2000x128xf32>, vector<128x16xf32>, vector<2000x16xf32> -> vector<2000x16xf32>
    %swap3A = arith.constant 0 : index
    %swap3A_16 = arith.constant 0 : index
    %swap3A_17 = vector.load %arg5[%swap3A, %swap3A_16] : memref<2000x144xf32, #tpu.memory_space<vmem>>, vector<2000x128xf32>
    tpu.vector_store %arg5[%swap3A, %swap3A_16], %dot_general3A_5 {strides = array<i32>} : memref<2000x144xf32, #tpu.memory_space<vmem>>, vector<2000x128xf32>,
    %swap3A_18 = arith.constant 0 : index
    %swap3A_19 = arith.constant 128 : index
    %swap3A_20 = vector.load %arg5[%swap3A_18, %swap3A_19] : memref<2000x144xf32, #tpu.memory_space<vmem>>, vector<2000x16xf32>
    tpu.vector_store %arg5[%swap3A_18, %swap3A_19], %dot_general3A_10 {strides = array<i32>} : memref<2000x144xf32, #tpu.memory_space<vmem>>, vector<2000x16xf32>,
    %swap3A_21 = arith.constant 0 : index
    %swap3A_22 = arith.constant 0 : index
    %swap3A_23 = vector.load %arg6[%swap3A_21, %swap3A_22] : memref<2000x16xf32, #tpu.memory_space<vmem>>, vector<2000x16xf32>
    tpu.vector_store %arg6[%swap3A_21, %swap3A_22], %dot_general3A_15 {strides = array<i32>} : memref<2000x16xf32, #tpu.memory_space<vmem>>, vector<2000x16xf32>,
    %reduce_max3A = arith.constant dense<0xFF800000> : vector<16xf32>
    %reduce_max3A_24 = vector.multi_reduction <maximumf>, %dot_general3A_10, %reduce_max3A [0] : vector<2000x16xf32> to vector<16xf32>
    %broadcast_in_dim3A = vector.shape_cast %reduce_max3A_24 : vector<16xf32> to vector<1x16xf32>
    %eq3A = arith.constant 0 : i32
    %eq3A_25 = arith.cmpi eq, %arg0, %eq3A : i32
    %convert_element_type3A = arith.extui %eq3A_25 : i1 to i32
    %cond3A = arith.constant 0 : i32
    %cond3A_26 = arith.cmpi ne, %convert_element_type3A, %cond3A : i32
    scf.if %cond3A_26 {
      %swap3A_36 = arith.constant 0 : index
      %swap3A_37 = arith.constant 0 : index
      %swap3A_38 = vector.load %arg7[%swap3A_36, %swap3A_37] : memref<1x16xf32, #tpu.memory_space<vmem>>, vector<1x16xf32>
      tpu.vector_store %arg7[%swap3A_36, %swap3A_37], %broadcast_in_dim3A {strides = array<i32>} : memref<1x16xf32, #tpu.memory_space<vmem>>, vector<1x16xf32>,
    } else {
    }
    %gt3A = arith.constant 0 : i32
    %gt3A_27 = arith.cmpi sgt, %arg0, %gt3A : i32
    %convert_element_type3A_28 = arith.extui %gt3A_27 : i1 to i32
    %cond3A_29 = arith.constant 0 : i32
    %cond3A_30 = arith.cmpi ne, %convert_element_type3A_28, %cond3A_29 : i32
    scf.if %cond3A_30 {
      %get3A_36 = arith.constant 0 : index
      %get3A_37 = arith.constant 0 : index
      %get3A_38 = vector.load %arg7[%get3A_36, %get3A_37] : memref<1x16xf32, #tpu.memory_space<vmem>>, vector<1x16xf32>
      %max3A = arith.maximumf %get3A_38, %broadcast_in_dim3A : vector<1x16xf32>
      %swap3A_39 = arith.constant 0 : index
      %swap3A_40 = arith.constant 0 : index
      %swap3A_41 = vector.load %arg7[%swap3A_39, %swap3A_40] : memref<1x16xf32, #tpu.memory_space<vmem>>, vector<1x16xf32>
      tpu.vector_store %arg7[%swap3A_39, %swap3A_40], %max3A {strides = array<i32>} : memref<1x16xf32, #tpu.memory_space<vmem>>, vector<1x16xf32>,
    } else {
    }
    %eq3A_31 = arith.constant 4 : i32
    %eq3A_32 = arith.cmpi eq, %arg0, %eq3A_31 : i32
    %convert_element_type3A_33 = arith.extui %eq3A_32 : i1 to i32
    %cond3A_34 = arith.constant 0 : i32
    %cond3A_35 = arith.cmpi ne, %convert_element_type3A_33, %cond3A_34 : i32
    scf.if %cond3A_35 {
      %get3A_36 = arith.constant 0 : index
      %get3A_37 = arith.constant 0 : index
      %get3A_38 = vector.load %arg7[%get3A_36, %get3A_37] : memref<1x16xf32, #tpu.memory_space<vmem>>, vector<1x16xf32>
      %slice3A = vector.extract_strided_slice %get3A_38 {offsets = [0, 0], sizes = [1, 8], strides = [1, 1]} : vector<1x16xf32> to vector<1x8xf32>
      %slice3A_39 = vector.extract_strided_slice %get3A_38 {offsets = [0, 8], sizes = [1, 8], strides = [1, 1]} : vector<1x16xf32> to vector<1x8xf32>
      %add3A = arith.addf %slice3A, %slice3A_39 : vector<1x8xf32>
      %ge3A = arith.constant 0.000000e+00 : f32
      %ge3A_40 = vector.broadcast %ge3A : f32 to vector<1x8xf32>
      %ge3A_41 = arith.cmpf oge, %add3A, %ge3A_40 : vector<1x8xf32>
      %mul3A = arith.constant 2.000000e-01 : f32
      %mul3A_42 = vector.broadcast %mul3A : f32 to vector<1x8xf32>
      %mul3A_43 = arith.mulf %mul3A_42, %add3A : vector<1x8xf32>
      %select_n3A = arith.select %ge3A_41, %add3A, %mul3A_43 : vector<1x8xi1>, vector<1x8xf32>
      %broadcast_in_dim3A_44 = arith.constant 1.000000e+30 : f32
      %broadcast_in_dim3A_45 = vector.broadcast %broadcast_in_dim3A_44 : f32 to vector<1x8xf32>
      %concatenate3A = tpu.concatenate %select_n3A, %broadcast_in_dim3A_45 in 1 : vector<1x8xf32>, vector<1x8xf32> -> vector<1x16xf32>
      %swap3A_46 = arith.constant 0 : index
      %swap3A_47 = arith.constant 0 : index
      %swap3A_48 = vector.load %arg7[%swap3A_46, %swap3A_47] : memref<1x16xf32, #tpu.memory_space<vmem>>, vector<1x16xf32>
      tpu.vector_store %arg7[%swap3A_46, %swap3A_47], %concatenate3A {strides = array<i32>} : memref<1x16xf32, #tpu.memory_space<vmem>>, vector<1x16xf32>,
    } else {
    }
    return
  }
  func.func @transform_0(%arg0: i32) -> (i32, i32) {
    %c0_i32 = arith.constant 0 : i32
    %c0_i32_0 = arith.constant 0 : i32
    return %arg0, %c0_i32 : i32, i32
  }
  func.func @transform_1(%arg0: i32) -> (i32, i32) {
    %c0_i32 = arith.constant 0 : i32
    %c0_i32_0 = arith.constant 0 : i32
    %c0_i32_1 = arith.constant 0 : i32
    return %c0_i32, %c0_i32_0 : i32, i32
  }
  func.func @transform_2(%arg0: i32) -> (i32, i32) {
    %c0_i32 = arith.constant 0 : i32
    %c0_i32_0 = arith.constant 0 : i32
    %c0_i32_1 = arith.constant 0 : i32
    return %c0_i32, %c0_i32_0 : i32, i32
  }
  func.func @transform_3(%arg0: i32) -> (i32, i32) {
    %c0_i32 = arith.constant 0 : i32
    %c0_i32_0 = arith.constant 0 : i32
    %c0_i32_1 = arith.constant 0 : i32
    return %c0_i32, %c0_i32_0 : i32, i32
  }
  func.func @transform_4(%arg0: i32) -> (i32, i32) {
    %c0_i32 = arith.constant 0 : i32
    %c0_i32_0 = arith.constant 0 : i32
    return %arg0, %c0_i32 : i32, i32
  }
  func.func @transform_5(%arg0: i32) -> (i32, i32) {
    %c0_i32 = arith.constant 0 : i32
    %c0_i32_0 = arith.constant 0 : i32
    return %arg0, %c0_i32 : i32, i32
  }
  func.func @transform_6(%arg0: i32) -> (i32, i32) {
    %c0_i32 = arith.constant 0 : i32
    %c0_i32_0 = arith.constant 0 : i32
    %c0_i32_1 = arith.constant 0 : i32
    return %c0_i32, %c0_i32_0 : i32, i32
  }
}

module attributes {stable_mosaic.version = 14 : i64} {
  func.func @_tc2_body(%arg0: i32, %arg1: memref<2x2000x144xf32, #tpu.memory_space<vmem>>, %arg2: memref<1x128xf32, #tpu.memory_space<vmem>>, %arg3: memref<128x16xf32, #tpu.memory_space<vmem>>, %arg4: memref<16x16xf32, #tpu.memory_space<vmem>>, %arg5: memref<16x16xf32, #tpu.memory_space<vmem>>, %arg6: memref<16x128xf32, #tpu.memory_space<vmem>>, %arg7: memref<2000x32xf32, #tpu.memory_space<vmem>>, %arg8: memref<2000x16xf32, #tpu.memory_space<vmem>>, %arg9: memref<1x16xf32, #tpu.memory_space<vmem>>, %arg10: memref<2x16xf32, #tpu.memory_space<vmem>>) attributes {dimension_semantics = [#tpu.dimension_semantics<arbitrary>], iteration_bounds = array<i64: 5>, scalar_prefetch = 0 : i64, scratch_operands = 1 : i64, tpu.core_type = #tpu.core_type<tc>, window_params = [{transform_indices = @transform_0, window_bounds = array<i64: 2, 2000, 144>}, {pipeline_mode = #tpu.pipeline_mode<synchronous>, transform_indices = @transform_1, window_bounds = array<i64: 1, 128>}, {pipeline_mode = #tpu.pipeline_mode<synchronous>, transform_indices = @transform_2, window_bounds = array<i64: 128, 16>}, {pipeline_mode = #tpu.pipeline_mode<synchronous>, transform_indices = @transform_3, window_bounds = array<i64: 16, 16>}, {pipeline_mode = #tpu.pipeline_mode<synchronous>, transform_indices = @transform_4, window_bounds = array<i64: 16, 16>}, {pipeline_mode = #tpu.pipeline_mode<synchronous>, transform_indices = @transform_5, window_bounds = array<i64: 16, 128>}, {transform_indices = @transform_6, window_bounds = array<i64: 2000, 32>}, {transform_indices = @transform_7, window_bounds = array<i64: 2000, 16>}, {pipeline_mode = #tpu.pipeline_mode<synchronous>, transform_indices = @transform_8, window_bounds = array<i64: 1, 16>}]} {
    %get3A = arith.constant 0 : index
    %get3A_0 = arith.constant 0 : index
    %get3A_1 = arith.constant 0 : index
    %get3A_2 = vector.load %arg1[%get3A, %get3A_0, %get3A_1] : memref<2x2000x144xf32, #tpu.memory_space<vmem>>, vector<1x2000x128xf32>
    %get3A_3 = vector.shape_cast %get3A_2 : vector<1x2000x128xf32> to vector<2000x128xf32>
    %get3A_4 = arith.constant 1 : index
    %get3A_5 = arith.constant 0 : index
    %get3A_6 = arith.constant 0 : index
    %get3A_7 = vector.load %arg1[%get3A_4, %get3A_5, %get3A_6] : memref<2x2000x144xf32, #tpu.memory_space<vmem>>, vector<1x2000x128xf32>
    %get3A_8 = vector.shape_cast %get3A_7 : vector<1x2000x128xf32> to vector<2000x128xf32>
    %add3A = arith.addf %get3A_3, %get3A_8 : vector<2000x128xf32>
    %get3A_9 = arith.constant 0 : index
    %get3A_10 = arith.constant 0 : index
    %get3A_11 = arith.constant 128 : index
    %get3A_12 = vector.load %arg1[%get3A_9, %get3A_10, %get3A_11] : memref<2x2000x144xf32, #tpu.memory_space<vmem>>, vector<1x2000x16xf32>
    %get3A_13 = vector.shape_cast %get3A_12 : vector<1x2000x16xf32> to vector<2000x16xf32>
    %get3A_14 = arith.constant 1 : index
    %get3A_15 = arith.constant 0 : index
    %get3A_16 = arith.constant 128 : index
    %get3A_17 = vector.load %arg1[%get3A_14, %get3A_15, %get3A_16] : memref<2x2000x144xf32, #tpu.memory_space<vmem>>, vector<1x2000x16xf32>
    %get3A_18 = vector.shape_cast %get3A_17 : vector<1x2000x16xf32> to vector<2000x16xf32>
    %add3A_19 = arith.addf %get3A_13, %get3A_18 : vector<2000x16xf32>
    %add3A_20 = arith.constant 1.000000e-16 : f32
    %add3A_21 = vector.broadcast %add3A_20 : f32 to vector<2000x16xf32>
    %add3A_22 = arith.addf %add3A_19, %add3A_21 : vector<2000x16xf32>
    %div3A = arith.constant 1.000000e+00 : f32
    %div3A_23 = vector.broadcast %div3A : f32 to vector<2000x16xf32>
    %div3A_24 = arith.divf %div3A_23, %add3A_22 : vector<2000x16xf32>
    %mul3A = arith.mulf %add3A_22, %div3A_24 : vector<2000x16xf32>
    %sub3A = arith.constant 2.000000e+00 : f32
    %sub3A_25 = vector.broadcast %sub3A : f32 to vector<2000x16xf32>
    %sub3A_26 = arith.subf %sub3A_25, %mul3A : vector<2000x16xf32>
    %mul3A_27 = arith.mulf %div3A_24, %sub3A_26 : vector<2000x16xf32>
    %mul3A_28 = arith.mulf %add3A_22, %mul3A_27 : vector<2000x16xf32>
    %sub3A_29 = arith.constant 2.000000e+00 : f32
    %sub3A_30 = vector.broadcast %sub3A_29 : f32 to vector<2000x16xf32>
    %sub3A_31 = arith.subf %sub3A_30, %mul3A_28 : vector<2000x16xf32>
    %mul3A_32 = arith.mulf %mul3A_27, %sub3A_31 : vector<2000x16xf32>
    %get3A_33 = arith.constant 0 : index
    %get3A_34 = arith.constant 0 : index
    %get3A_35 = vector.load %arg6[%get3A_33, %get3A_34] : memref<16x128xf32, #tpu.memory_space<vmem>>, vector<16x128xf32>
    %dot_general3A = arith.constant dense<0.000000e+00> : vector<2000x128xf32>
    %dot_general3A_36 = tpu.matmul %mul3A_32, %get3A_35, %dot_general3A {dimension_numbers = #tpu.dot_dimension_numbers<[1], [0], [0], [1], [0, 0, 1, 1], [], []>, transpose_lhs_hint = false} : vector<2000x16xf32>, vector<16x128xf32>, vector<2000x128xf32> -> vector<2000x128xf32>
    %mul3A_37 = arith.mulf %add3A, %dot_general3A_36 : vector<2000x128xf32>
    %get3A_38 = arith.constant 0 : index
    %get3A_39 = arith.constant 0 : index
    %get3A_40 = vector.load %arg2[%get3A_38, %get3A_39] : memref<1x128xf32, #tpu.memory_space<vmem>>, vector<1x128xf32>
    %add3A_41 = vector.broadcast %get3A_40 : vector<1x128xf32> to vector<2000x128xf32>
    %add3A_42 = arith.addf %mul3A_37, %add3A_41 : vector<2000x128xf32>
    %gt3A = arith.constant 0.000000e+00 : f32
    %gt3A_43 = vector.broadcast %gt3A : f32 to vector<2000x128xf32>
    %gt3A_44 = arith.cmpf ogt, %add3A_42, %gt3A_43 : vector<2000x128xf32>
    %exp3A = math.exp %add3A_42 : vector<2000x128xf32>
    %sub3A_45 = arith.constant 1.000000e+00 : f32
    %sub3A_46 = vector.broadcast %sub3A_45 : f32 to vector<2000x128xf32>
    %sub3A_47 = arith.subf %exp3A, %sub3A_46 : vector<2000x128xf32>
    %select_n3A = arith.select %gt3A_44, %add3A_42, %sub3A_47 : vector<2000x128xi1>, vector<2000x128xf32>
    %get3A_48 = arith.constant 0 : index
    %get3A_49 = arith.constant 0 : index
    %get3A_50 = vector.load %arg3[%get3A_48, %get3A_49] : memref<128x16xf32, #tpu.memory_space<vmem>>, vector<128x16xf32>
    %dot_general3A_51 = arith.constant dense<0.000000e+00> : vector<2000x16xf32>
    %dot_general3A_52 = tpu.matmul %select_n3A, %get3A_50, %dot_general3A_51 {dimension_numbers = #tpu.dot_dimension_numbers<[1], [0], [0], [1], [0, 0, 1, 1], [], []>, transpose_lhs_hint = false} : vector<2000x128xf32>, vector<128x16xf32>, vector<2000x16xf32> -> vector<2000x16xf32>
    %get3A_53 = arith.constant 0 : index
    %get3A_54 = arith.constant 0 : index
    %get3A_55 = vector.load %arg4[%get3A_53, %get3A_54] : memref<16x16xf32, #tpu.memory_space<vmem>>, vector<16x16xf32>
    %dot_general3A_56 = arith.constant dense<0.000000e+00> : vector<2000x16xf32>
    %dot_general3A_57 = tpu.matmul %dot_general3A_52, %get3A_55, %dot_general3A_56 {dimension_numbers = #tpu.dot_dimension_numbers<[1], [0], [0], [1], [0, 0, 1, 1], [], []>, transpose_lhs_hint = false} : vector<2000x16xf32>, vector<16x16xf32>, vector<2000x16xf32> -> vector<2000x16xf32>
    %get3A_58 = arith.constant 0 : index
    %get3A_59 = arith.constant 0 : index
    %get3A_60 = vector.load %arg5[%get3A_58, %get3A_59] : memref<16x16xf32, #tpu.memory_space<vmem>>, vector<16x16xf32>
    %dot_general3A_61 = arith.constant dense<0.000000e+00> : vector<2000x16xf32>
    %dot_general3A_62 = tpu.matmul %dot_general3A_52, %get3A_60, %dot_general3A_61 {dimension_numbers = #tpu.dot_dimension_numbers<[1], [0], [0], [1], [0, 0, 1, 1], [], []>, transpose_lhs_hint = false} : vector<2000x16xf32>, vector<16x16xf32>, vector<2000x16xf32> -> vector<2000x16xf32>
    %swap3A = arith.constant 0 : index
    %swap3A_63 = arith.constant 0 : index
    %swap3A_64 = vector.load %arg7[%swap3A, %swap3A_63] : memref<2000x32xf32, #tpu.memory_space<vmem>>, vector<2000x16xf32>
    tpu.vector_store %arg7[%swap3A, %swap3A_63], %dot_general3A_52 {strides = array<i32>} : memref<2000x32xf32, #tpu.memory_space<vmem>>, vector<2000x16xf32>,
    %swap3A_65 = arith.constant 0 : index
    %swap3A_66 = arith.constant 16 : index
    %swap3A_67 = vector.load %arg7[%swap3A_65, %swap3A_66] : memref<2000x32xf32, #tpu.memory_space<vmem>>, vector<2000x16xf32>
    tpu.vector_store %arg7[%swap3A_65, %swap3A_66], %dot_general3A_57 {strides = array<i32>} : memref<2000x32xf32, #tpu.memory_space<vmem>>, vector<2000x16xf32>,
    %swap3A_68 = arith.constant 0 : index
    %swap3A_69 = arith.constant 0 : index
    %swap3A_70 = vector.load %arg8[%swap3A_68, %swap3A_69] : memref<2000x16xf32, #tpu.memory_space<vmem>>, vector<2000x16xf32>
    tpu.vector_store %arg8[%swap3A_68, %swap3A_69], %dot_general3A_62 {strides = array<i32>} : memref<2000x16xf32, #tpu.memory_space<vmem>>, vector<2000x16xf32>,
    %reduce_max3A = arith.constant dense<0xFF800000> : vector<16xf32>
    %reduce_max3A_71 = vector.multi_reduction <maximumf>, %dot_general3A_57, %reduce_max3A [0] : vector<2000x16xf32> to vector<16xf32>
    %broadcast_in_dim3A = vector.shape_cast %reduce_max3A_71 : vector<16xf32> to vector<1x16xf32>
    %reduce_max3A_72 = arith.constant dense<0xFF800000> : vector<16xf32>
    %reduce_max3A_73 = vector.multi_reduction <maximumf>, %dot_general3A_62, %reduce_max3A_72 [0] : vector<2000x16xf32> to vector<16xf32>
    %broadcast_in_dim3A_74 = vector.shape_cast %reduce_max3A_73 : vector<16xf32> to vector<1x16xf32>
    %eq3A = arith.constant 0 : i32
    %eq3A_75 = arith.cmpi eq, %arg0, %eq3A : i32
    %convert_element_type3A = arith.extui %eq3A_75 : i1 to i32
    %cond3A = arith.constant 0 : i32
    %cond3A_76 = arith.cmpi ne, %convert_element_type3A, %cond3A : i32
    scf.if %cond3A_76 {
      %swap3A_87 = arith.constant 0 : index
      %swap3A_88 = arith.constant 0 : index
      %swap3A_89 = vector.load %arg10[%swap3A_87, %swap3A_88] : memref<2x16xf32, #tpu.memory_space<vmem>>, vector<1x16xf32>
      tpu.vector_store %arg10[%swap3A_87, %swap3A_88], %broadcast_in_dim3A {strides = array<i32>} : memref<2x16xf32, #tpu.memory_space<vmem>>, vector<1x16xf32>,
      %swap3A_90 = arith.constant 1 : index
      %swap3A_91 = arith.constant 0 : index
      %swap3A_92 = vector.load %arg10[%swap3A_90, %swap3A_91] : memref<2x16xf32, #tpu.memory_space<vmem>>, vector<1x16xf32>
      tpu.vector_store %arg10[%swap3A_90, %swap3A_91], %broadcast_in_dim3A_74 {strides = array<i32>} : memref<2x16xf32, #tpu.memory_space<vmem>>, vector<1x16xf32>,
    } else {
    }
    %gt3A_77 = arith.constant 0 : i32
    %gt3A_78 = arith.cmpi sgt, %arg0, %gt3A_77 : i32
    %convert_element_type3A_79 = arith.extui %gt3A_78 : i1 to i32
    %cond3A_80 = arith.constant 0 : i32
    %cond3A_81 = arith.cmpi ne, %convert_element_type3A_79, %cond3A_80 : i32
    scf.if %cond3A_81 {
      %get3A_87 = arith.constant 0 : index
      %get3A_88 = arith.constant 0 : index
      %get3A_89 = vector.load %arg10[%get3A_87, %get3A_88] : memref<2x16xf32, #tpu.memory_space<vmem>>, vector<1x16xf32>
      %max3A = arith.maximumf %get3A_89, %broadcast_in_dim3A : vector<1x16xf32>
      %swap3A_90 = arith.constant 0 : index
      %swap3A_91 = arith.constant 0 : index
      %swap3A_92 = vector.load %arg10[%swap3A_90, %swap3A_91] : memref<2x16xf32, #tpu.memory_space<vmem>>, vector<1x16xf32>
      tpu.vector_store %arg10[%swap3A_90, %swap3A_91], %max3A {strides = array<i32>} : memref<2x16xf32, #tpu.memory_space<vmem>>, vector<1x16xf32>,
      %get3A_93 = arith.constant 1 : index
      %get3A_94 = arith.constant 0 : index
      %get3A_95 = vector.load %arg10[%get3A_93, %get3A_94] : memref<2x16xf32, #tpu.memory_space<vmem>>, vector<1x16xf32>
      %max3A_96 = arith.maximumf %get3A_95, %broadcast_in_dim3A_74 : vector<1x16xf32>
      %swap3A_97 = arith.constant 1 : index
      %swap3A_98 = arith.constant 0 : index
      %swap3A_99 = vector.load %arg10[%swap3A_97, %swap3A_98] : memref<2x16xf32, #tpu.memory_space<vmem>>, vector<1x16xf32>
      tpu.vector_store %arg10[%swap3A_97, %swap3A_98], %max3A_96 {strides = array<i32>} : memref<2x16xf32, #tpu.memory_space<vmem>>, vector<1x16xf32>,
    } else {
    }
    %eq3A_82 = arith.constant 4 : i32
    %eq3A_83 = arith.cmpi eq, %arg0, %eq3A_82 : i32
    %convert_element_type3A_84 = arith.extui %eq3A_83 : i1 to i32
    %cond3A_85 = arith.constant 0 : i32
    %cond3A_86 = arith.cmpi ne, %convert_element_type3A_84, %cond3A_85 : i32
    scf.if %cond3A_86 {
      %get3A_87 = arith.constant 0 : index
      %get3A_88 = arith.constant 0 : index
      %get3A_89 = vector.load %arg10[%get3A_87, %get3A_88] : memref<2x16xf32, #tpu.memory_space<vmem>>, vector<1x16xf32>
      %get3A_90 = arith.constant 1 : index
      %get3A_91 = arith.constant 0 : index
      %get3A_92 = vector.load %arg10[%get3A_90, %get3A_91] : memref<2x16xf32, #tpu.memory_space<vmem>>, vector<1x16xf32>
      %add3A_93 = arith.addf %get3A_89, %get3A_92 : vector<1x16xf32>
      %ge3A = arith.constant 0.000000e+00 : f32
      %ge3A_94 = vector.broadcast %ge3A : f32 to vector<1x16xf32>
      %ge3A_95 = arith.cmpf oge, %add3A_93, %ge3A_94 : vector<1x16xf32>
      %mul3A_96 = arith.constant 2.000000e-01 : f32
      %mul3A_97 = vector.broadcast %mul3A_96 : f32 to vector<1x16xf32>
      %mul3A_98 = arith.mulf %mul3A_97, %add3A_93 : vector<1x16xf32>
      %select_n3A_99 = arith.select %ge3A_95, %add3A_93, %mul3A_98 : vector<1x16xi1>, vector<1x16xf32>
      %iota3A = tpu.iota {dimensions = array<i32: 1>} : vector<1x16xi32>
      %eq3A_100 = arith.constant 0 : i32
      %eq3A_101 = vector.broadcast %eq3A_100 : i32 to vector<1x16xi32>
      %eq3A_102 = arith.cmpi eq, %iota3A, %eq3A_101 : vector<1x16xi32>
      %jit3A = arith.constant 1.000000e+30 : f32
      %broadcast_in_dim3A_103 = vector.broadcast %jit3A : f32 to vector<1x16xf32>
      %select_n3A_104 = arith.select %eq3A_102, %select_n3A_99, %broadcast_in_dim3A_103 : vector<1x16xi1>, vector<1x16xf32>
      %swap3A_105 = arith.constant 0 : index
      %swap3A_106 = arith.constant 0 : index
      %swap3A_107 = vector.load %arg9[%swap3A_105, %swap3A_106] : memref<1x16xf32, #tpu.memory_space<vmem>>, vector<1x16xf32>
      tpu.vector_store %arg9[%swap3A_105, %swap3A_106], %select_n3A_104 {strides = array<i32>} : memref<1x16xf32, #tpu.memory_space<vmem>>, vector<1x16xf32>,
    } else {
    }
    return
  }
  func.func @transform_0(%arg0: i32) -> (i32, i32, i32) {
    %c0_i32 = arith.constant 0 : i32
    %c0_i32_0 = arith.constant 0 : i32
    %c0_i32_1 = arith.constant 0 : i32
    return %c0_i32, %arg0, %c0_i32_0 : i32, i32, i32
  }
  func.func @transform_1(%arg0: i32) -> (i32, i32) {
    %c0_i32 = arith.constant 0 : i32
    %c0_i32_0 = arith.constant 0 : i32
    %c0_i32_1 = arith.constant 0 : i32
    return %c0_i32, %c0_i32_0 : i32, i32
  }
  func.func @transform_2(%arg0: i32) -> (i32, i32) {
    %c0_i32 = arith.constant 0 : i32
    %c0_i32_0 = arith.constant 0 : i32
    %c0_i32_1 = arith.constant 0 : i32
    return %c0_i32, %c0_i32_0 : i32, i32
  }
  func.func @transform_3(%arg0: i32) -> (i32, i32) {
    %c0_i32 = arith.constant 0 : i32
    %c0_i32_0 = arith.constant 0 : i32
    %c0_i32_1 = arith.constant 0 : i32
    return %c0_i32, %c0_i32_0 : i32, i32
  }
  func.func @transform_4(%arg0: i32) -> (i32, i32) {
    %c0_i32 = arith.constant 0 : i32
    %c0_i32_0 = arith.constant 0 : i32
    %c0_i32_1 = arith.constant 0 : i32
    return %c0_i32, %c0_i32_0 : i32, i32
  }
  func.func @transform_5(%arg0: i32) -> (i32, i32) {
    %c0_i32 = arith.constant 0 : i32
    %c0_i32_0 = arith.constant 0 : i32
    %c0_i32_1 = arith.constant 0 : i32
    return %c0_i32, %c0_i32_0 : i32, i32
  }
  func.func @transform_6(%arg0: i32) -> (i32, i32) {
    %c0_i32 = arith.constant 0 : i32
    %c0_i32_0 = arith.constant 0 : i32
    return %arg0, %c0_i32 : i32, i32
  }
  func.func @transform_7(%arg0: i32) -> (i32, i32) {
    %c0_i32 = arith.constant 0 : i32
    %c0_i32_0 = arith.constant 0 : i32
    return %arg0, %c0_i32 : i32, i32
  }
  func.func @transform_8(%arg0: i32) -> (i32, i32) {
    %c0_i32 = arith.constant 0 : i32
    %c0_i32_0 = arith.constant 0 : i32
    %c0_i32_1 = arith.constant 0 : i32
    return %c0_i32, %c0_i32_0 : i32, i32
  }
}

module attributes {stable_mosaic.version = 14 : i64} {
  func.func @_tc3_body(%arg0: i32, %arg1: memref<2x2000x32xf32, #tpu.memory_space<vmem>>, %arg2: memref<1x16xf32, #tpu.memory_space<vmem>>, %arg3: memref<2000x16xf32, #tpu.memory_space<vmem>>) attributes {dimension_semantics = [#tpu.dimension_semantics<arbitrary>], iteration_bounds = array<i64: 5>, scalar_prefetch = 0 : i64, scratch_operands = 0 : i64, tpu.core_type = #tpu.core_type<tc>, window_params = [{transform_indices = @transform_0, window_bounds = array<i64: 2, 2000, 32>}, {pipeline_mode = #tpu.pipeline_mode<synchronous>, transform_indices = @transform_1, window_bounds = array<i64: 1, 16>}, {transform_indices = @transform_2, window_bounds = array<i64: 2000, 16>}]} {
    %get3A = arith.constant 0 : index
    %get3A_0 = arith.constant 0 : index
    %get3A_1 = arith.constant 0 : index
    %get3A_2 = vector.load %arg1[%get3A, %get3A_0, %get3A_1] : memref<2x2000x32xf32, #tpu.memory_space<vmem>>, vector<1x2000x16xf32>
    %get3A_3 = vector.shape_cast %get3A_2 : vector<1x2000x16xf32> to vector<2000x16xf32>
    %get3A_4 = arith.constant 1 : index
    %get3A_5 = arith.constant 0 : index
    %get3A_6 = arith.constant 0 : index
    %get3A_7 = vector.load %arg1[%get3A_4, %get3A_5, %get3A_6] : memref<2x2000x32xf32, #tpu.memory_space<vmem>>, vector<1x2000x16xf32>
    %get3A_8 = vector.shape_cast %get3A_7 : vector<1x2000x16xf32> to vector<2000x16xf32>
    %add3A = arith.addf %get3A_3, %get3A_8 : vector<2000x16xf32>
    %get3A_9 = arith.constant 0 : index
    %get3A_10 = arith.constant 0 : index
    %get3A_11 = arith.constant 16 : index
    %get3A_12 = vector.load %arg1[%get3A_9, %get3A_10, %get3A_11] : memref<2x2000x32xf32, #tpu.memory_space<vmem>>, vector<1x2000x1xf32>
    %get3A_13 = vector.shape_cast %get3A_12 : vector<1x2000x1xf32> to vector<2000x1xf32>
    %get3A_14 = arith.constant 1 : index
    %get3A_15 = arith.constant 0 : index
    %get3A_16 = arith.constant 16 : index
    %get3A_17 = vector.load %arg1[%get3A_14, %get3A_15, %get3A_16] : memref<2x2000x32xf32, #tpu.memory_space<vmem>>, vector<1x2000x1xf32>
    %get3A_18 = vector.shape_cast %get3A_17 : vector<1x2000x1xf32> to vector<2000x1xf32>
    %add3A_19 = arith.addf %get3A_13, %get3A_18 : vector<2000x1xf32>
    %add3A_20 = arith.constant 1.000000e-16 : f32
    %add3A_21 = vector.broadcast %add3A_20 : f32 to vector<2000x1xf32>
    %add3A_22 = arith.addf %add3A_19, %add3A_21 : vector<2000x1xf32>
    %div3A = arith.constant 1.000000e+00 : f32
    %div3A_23 = vector.broadcast %div3A : f32 to vector<2000x1xf32>
    %div3A_24 = arith.divf %div3A_23, %add3A_22 : vector<2000x1xf32>
    %mul3A = arith.mulf %add3A_22, %div3A_24 : vector<2000x1xf32>
    %sub3A = arith.constant 2.000000e+00 : f32
    %sub3A_25 = vector.broadcast %sub3A : f32 to vector<2000x1xf32>
    %sub3A_26 = arith.subf %sub3A_25, %mul3A : vector<2000x1xf32>
    %mul3A_27 = arith.mulf %div3A_24, %sub3A_26 : vector<2000x1xf32>
    %mul3A_28 = arith.mulf %add3A_22, %mul3A_27 : vector<2000x1xf32>
    %sub3A_29 = arith.constant 2.000000e+00 : f32
    %sub3A_30 = vector.broadcast %sub3A_29 : f32 to vector<2000x1xf32>
    %sub3A_31 = arith.subf %sub3A_30, %mul3A_28 : vector<2000x1xf32>
    %mul3A_32 = arith.mulf %mul3A_27, %sub3A_31 : vector<2000x1xf32>
    %mul3A_33 = vector.broadcast %mul3A_32 : vector<2000x1xf32> to vector<2000x16xf32>
    %mul3A_34 = arith.mulf %add3A, %mul3A_33 : vector<2000x16xf32>
    %get3A_35 = arith.constant 0 : index
    %get3A_36 = arith.constant 0 : index
    %get3A_37 = vector.load %arg2[%get3A_35, %get3A_36] : memref<1x16xf32, #tpu.memory_space<vmem>>, vector<1x16xf32>
    %add3A_38 = vector.broadcast %get3A_37 : vector<1x16xf32> to vector<2000x16xf32>
    %add3A_39 = arith.addf %mul3A_34, %add3A_38 : vector<2000x16xf32>
    %reduce_max3A = arith.constant dense<0xFF800000> : vector<2000xf32>
    %reduce_max3A_40 = vector.multi_reduction <maximumf>, %add3A_39, %reduce_max3A [1] : vector<2000x16xf32> to vector<2000xf32>
    %broadcast_in_dim3A = vector.shape_cast %reduce_max3A_40 : vector<2000xf32> to vector<2000x1xf32>
    %sub3A_41 = vector.broadcast %broadcast_in_dim3A : vector<2000x1xf32> to vector<2000x16xf32>
    %sub3A_42 = arith.subf %add3A_39, %sub3A_41 : vector<2000x16xf32>
    %exp3A = math.exp %sub3A_42 : vector<2000x16xf32>
    %reduce_sum3A = arith.constant dense<0.000000e+00> : vector<2000xf32>
    %reduce_sum3A_43 = vector.multi_reduction <add>, %exp3A, %reduce_sum3A [1] : vector<2000x16xf32> to vector<2000xf32>
    %broadcast_in_dim3A_44 = vector.shape_cast %reduce_sum3A_43 : vector<2000xf32> to vector<2000x1xf32>
    %log3A = math.log %broadcast_in_dim3A_44 : vector<2000x1xf32>
    %sub3A_45 = vector.broadcast %log3A : vector<2000x1xf32> to vector<2000x16xf32>
    %sub3A_46 = arith.subf %sub3A_42, %sub3A_45 : vector<2000x16xf32>
    %swap3A = arith.constant 0 : index
    %swap3A_47 = arith.constant 0 : index
    %swap3A_48 = vector.load %arg3[%swap3A, %swap3A_47] : memref<2000x16xf32, #tpu.memory_space<vmem>>, vector<2000x16xf32>
    tpu.vector_store %arg3[%swap3A, %swap3A_47], %sub3A_46 {strides = array<i32>} : memref<2000x16xf32, #tpu.memory_space<vmem>>, vector<2000x16xf32>,
    return
  }
  func.func @transform_0(%arg0: i32) -> (i32, i32, i32) {
    %c0_i32 = arith.constant 0 : i32
    %c0_i32_0 = arith.constant 0 : i32
    %c0_i32_1 = arith.constant 0 : i32
    return %c0_i32, %arg0, %c0_i32_0 : i32, i32, i32
  }
  func.func @transform_1(%arg0: i32) -> (i32, i32) {
    %c0_i32 = arith.constant 0 : i32
    %c0_i32_0 = arith.constant 0 : i32
    %c0_i32_1 = arith.constant 0 : i32
    return %c0_i32, %c0_i32_0 : i32, i32
  }
  func.func @transform_2(%arg0: i32) -> (i32, i32) {
    %c0_i32 = arith.constant 0 : i32
    %c0_i32_0 = arith.constant 0 : i32
    return %arg0, %c0_i32 : i32, i32
  }
}

</mosaic_0001>

<sc_bundles>
// kernel: kernel.10.cloned.1.call-start
scs
__scs_entry_jumppad:
0x0: {  	(pc) =	sbr.rel $0x88, $3  }
0x1: {  	(tag) =	ssettag $0x0;
	lr =	simm.s32 $0x1  }
0x2: {  	[smem:$0x3F97] =	sst lr;
	_ =	strace $0xD0000000  }
0x3: {  	_ = 	snop  }
0x4: {  	_ = 	snop  }
0x5: {  	_ = 	snop  }
0x6: {  	_ = 	snop  }
0x7: {  	_ = 	snop  }
__scs_overlays_trampoline_lowered:
0x8: {  	[smem:$0x3FA6] =	sst s0  }
0x9: {  	[smem:$0x3FA7] =	sst s1  }
0xa: {  	[smem:$0x3FA8] =	sst s2  }
0xb: {  	[smem:$0x3FA9] =	sst s3  }
0xc: {  	[smem:$0x3FAA] =	sst s4  }
0xd: {  	[smem:$0x3FAB] =	sst s5  }
0xe: {  	[smem:$0x3FAC] =	sst s6  }
0xf: {  	[smem:$0x3FAD] =	sst s7  }
0x10: {  	[smem:$0x3FAE] =	sst s8  }
0x11: {  	[smem:$0x3FAF] =	sst s9;
	s0 =	simm.s32 @!p0 $0x0  }
0x12: {  	s1 =	sld [smem:$0x3F95];
	s0 =	simm.s32 @p0 $0x1  }
0x13: {  	[smem:$0x3FB0] =	sst s0;
	s0 =	simm.s32 @!p1 $0x0  }
0x14: {  	s2 =	sld [smem:$0x3F94];
	s0 =	simm.s32 @p1 $0x1  }
0x15: {  	[smem:$0x3FB1] =	sst s0;
	s0 =	simm.s32 @!p2 $0x0  }
0x16: {  	s3 =	sld [smem:$0x3FDB];
	s0 =	simm.s32 @p2 $0x1  }
0x17: {  	s4 =	simm.s32 $0x1BF5;
	[smem:$0x3FB3] =	sst s0  }
0x18: {  	s0 =	sld [smem:$0x3F96];
	_ =	swait.ge [sflag:s4], $0x0  }
0x19: {  	s7 =	sld [smem:$0x3F97]  }
0x1a: {  	s8 =	sadd.s32 $0xFFFFE003, lr  }
0x1b: {  	s9 =	sadd.s32 $0xFFFFFEF7, lr;
	s5 =	simm.s32 $0xFFFFFFFF;
	p2 =	slt.u32 s8, $0xFFFFF086  }
0x1c: {  	p1 =	slt.u32 s9, $0xF7A;
	s5 =	simm.s32 @!p2 $0x0  }
0x1d: {  	s5 =	simm.s32 @p1 $0x1;
	p0 =	seq.s32 s7, s2  }
0x1e: {  	s7 =	smul.u32 @!p0 $0xF7A, s2;
	p2 =	seq.s32 @!p0 s5, $0x0  }
0x1f: {  	s9 =	smul.u32 $0xF7A, s1;
	s8 =	simm.s32 @!p0 $0x1BF5;
	p2 =	por !p2, p0  }
0x20: {  	[sflag:s8] =	ssyncset.s32 @!p0 $0xFFFFF086;
	s6 =	sadd.s32 @!p0 s3, s7;
	s7 =	simm.s32 @!p0 $0x108  }
0x21: {  	s3 =	sadd.s32 s3, s9;
	s6 =	sadd.s32 @!p0 $0x88, s6;
	s7 =	simm.s32 @p2 $0x1082  }
0x22: {  	[simem:s7], [sflag:s8] =	dma.local @!p0 [hbm:s6], $0xF7A  }
0x23: {  	s9 =	sor.u32 $0xD0000000, s2;
	s6 =	simm.s32 $0x108;
	_ =	swait.ge @!p0 [sflag:s8], $0x0  }
0x24: {  	s3 =	sadd.s32 $0x88, s3;
	s6 =	simm.s32 @!p1 $0x1082;
	[sflag:s4] =	ssyncset.s32 $0xFFFFF086  }
0x25: {  	[simem:s6], [sflag:s4] =	dma.local [hbm:s3], $0xF7A  }
0x26: {  	[smem:$0x3F97] =	sst s1;
	(tag) =	ssettag s2;
	_ =	strace s9  }
0x27: {  	s1 =	sld [smem:$0x3FA7]  }
0x28: {  	s2 =	sld [smem:$0x3FA8]  }
0x29: {  	s4 =	sld [smem:$0x3FAA]  }
0x2a: {  	p0 =	seq.s32 s5, $0x0;
	s5 =	sld [smem:$0x3FAB]  }
0x2b: {  	s6 =	sld [smem:$0x3FAC]  }
0x2c: {  	s7 =	sld [smem:$0x3FAD]  }
0x2d: {  	s3 =	simm.s32 $0x108;
	s8 =	sld [smem:$0x3FAE]  }
0x2e: {  	s3 =	simm.s32 @!p0 $0x1082;
	s9 =	sld [smem:$0x3FAF]  }
0x2f: {  	lr =	sadd.s32 s0, s3;
	s0 =	sld [smem:$0x3FA6]  }
0x30: {  	s3 =	sld [smem:$0x3FA9]  }
0x31: {  	[smem:$0x3FB2] =	sst s10  }
0x32: {  	s10 =	sld [smem:$0x3FB0];
	_ =	sdelay $0x3  }
0x33: {  	p0 =	seq.s32 s10, $0x1;
	s10 =	sld [smem:$0x3FB2];
	_ =	sdelay $0x3  }
0x34: {  	[smem:$0x3FB2] =	sst s10  }
0x35: {  	s10 =	sld [smem:$0x3FB1];
	_ =	sdelay $0x3  }
0x36: {  	p1 =	seq.s32 s10, $0x1;
	s10 =	sld [smem:$0x3FB2];
	_ =	sdelay $0x3  }
0x37: {  	[smem:$0x3FB2] =	sst s10  }
0x38: {  	s10 =	sld [smem:$0x3FB3]  }
0x39: {  	_ = 	snop;
	(pc) =	sbr.ind lr, $3  }
0x3a: {  	_ = 	snop  }
0x3b: {  	_ = 	snop  }
0x3c: {  	p2 =	seq.s32 s10, $0x1;
	s10 =	sld [smem:$0x3FB2]  }
0x3d: {  	_ =	shalt  }
0x3e: {  	_ =	shalt  }
0x3f: {  	_ =	shalt  }
0x40: {  	_ =	shalt  }
0x41: {  	_ =	shalt  }
0x42: {  	_ =	shalt  }
0x43: {  	_ =	shalt  }
0x44: {  	_ =	shalt  }
0x45: {  	_ =	shalt  }
0x46: {  	_ =	shalt  }
0x47: {  	_ =	shalt  }
0x48: {  	_ =	shalt  }
0x49: {  	_ =	shalt  }
0x4a: {  	_ =	shalt  }
0x4b: {  	_ =	shalt  }
0x4c: {  	_ =	shalt  }
0x4d: {  	_ =	shalt  }
0x4e: {  	_ =	shalt  }
0x4f: {  	_ =	shalt  }
0x50: {  	_ =	shalt  }
0x51: {  	_ =	shalt  }
0x52: {  	_ =	shalt  }
0x53: {  	_ =	shalt  }
0x54: {  	_ =	shalt  }
0x55: {  	_ =	shalt  }
0x56: {  	_ =	shalt  }
0x57: {  	_ =	shalt  }
0x58: {  	_ =	shalt  }
0x59: {  	_ =	shalt  }
0x5a: {  	_ =	shalt  }
0x5b: {  	_ =	shalt  }
0x5c: {  	_ =	shalt  }
0x5d: {  	_ =	shalt  }
0x5e: {  	_ =	shalt  }
0x5f: {  	_ =	shalt  }
0x60: {  	_ =	shalt  }
0x61: {  	_ =	shalt  }
0x62: {  	_ =	shalt  }
0x63: {  	_ =	shalt  }
0x64: {  	_ =	shalt  }
0x65: {  	_ =	shalt  }
0x66: {  	_ =	shalt  }
0x67: {  	_ =	shalt  }
0x68: {  	_ =	shalt  }
0x69: {  	_ =	shalt  }
0x6a: {  	_ =	shalt  }
0x6b: {  	_ =	shalt  }
0x6c: {  	_ =	shalt  }
0x6d: {  	_ =	shalt  }
0x6e: {  	_ =	shalt  }
0x6f: {  	_ =	shalt  }
0x70: {  	_ =	shalt  }
0x71: {  	_ =	shalt  }
0x72: {  	_ =	shalt  }
0x73: {  	_ =	shalt  }
0x74: {  	_ =	shalt  }
0x75: {  	_ =	shalt  }
0x76: {  	_ =	shalt  }
0x77: {  	_ =	shalt  }
0x78: {  	_ =	shalt  }
0x79: {  	_ =	shalt  }
0x7a: {  	_ =	shalt  }
0x7b: {  	_ =	shalt  }
0x7c: {  	_ =	shalt  }
0x7d: {  	_ =	shalt  }
0x7e: {  	_ =	shalt  }
0x7f: {  	_ =	shalt  }
0x80: {  	_ =	shalt  }
0x81: {  	_ =	shalt  }
0x82: {  	_ =	shalt  }
0x83: {  	_ =	shalt  }
0x84: {  	_ =	shalt  }
0x85: {  	_ =	shalt  }
0x86: {  	_ =	shalt  }
0x87: {  	_ =	shalt  }
.Lfunc_end0:
.L_simem_size_0:
called_computation.1_lowered:
.L_overlay_start_0:
0x88: {  	s2 =	sld [smem:$0x3FD9]  }
0x89: {  	s3 =	sld [smem:$0x3FFE];
	_ =	sdelay $0x1  }
0x8a: {  	s1 =	srdreg.scid  }
0x8b: {  	s0 =	sand.u32 $0x1, s1  }
0x8c: {  	s17 =	sshll.u32 s0, $0xA;
	s2 =	sadd.s32 s3, s2  }
0x8d: {  	s2 =	sadd.s32 s2, s17  }
0x8e: {  	[smem:$0x3FBE] =	sst s2  }
0x8f: {  	_ = 	snop  }
0x90: {  	s2 =	sld [smem:$0x3FD0];
	(tm) =	ssettm $0x1  }
0x91: {  	s18 =	sld [smem:$0x3FFB];
	_ =	sdelay $0x3  }
0x92: {  	_ =	strace s18  }
0x93: {  	s3 =	sld [smem:$0x3FFC];
	_ =	sdelay $0x3  }
0x94: {  	_ =	strace s3  }
0x95: {  	s3 =	sld [smem:$0x3FFD];
	_ =	sdelay $0x3  }
0x96: {  	_ =	strace s3  }
0x97: {  	_ =	strace $0x8FFFFFFF  }
0x98: {  	s19 =	sld [smem:$0x3FDB];
	_ =	sdelay $0x1  }
0x99: {  	s4 =	simm.s32 $_scs_section_size  }
0x9a: {  	s5 =	simm.s32 $_size__tile_overlayer_lowered;
	s6 =	simm.s32 $_tile_overlayer_lowered  }
0x9b: {  	s22 =	simm.s32 $0x1BFF;
	s21 =	sshll.u32 s6, $0x1;
	s3 =	sadd.s32 s4, s19  }
0x9c: {  	s7 =	simm.s32 $0x0;
	s20 =	sshll.u32 s5, $0x1;
	s5 =	sadd.s32 s21, s3  }
0x9d: {  	[timem:s7], [sflag:s22] =	dma.local [hbm:s5], s20  }
0x9e: {  	_ =	swait.ge [sflag:s22], s20  }
0x9f: {  	s4 =	ssub.s32 $0x0, s20;
	[sflag:s22] =	ssyncset.done $0x0  }
0xa0: {  	[sflag:s22] =	ssyncadd.s32 s4;
	_ =	sdelay $0x1  }
0xa1: {  	s23 =	simm.s32 $0x1B8B  }
0xa2: {  	_ =	swait.ge [sflag:s23], $0x1  }
0xa3: {  	[sflag:s23] =	ssyncset.done $0x0  }
0xa4: {  	s25 =	simm.s32 $0x1B8E;
	s24 =	sld [smem:$0x3FFE];
	[sflag:s23] =	ssyncadd.s32 $0xFFFFFFFF  }
0xa5: {  	s26 =	simm.s32 $execute0_lowered;
	[smem:$0x3FD2] =	sst s25  }
0xa6: {  	s5 =	sshll.u32 s26, $0x1;
	_ =	strace $0x80000049;
	[dreg:$0x1] =	wrdreg $0xFFFFFFFF  }
0xa7: {  	s28 =	simm.s32 $_size_execute0_lowered;
	s3 =	sadd.s32 s3, s5;
	[dreg:$0x0] =	wrdreg $0x0  }
0xa8: {  	s5 =	sshll.u32 s28, $0x1;
	[dreg:$0x2] =	wrdreg s3  }
0xa9: {  	[dreg:$0x3] =	wrdreg s5  }
0xaa: {  	[dreg:$0x4] =	wrdreg $0xC0  }
0xab: {  	_ =	task [dreg:s7], $0x5FFFF  }
0xac: {  	[dreg:$0x1] =	wrdreg $0xFFFFFFFF  }
0xad: {  	[dreg:$0x0] =	wrdreg $0x60  }
0xae: {  	[dreg:$0x2] =	wrdreg s24  }
0xaf: {  	[dreg:$0x3] =	wrdreg s2  }
0xb0: {  	[dreg:$0x4] =	wrdreg $0x0  }
0xb1: {  	[dreg:$0x5] =	wrdreg $0x9  }
0xb2: {  	_ =	task.clear_ibuf [dreg:s7], $0x6FFFF;
	_ =	strace $0x90000049  }
0xb3: {  	s29 =	simm.s32 $0x9;
	_ =	strace $0x8000004B  }
0xb4: {  	_ =	swait.ge [sflag:s29], $0x1  }
0xb5: {  	[sflag:s29] =	ssyncadd.s32 $0xFFFFFFFF  }
0xb6: {  	_ =	strace $0x9000004B  }
0xb7: {  	_ =	sfence  }
0xb8: {  	s30 =	sld [smem:$0x0];
	_ =	sdelay $0x2  }
0xb9: {  	s31 =	sshll.u32 s1, $0xD;
	s1 =	sshrl.u32 s1, $0x2  }
0xba: {  	s3 =	sand.u32 $0x4000, s31;
	s1 =	sadd.s32 s1, s30  }
0xbb: {  	s0 =	sor.u32 s3, s0;
	s1 =	sshll.u32 s1, $0x11  }
0xbc: {  	s0 =	sor.u32 s1, s0  }
0xbd: {  	s0 =	sadd.s32 $0x8F2B, s0  }
0xbe: {  	[sflag:s0] =	ssyncadd.remote.s32 $0x1  }
0xbf: {  	_ =	sfence.sel $0xFFFF  }
0xc0: {  	[dreg:$0x0] =	wrdreg $0xFFFFFFFF;
	(pc) =	sbr.abs _section_cstart, $3  }
0xc1: {  	[dreg:$0x1] =	wrdreg $0xFFFFFFFF  }
0xc2: {  	_ =	task.clear_ibuf [dreg:s7], $0x2FFFF;
	_ =	strace $0x9FFFFFFF  }
0xc3: {  	(tm) =	ssettm $0x7FFFFFFF  }
tec
execute0_lowered:
.L_overlay_start_1:
0x0: {  	(tag) =	ssettag $0x1  }
0x1: {  	s0 =	srdreg.scid;
	s1 =	rddreg [dreg:$0x0]  }
0x2: {  	s2 =	rddreg [dreg:$0x1];
	s13 =	stileid.u32  }
0x3: {  	s3 =	rddreg [dreg:$0x2];
	s19 =	simm.s32 $0x0;
	s28 =	simm.s32 $0x81B0  }
0x4: {  	s31 =	simm.s32 $0x1;
	s18 =	simm.s32 $0x6;
	s29 =	simm.s32 $0x3  }
0x5: {  	s0 =	sand.u32 $0x1, s0;
	[smem:$0x7FF] =	sst s19;
	s9 =	smul.u32 $0x5000, s13  }
0x6: {  	s5 =	sadd.s32 $0x1E00, s1;
	s6 =	sadd.s32 $0x37C00, s1;
	s20 =	sadd.s32 $0x1C00, s1  }
0x7: {  	s25 =	sshll.u32 s13, $0x6;
	s4 =	sshll.u32 s0, $0x4;
	_ =	strace $0x8000004A  }
0x8: {  	s10 =	smul.u32 $0x50000, s0;
	[dreg:$0x4] =	wrdreg s20;
	s0 =	ssub.s32 $0x2, s0  }
0x9: {  	s20 =	simm.s32 $0x7710;
	s7 =	sor.u32 s13, s4;
	s12 =	sshrl.u32 s9, $0x3  }
0xa: {  	s23 =	sshrl.u32 s0, $0x1;
	s4 =	simm.s32 $0x0;
	s8 =	smul.u32 $0x4E2, s7  }
0xb: {  	s21 =	sadd.s32 s9, s10;
	s22 =	sadd.s32 s12, s1;
	s0 =	ssub.s32 s0, s23  }
0xc: {  	s9 =	sadd.s32 s9, s3;
	s12 =	sor.u32 $0x1C09, s25;
	s23 =	simm.s32 $0x50  }
0xd: {  	s10 =	sshrl.u32 s21, $0x3;
	s0 =	smax.u32 s0, $0x1;
	[dreg:$0x7] =	wrdreg s12  }
0xe: {  	s11 =	sadd.s32 s8, s1;
	s8 =	smul.u32 $0x2710, s7;
	s1 =	sadd.s32 s10, s1  }
0xf: {  	s7 =	sadd.s32 $0xBC00, s22;
	[dreg:$0xb] =	wrdreg s0;
	s22 =	simm.s32 $0x4  }
0x10: {  	s0 =	simm.s32 $0x5;
	[dreg:$0x5] =	wrdreg s7;
	s26 =	sadd.s32 $0x2DE00, s11  }
0x11: {  	s1 =	sadd.s32 $0x15C00, s1;
	s24 =	sshrl.u32 s8, $0x3;
	[dreg:$0x8] =	wrdreg s26  }
0x12: {  	s11 =	simm.s32 $0x9;
	[dreg:$0xa] =	wrdreg s1;
	s10 =	sadd.s32 s6, s24  }
0x13: {  	s7 =	simm.s32 $0x7;
	[dreg:$0x6] =	wrdreg s10;
	s30 =	sadd.s32 $0xA, s10  }
0x14: {  	s26 =	simm.s32 $0x8;
	s10 =	sshrl.u32 s9, $0x3;
	[dreg:$0x9] =	wrdreg s30  }
0x15: {  	s1 =	simm.s32 $0x2;
	s24 =	simm.s32 $0x77B0;
	[dreg:$0xc] =	wrdreg s10  }
.LBB2_1:
0x16: {  	[dreg:$0xd] =	wrdreg s4  }
0x17: {  	s9 =	rddreg [dreg:$0x5]  }
0x18: {  	[spmem:s10], [sflag:s12] =	dma.local [hbm:s9], $0xA00  }
0x19: {  	_ =	swait.ge [sflag:s11], $0xA00  }
0x1a: {  	s13 =	simm.s32 $0x0;
	[sflag:s11] =	ssyncset.done $0x0  }
0x1b: {  	s12 =	simm.s32 $0x95B0;
	s10 =	rddreg [dreg:$0x4];
	[sflag:s11] =	ssyncadd.s32 $0xFFFFF600  }
0x1c: {  	[tilespmem:s12], [sflag:$0x9] =	stream.linear.gather [hbm4b:s10+s13], $0x10, $0x38;
	[tilespmem:$0x95C0] =	vst v63  }
0x1d: {  	_ =	swait.ge [sflag:s11], $0x10  }
0x1e: {  	[sflag:s11] =	ssyncset.done $0x0  }
0x1f: {  	s15 =	simm.s32 $0x5000;
	s14 =	rddreg [dreg:$0x8];
	[sflag:s11] =	ssyncadd.s32 $0xFFFFFFF0  }
0x20: {  	[tilespmem:s15], [sflag:$0x9] =	stream.linear.gather [hbm4b:s14+s13], $0x2710, $0x38;
	[tilespmem:$0x95C0] =	vst v63  }
0x21: {  	_ =	swait.ge [sflag:s11], $0x2710  }
0x22: {  	[sflag:s11] =	ssyncset.done $0x0  }
0x23: {  	[sflag:s11] =	ssyncadd.s32 $0xFFFFD8F0  }
0x24: {  	[bflag:$0x0] =	sbarrier.arrive $0xFFFF  }
0x25: {  	s16 =	rddreg [dreg:$0x6]  }
0x26: {  	v0 =	vld [tilespmem:$0x95B0];
	[tilespmem:s20], [sflag:$0x4] =	stream.linear.gather [hbm4b:s16+s13], $0x50, $0x38  }
0x27: {  	s19 =	simm.s32 $0x7760;
	s17 =	rddreg [dreg:$0x9]  }
0x28: {  	[tilespmem:s19], [sflag:$0x8] =	stream.linear.gather [hbm4b:s17+s13], $0x50, $0x38;
	[tilespmem:$0x95C0] =	vst v63  }
0x29: {  	_ =	swait.ge [sflag:s22], $0x50  }
0x2a: {  	[sflag:s22] =	ssyncset.done $0x0  }
0x2b: {  	[sflag:s22] =	ssyncadd.s32 $0xFFFFFFB0  }
0x2c: {  	[tilespmem:s24], [sflag:$0x1] =	stream.indirect.gather [hbm4b:s5+s23], $0x20, s20, s23, $0xb8;
	[tilespmem:$0x95C0] =	vst v63  }
0x2d: {  	s21 =	simm.s32 $0x8BB0  }
0x2e: {  	[tilespmem:s21], [sflag:$0x2] =	stream.indirect.gather [hbm4b:s2+s23], $0x10, s15, s23, $0xb8;
	[tilespmem:$0x95C0] =	vst v63  }
0x2f: {  	_ =	swait.ge [sflag:s26], $0x50  }
0x30: {  	[sflag:s26] =	ssyncset.done $0x0  }
0x31: {  	s4 =	simm.s32 $0x0;
	[sflag:s26] =	ssyncadd.s32 $0xFFFFFFB0  }
0x32: {  	[tilespmem:s28], [sflag:$0x5] =	stream.indirect.gather [hbm4b:s5+s23], $0x20, s19, s23, $0xb8;
	[tilespmem:$0x95C0] =	vst v63  }
0x33: {  	s25 =	simm.s32 $0x5050;
	s30 =	simm.s32 $0x90B0;
	s9 =	simm.s32 $0x0  }
0x34: {  	[tilespmem:s30], [sflag:$0x6] =	stream.indirect.gather [hbm4b:s2+s23], $0x10, s25, s23, $0xb8;
	[tilespmem:$0x95C0] =	vst v63  }
.LBB2_2:
0x35: {  	s13 =	sshll.u32 s9, $0x1  }
0x36: {  	_ =	swait.ge [sflag:s31], $0xA00;
	s12 =	sadd.s32 $0x2, s13  }
0x37: {  	[sflag:s31] =	ssyncset.done $0x0;
	s10 =	smul.u32 $0x50, s12  }
0x38: {  	[sflag:s31] =	ssyncadd.s32 $0xFFFFF600  }
0x39: {  	_ =	swait.ge [sflag:s1], $0x500;
	s10 =	sadd.s32 s8, s10  }
0x3a: {  	[sflag:s1] =	ssyncset.done $0x0;
	s10 =	sshrl.u32 s10, $0x3  }
0x3b: {  	s11 =	simm.s32 $0x8BC0;
	[sflag:s1] =	ssyncadd.s32 $0xFFFFFB00;
	s10 =	sadd.s32 s6, s10  }
0x3c: {  	[tilespmem:s20], [sflag:$0x4] =	stream.linear.gather [hbm4b:s10+s4], $0x50, $0x38;
	[tilespmem:$0x95C0] =	vst v63  }
0x3d: {  	v1 =	vld [tilespmem:s11+$0x0]  }
0x3e: {  	s10 =	simm.s32 $0x77D0;
	v2 =	vld [tilespmem:s11+$0xFFFFFFF0]  }
0x3f: {  	v3 =	vld [tilespmem:s10+$0x10]  }
0x40: {  	v4 =	vld [tilespmem:s10+$0xFFFFFFF0]  }
0x41: {  	s19 =	simm.s32 $0x8BE0;
	v17 =	vld [tilespmem:s10+$0xFFFFFFE0]  }
0x42: {  	v5 =	vld [tilespmem:s19+$0x0]  }
0x43: {  	s15 =	simm.s32 $0x7810;
	v6 =	vld [tilespmem:s19+$0xFFFFFFF0]  }
0x44: {  	v8 =	vld [tilespmem:s15+$0xFFFFFFF0]  }
0x45: {  	s21 =	simm.s32 $0x8C00;
	v7 =	vld [tilespmem:s15+$0x10]  }
0x46: {  	s14 =	simm.s32 $0x7850;
	v10 =	vld [tilespmem:s21+$0xFFFFFFF0]  }
0x47: {  	v12 =	vld [tilespmem:s14+$0x10];
	s11 =	simm.s32 $0x7890;
	v4 =	vadd.f32 v2, v4  }
0x48: {  	v13 =	vld [tilespmem:s11+$0x10];
	v1 =	vadd.f32 v1, v3  }
0x49: {  	v3 =	vld [tilespmem:s21+$0x0];
	v6 =	vadd.f32 v6, v8;
	v9 =	vmul.f32 $2.000000030e-01, v4  }
0x4a: {  	v15 =	vld [tilespmem:s11+$0xFFFFFFF0];
	v5 =	vadd.f32 v5, v7;
	v11 =	vmul.f32 $2.000000030e-01, v1;
	vm0 =	vge.f32 v4, $0.0e+00  }
0x4b: {  	v7 =	vld [tilespmem:s14+$0xFFFFFFF0];
	vm1 =	vge.f32 v1, $0.0e+00;
	v14 =	vmul.f32 $2.000000030e-01, v6;
	v4 =	vsel vm0, v4, v9  }
0x4c: {  	s16 =	simm.s32 $0x8C20;
	v2 =	vld [tilespmem:s15+$0xFFFFFFE0];
	v9 =	vsel vm1, v1, v11;
	vm0 =	vge.f32 v5, $0.0e+00;
	v4 =	vsub.f32 v4, v0  }
0x4d: {  	v11 =	vld [tilespmem:s16+$0x0];
	vm1 =	vge.f32 v6, $0.0e+00;
	v8 =	vsub.f32 v9, v0;
	v9 =	vmul.f32 $2.000000030e-01, v5  }
0x4e: {  	v1 =	vld [tilespmem:s14+$0xFFFFFFE0];
	v12 =	vadd.f32 v3, v12;
	v6 =	vsel vm1, v6, v14;
	v4 =	vmul.f32 $1.442695020e+00, v4  }
0x4f: {  	s17 =	simm.s32 $0x8C40;
	v6 =	vsub.f32 v6, v0;
	v5 =	vsel vm0, v5, v9;
	v9 =	vld [tilespmem:s16+$0xFFFFFFF0];
	v8 =	vmul.f32 $1.442695020e+00, v8  }
0x50: {  	v14 =	vld [tilespmem:s17+$0x0];
	s16 =	simm.s32 $0x78D0;
	(erf) = vpow2.f32 v4;
	v4 =	vadd.f32 v10, v7;
	v7 =	vmul.f32 $2.000000030e-01, v12  }
0x51: {  	vm0 =	vge.f32 v12, $0.0e+00;
	v5 =	vsub.f32 v5, v0;
	v18 =	vld [tilespmem:s16+$0xFFFFFFF0];
	(erf) = vpow2.f32 v8  }
0x52: {  	v6 =	vmul.f32 $1.442695020e+00, v6;
	v10 =	vadd.f32 v11, v13;
	v7 =	vsel vm0, v12, v7;
	v12 =	vld [tilespmem:s16+$0x10]  }
0x53: {  	v8 =	vld [tilespmem:s17+$0xFFFFFFF0];
	v16 =	vmul.f32 $1.442695020e+00, v5;
	vm1 =	vge.f32 v4, $0.0e+00;
	v11 =	vmul.f32 $2.000000030e-01, v4  }
0x54: {  	v3 =	vld [tilespmem:s11+$0xFFFFFFE0];
	v13 =	vmul.f32 $2.000000030e-01, v10;
	(erf) = vpow2.f32 v6;
	v9 =	vadd.f32 v9, v15  }
0x55: {  	s25 =	simm.s32 $0x8C60;
	v5 =	vld [tilespmem:s16+$0xFFFFFFE0];
	vm0 =	vge.f32 v10, $0.0e+00;
	v7 =	vsub.f32 v7, v0;
	v4 =	vsel vm1, v4, v11  }
0x56: {  	v15 =	vld [tilespmem:s25+$0x0];
	(erf) = vpow2.f32 v16;
	v4 =	vsub.f32 v4, v0;
	v19 =	vmul.f32 $2.000000030e-01, v9  }
0x57: {  	v6 =	vsel vm0, v10, v13;
	v13 =	vld [tilespmem:s10+$0x0];
	vm1 =	vge.f32 v9, $0.0e+00;
	v20 =	vadd.f32 v14, v12  }
0x58: {  	s19 =	simm.s32 $0x7910;
	v10 =	vld [tilespmem:s25+$0xFFFFFFF0];
	v6 =	vsub.f32 v6, v0;
	v8 =	vadd.f32 v8, v18;
	v4 =	vmul.f32 $1.442695020e+00, v4  }
0x59: {  	v11 =	vld [tilespmem:s19+$0x10];
	v7 =	vmul.f32 $1.442695020e+00, v7;
	v9 =	vsel vm1, v9, v19;
	v16 =	vpop (erf);
	v18 =	vmul.f32 $2.000000030e-01, v20  }
0x5a: {  	v12 =	vld [tilespmem:s19+$0xFFFFFFF0];
	vm0 =	vge.f32 v8, $0.0e+00;
	(erf) = vpow2.f32 v4;
	v21 =	vbroadcast v16, $0x0;
	v19 =	vpop (erf)  }
0x5b: {  	v14 =	vmul.f32 $2.000000030e-01, v8;
	vm1 =	vge.f32 v20, $0.0e+00;
	v4 =	vld [tilespmem:s19+$0xFFFFFFE0];
	[tilespmem:s10+$0xFFFFFFF0] =	vst v16;
	v16 =	vbroadcast v19, $0x0  }
0x5c: {  	s30 =	simm.s32 $0xA;
	s21 =	simm.s32 $0x8C80;
	s17 =	simm.s32 $0x7910;
	[tilespmem:s10+$0x10] =	vst v19;
	v19 =	vsel vm1, v20, v18;
	v18 =	vsub.f32 v9, v0;
	v9 =	vld [tilespmem:s15+$0x0];
	v17 =	vmul.f32 v21, v17  }
.LBB2_3:
0x5d: {  	s30 =	sadd.s32 $0x2, s30;
	(erf) = vpow2.f32 v7;
	v7 =	vmul.f32 $1.442695020e+00, v6;
	v6 =	vsub.f32 v19, v0;
	v19 =	vpop (erf)  }
0x5e: {  	v20 =	vld [tilespmem:s21+$0x0];
	s19 =	sadd.s32 $0x40, s19;
	v21 =	vmovc v10;
	v22 =	vmovc v2;
	v2 =	vmov v1;
	v1 =	vmov v3;
	v3 =	vmov v5;
	p0 =	slt.u32 s30, $0x4E  }
.Ltmp0:
0x5f: {  	v24 =	vmul.f32 v16, v13;
	v10 =	vld [tilespmem:s21+$0xFFFFFFF0];
	v15 =	vadd.f32 v15, v11;
	v23 =	vmul.f32 $1.442695020e+00, v18;
	[tilespmem:s10+$0xFFFFFFE0] =	vst v17;
	(pc) =	sbr.rel @p0 .LBB2_3-.Ltmp0, $4  }
0x60: {  	v17 =	vsel vm0, v8, v14;
	v11 =	vld [tilespmem:s19+$0x10];
	v8 =	vadd.f32 v21, v12;
	v21 =	vbroadcast v19, $0x0;
	[tilespmem:s15+$0xFFFFFFF0] =	vst v19  }
0x61: {  	v12 =	vld [tilespmem:s19+$0xFFFFFFF0];
	vm1 =	vge.f32 v15, $0.0e+00;
	v18 =	vmul.f32 $2.000000030e-01, v15;
	(erf) = vpow2.f32 v23;
	v5 =	vpop (erf);
	[tilespmem:s10+$0x0] =	vst v24;
	s10 =	smov.u32 s15;
	s15 =	smov.u32 s14;
	s14 =	smov.u32 s11  }
0x62: {  	s11 =	smov.u32 s16;
	s16 =	smov.u32 s17;
	s17 =	smov.u32 s19;
	vm0 =	vge.f32 v8, $0.0e+00;
	v14 =	vmul.f32 $2.000000030e-01, v8;
	v16 =	vbroadcast v5, $0x0;
	[tilespmem:s10+$0x10] =	vst v5;
	v5 =	vmovc v4;
	v4 =	vld [tilespmem:s19+$0xFFFFFFE0];
	v13 =	vmovc v9  }
0x63: {  	s21 =	sadd.s32 $0x20, s21;
	v19 =	vsel vm1, v15, v18;
	v18 =	vsub.f32 v17, v0;
	v9 =	vld [tilespmem:s15+$0x0];
	v17 =	vmul.f32 v21, v22;
	v15 =	vmovc v20  }
0x64: {  	v6 =	vmul.f32 $1.442695020e+00, v6  }
0x65: {  	(erf) = vpow2.f32 v7;
	v11 =	vadd.f32 v15, v11;
	v15 =	vmul.f32 $1.442695020e+00, v18  }
0x66: {  	v7 =	vpop (erf);
	v13 =	vmul.f32 v16, v13;
	v8 =	vsel vm0, v8, v14;
	v10 =	vadd.f32 v10, v12  }
0x67: {  	v8 =	vsub.f32 v8, v0;
	v12 =	vbroadcast v7, $0x0;
	v14 =	vmul.f32 $2.000000030e-01, v11  }
0x68: {  	v19 =	vsub.f32 v19, v0;
	(erf) = vpow2.f32 v15;
	v16 =	vmul.f32 $2.000000030e-01, v10  }
0x69: {  	vm1 =	vge.f32 v10, $0.0e+00;
	v15 =	vpop (erf);
	(erf) = vpow2.f32 v6;
	v6 =	vmul.f32 $1.442695020e+00, v8  }
0x6a: {  	vm0 =	vge.f32 v11, $0.0e+00;
	v2 =	vmul.f32 v12, v2;
	v8 =	vsel vm1, v10, v16  }
0x6b: {  	[tilespmem:s15+$0xFFFFFFF0] =	vst v7;
	v7 =	vsel vm0, v11, v14;
	v11 =	vpop (erf);
	(erf) = vpow2.f32 v6;
	v6 =	vsub.f32 v8, v0  }
0x6c: {  	[tilespmem:s10+$0xFFFFFFE0] =	vst v17;
	v18 =	vbroadcast v15, $0x0  }
0x6d: {  	[tilespmem:s10+$0x0] =	vst v13;
	v10 =	vmul.f32 $1.442695020e+00, v19;
	v6 =	vmul.f32 $1.442695020e+00, v6  }
0x6e: {  	[tilespmem:s15+$0x10] =	vst v15;
	v7 =	vsub.f32 v7, v0;
	v8 =	vld [tilespmem:s14+$0x0];
	v12 =	vbroadcast v11, $0x0  }
0x6f: {  	[tilespmem:s15+$0xFFFFFFE0] =	vst v2;
	v9 =	vmul.f32 v18, v9;
	v2 =	vpop (erf);
	(erf) = vpow2.f32 v10  }
0x70: {  	[tilespmem:s14+$0xFFFFFFF0] =	vst v11;
	v7 =	vmul.f32 $1.442695020e+00, v7;
	v1 =	vmul.f32 v12, v1  }
0x71: {  	v10 =	vbroadcast v2, $0x0;
	[tilespmem:s15+$0x0] =	vst v9;
	(erf) = vpow2.f32 v6;
	v6 =	vpop (erf)  }
0x72: {  	[tilespmem:s14+$0x10] =	vst v2;
	v2 =	vld [tilespmem:s11+$0x0];
	(erf) = vpow2.f32 v7;
	v7 =	vbroadcast v6, $0x0  }
0x73: {  	[tilespmem:s14+$0xFFFFFFE0] =	vst v1;
	v1 =	vmul.f32 v10, v8  }
0x74: {  	v8 =	vpop (erf);
	[tilespmem:s11+$0xFFFFFFF0] =	vst v6;
	v3 =	vmul.f32 v7, v3  }
0x75: {  	[tilespmem:s14+$0x0] =	vst v1;
	v1 =	vbroadcast v8, $0x0  }
0x76: {  	v6 =	vld [tilespmem:s16+$0x0];
	[tilespmem:s11+$0x10] =	vst v8;
	v7 =	vpop (erf)  }
0x77: {  	v1 =	vmul.f32 v1, v2;
	[tilespmem:s11+$0xFFFFFFE0] =	vst v3;
	v2 =	vbroadcast v7, $0x0  }
0x78: {  	[tilespmem:s16+$0xFFFFFFF0] =	vst v7;
	v3 =	vpop (erf)  }
0x79: {  	[tilespmem:s11+$0x0] =	vst v1;
	v7 =	vld [tilespmem:s17+$0x0];
	v1 =	vbroadcast v3, $0x0;
	v2 =	vmul.f32 v2, v5  }
0x7a: {  	[tilespmem:s16+$0x10] =	vst v3;
	v3 =	vpop (erf)  }
0x7b: {  	v5 =	vpop (erf);
	[tilespmem:s16+$0xFFFFFFE0] =	vst v2;
	v1 =	vmul.f32 v1, v6;
	v2 =	vbroadcast v3, $0x0  }
0x7c: {  	[tilespmem:s17+$0xFFFFFFF0] =	vst v3;
	v3 =	vbroadcast v5, $0x0  }
0x7d: {  	s15 =	smul.u32 $0x280, s9;
	[tilespmem:s16+$0x0] =	vst v1;
	v1 =	vmul.f32 v2, v4  }
0x7e: {  	[tilespmem:s17+$0x10] =	vst v5;
	v2 =	vmul.f32 v3, v7  }
0x7f: {  	s14 =	sshra.s32 s15, $0x2;
	[tilespmem:s17+$0xFFFFFFE0] =	vst v1  }
0x80: {  	s10 =	sadd.s32 $0x5000, s14;
	[tilespmem:s17+$0x0] =	vst v2  }
0x81: {  	[spmem:s3] =	stream.indirect.scatter.add.f32 [tilespmem:s24], [sflag:$0x3], $0x20, s10, s23, $0xb8;
	[tilespmem:$0x95C0] =	vst v63  }
0x82: {  	s13 =	sadd.s32 $0x3, s13;
	p0 =	seq.s32 s9, $0x3D;
	_ =	swait.ge [sflag:s0], $0xA00  }
0x83: {  	s10 =	smul.u32 @!p0 $0x50, s13;
	[sflag:s0] =	ssyncset.done $0x0  }
0x84: {  	[sflag:s0] =	ssyncadd.s32 $0xFFFFF600  }
0x85: {  	s15 =	simm.s32 @!p0 $0x7760;
	s10 =	sadd.s32 @!p0 s8, s10;
	_ =	swait.ge [sflag:s18], $0x500  }
0x86: {  	s11 =	simm.s32 @!p0 $0x0;
	s10 =	sshrl.u32 @!p0 s10, $0x3;
	[sflag:s18] =	ssyncset.done $0x0  }
0x87: {  	s16 =	simm.s32 $0x90C0;
	s10 =	sadd.s32 @!p0 s6, s10;
	[sflag:s18] =	ssyncadd.s32 $0xFFFFFB00  }
0x88: {  	[tilespmem:s15], [sflag:$0x8] =	stream.linear.gather @!p0 [hbm4b:s10+s11], $0x50, $0x38;
	[tilespmem:$0x95C0] =	vst v63  }
0x89: {  	v1 =	vld [tilespmem:s16+$0x0]  }
0x8a: {  	s11 =	simm.s32 $0x81D0;
	v2 =	vld [tilespmem:s16+$0xFFFFFFF0]  }
0x8b: {  	v3 =	vld [tilespmem:s11+$0x10]  }
0x8c: {  	v4 =	vld [tilespmem:s11+$0xFFFFFFF0]  }
0x8d: {  	s17 =	simm.s32 $0x90E0;
	v17 =	vld [tilespmem:s11+$0xFFFFFFE0]  }
0x8e: {  	v5 =	vld [tilespmem:s17+$0x0]  }
0x8f: {  	s10 =	simm.s32 $0x8210;
	v6 =	vld [tilespmem:s17+$0xFFFFFFF0]  }
0x90: {  	v8 =	vld [tilespmem:s10+$0xFFFFFFF0]  }
0x91: {  	s19 =	simm.s32 $0x9100;
	v7 =	vld [tilespmem:s10+$0x10]  }
0x92: {  	s15 =	simm.s32 $0x8250;
	v10 =	vld [tilespmem:s19+$0xFFFFFFF0]  }
0x93: {  	v12 =	vld [tilespmem:s15+$0x10];
	s16 =	simm.s32 $0x8290;
	v4 =	vadd.f32 v2, v4  }
0x94: {  	v13 =	vld [tilespmem:s16+$0x10];
	v1 =	vadd.f32 v1, v3  }
0x95: {  	v3 =	vld [tilespmem:s19+$0x0];
	v6 =	vadd.f32 v6, v8;
	v9 =	vmul.f32 $2.000000030e-01, v4  }
0x96: {  	v15 =	vld [tilespmem:s16+$0xFFFFFFF0];
	v5 =	vadd.f32 v5, v7;
	v11 =	vmul.f32 $2.000000030e-01, v1;
	vm0 =	vge.f32 v4, $0.0e+00  }
0x97: {  	s17 =	simm.s32 $0x82D0;
	v7 =	vld [tilespmem:s15+$0xFFFFFFF0];
	vm1 =	vge.f32 v1, $0.0e+00;
	v14 =	vmul.f32 $2.000000030e-01, v6;
	v4 =	vsel vm0, v4, v9  }
0x98: {  	s21 =	simm.s32 $0x9120;
	v18 =	vld [tilespmem:s17+$0xFFFFFFF0];
	v9 =	vsel vm1, v1, v11;
	vm0 =	vge.f32 v5, $0.0e+00;
	v4 =	vsub.f32 v4, v0  }
0x99: {  	v11 =	vld [tilespmem:s21+$0x0];
	vm1 =	vge.f32 v6, $0.0e+00;
	v8 =	vsub.f32 v9, v0;
	v9 =	vmul.f32 $2.000000030e-01, v5  }
0x9a: {  	v2 =	vld [tilespmem:s10+$0xFFFFFFE0];
	v12 =	vadd.f32 v3, v12;
	v6 =	vsel vm1, v6, v14;
	v4 =	vmul.f32 $1.442695020e+00, v4  }
0x9b: {  	v6 =	vsub.f32 v6, v0;
	v5 =	vsel vm0, v5, v9;
	v9 =	vld [tilespmem:s21+$0xFFFFFFF0];
	v8 =	vmul.f32 $1.442695020e+00, v8  }
0x9c: {  	s19 =	simm.s32 $0x9140;
	v1 =	vld [tilespmem:s15+$0xFFFFFFE0];
	(erf) = vpow2.f32 v4;
	v4 =	vadd.f32 v10, v7;
	v7 =	vmul.f32 $2.000000030e-01, v12  }
0x9d: {  	v14 =	vld [tilespmem:s19+$0x0];
	vm0 =	vge.f32 v12, $0.0e+00;
	v5 =	vsub.f32 v5, v0;
	(erf) = vpow2.f32 v8  }
0x9e: {  	v6 =	vmul.f32 $1.442695020e+00, v6;
	v10 =	vadd.f32 v11, v13;
	v7 =	vsel vm0, v12, v7;
	v12 =	vld [tilespmem:s17+$0x10]  }
0x9f: {  	v8 =	vld [tilespmem:s19+$0xFFFFFFF0];
	v16 =	vmul.f32 $1.442695020e+00, v5;
	vm1 =	vge.f32 v4, $0.0e+00;
	v11 =	vmul.f32 $2.000000030e-01, v4  }
0xa0: {  	v3 =	vld [tilespmem:s16+$0xFFFFFFE0];
	v13 =	vmul.f32 $2.000000030e-01, v10;
	(erf) = vpow2.f32 v6;
	v9 =	vadd.f32 v9, v15  }
0xa1: {  	s25 =	simm.s32 $0x9160;
	v5 =	vld [tilespmem:s17+$0xFFFFFFE0];
	vm0 =	vge.f32 v10, $0.0e+00;
	v7 =	vsub.f32 v7, v0;
	v4 =	vsel vm1, v4, v11  }
0xa2: {  	v15 =	vld [tilespmem:s25+$0x0];
	(erf) = vpow2.f32 v16;
	v4 =	vsub.f32 v4, v0;
	v19 =	vmul.f32 $2.000000030e-01, v9  }
0xa3: {  	v6 =	vsel vm0, v10, v13;
	v13 =	vld [tilespmem:s11+$0x0];
	vm1 =	vge.f32 v9, $0.0e+00;
	v20 =	vadd.f32 v14, v12  }
0xa4: {  	s30 =	simm.s32 $0x8310;
	v10 =	vld [tilespmem:s25+$0xFFFFFFF0];
	v6 =	vsub.f32 v6, v0;
	v8 =	vadd.f32 v8, v18;
	v4 =	vmul.f32 $1.442695020e+00, v4  }
0xa5: {  	v11 =	vld [tilespmem:s30+$0x10];
	v7 =	vmul.f32 $1.442695020e+00, v7;
	v9 =	vsel vm1, v9, v19;
	v16 =	vpop (erf);
	v18 =	vmul.f32 $2.000000030e-01, v20  }
0xa6: {  	v12 =	vld [tilespmem:s30+$0xFFFFFFF0];
	vm0 =	vge.f32 v8, $0.0e+00;
	(erf) = vpow2.f32 v4;
	v21 =	vbroadcast v16, $0x0;
	v19 =	vpop (erf)  }
0xa7: {  	v14 =	vmul.f32 $2.000000030e-01, v8;
	vm1 =	vge.f32 v20, $0.0e+00;
	v4 =	vld [tilespmem:s30+$0xFFFFFFE0];
	[tilespmem:s11+$0xFFFFFFF0] =	vst v16;
	v16 =	vbroadcast v19, $0x0  }
0xa8: {  	s21 =	simm.s32 $0xA;
	s19 =	simm.s32 $0x8310;
	s25 =	simm.s32 $0x9180;
	[tilespmem:s11+$0x10] =	vst v19;
	v19 =	vsel vm1, v20, v18;
	v18 =	vsub.f32 v9, v0;
	v9 =	vld [tilespmem:s10+$0x0];
	v17 =	vmul.f32 v21, v17  }
.LBB2_5:
0xa9: {  	s21 =	sadd.s32 $0x2, s21;
	(erf) = vpow2.f32 v7;
	v7 =	vmul.f32 $1.442695020e+00, v6;
	v6 =	vsub.f32 v19, v0;
	v19 =	vpop (erf)  }
0xaa: {  	v20 =	vld [tilespmem:s25+$0x0];
	s30 =	sadd.s32 $0x40, s30;
	v21 =	vmovc v10;
	v22 =	vmovc v2;
	v2 =	vmov v1;
	v1 =	vmov v3;
	v3 =	vmov v5;
	p1 =	slt.u32 s21, $0x4E  }
.Ltmp1:
0xab: {  	v24 =	vmul.f32 v16, v13;
	v10 =	vld [tilespmem:s25+$0xFFFFFFF0];
	v15 =	vadd.f32 v15, v11;
	v23 =	vmul.f32 $1.442695020e+00, v18;
	[tilespmem:s11+$0xFFFFFFE0] =	vst v17;
	(pc) =	sbr.rel @p1 .LBB2_5-.Ltmp1, $4  }
0xac: {  	v17 =	vsel vm0, v8, v14;
	v11 =	vld [tilespmem:s30+$0x10];
	v8 =	vadd.f32 v21, v12;
	v21 =	vbroadcast v19, $0x0;
	[tilespmem:s10+$0xFFFFFFF0] =	vst v19  }
0xad: {  	v12 =	vld [tilespmem:s30+$0xFFFFFFF0];
	vm1 =	vge.f32 v15, $0.0e+00;
	v18 =	vmul.f32 $2.000000030e-01, v15;
	(erf) = vpow2.f32 v23;
	v5 =	vpop (erf);
	[tilespmem:s11+$0x0] =	vst v24;
	s11 =	smov.u32 s10;
	s10 =	smov.u32 s15;
	s15 =	smov.u32 s16  }
0xae: {  	s16 =	smov.u32 s17;
	s17 =	smov.u32 s19;
	s19 =	smov.u32 s30;
	vm0 =	vge.f32 v8, $0.0e+00;
	v14 =	vmul.f32 $2.000000030e-01, v8;
	v16 =	vbroadcast v5, $0x0;
	[tilespmem:s11+$0x10] =	vst v5;
	v5 =	vmovc v4;
	v4 =	vld [tilespmem:s30+$0xFFFFFFE0];
	v13 =	vmovc v9  }
0xaf: {  	s25 =	sadd.s32 $0x20, s25;
	v19 =	vsel vm1, v15, v18;
	v18 =	vsub.f32 v17, v0;
	v9 =	vld [tilespmem:s10+$0x0];
	v17 =	vmul.f32 v21, v22;
	v15 =	vmovc v20  }
0xb0: {  	v6 =	vmul.f32 $1.442695020e+00, v6;
	(erf) = vpow2.f32 v7  }
0xb1: {  	v19 =	vsub.f32 v19, v0;
	v41 =	vpop (erf);
	v13 =	vmul.f32 v16, v13;
	v42 =	vmul.f32 $1.442695020e+00, v18  }
0xb2: {  	v8 =	vsel vm0, v8, v14;
	v11 =	vadd.f32 v15, v11;
	v43 =	vbroadcast v41, $0x0  }
0xb3: {  	v8 =	vsub.f32 v8, v0;
	v10 =	vadd.f32 v10, v12;
	(erf) = vpow2.f32 v42  }
0xb4: {  	v51 =	vmul.f32 $1.442695020e+00, v19;
	v44 =	vmul.f32 $2.000000030e-01, v11  }
0xb5: {  	v48 =	vmul.f32 $1.442695020e+00, v8;
	v46 =	vmul.f32 $2.000000030e-01, v10  }
0xb6: {  	[tilespmem:s11+$0xFFFFFFE0] =	vst v17;
	v45 =	vpop (erf);
	v2 =	vmul.f32 v43, v2;
	vm1 =	vge.f32 v10, $0.0e+00;
	(erf) = vpow2.f32 v6  }
0xb7: {  	[tilespmem:s10+$0xFFFFFFF0] =	vst v41;
	vm15 =	vge.f32 v11, $0.0e+00;
	v47 =	vbroadcast v45, $0x0;
	v50 =	vsel vm1, v10, v46  }
0xb8: {  	[tilespmem:s11+$0x0] =	vst v13;
	v49 =	vsel vm15, v11, v44;
	v52 =	vpop (erf);
	(erf) = vpow2.f32 v48;
	v53 =	vsub.f32 v50, v0  }
0xb9: {  	v54 =	vld [tilespmem:s15+$0x0];
	[tilespmem:s10+$0x10] =	vst v45;
	v9 =	vmul.f32 v47, v9;
	v7 =	vsub.f32 v49, v0;
	v55 =	vbroadcast v52, $0x0  }
0xba: {  	[tilespmem:s10+$0xFFFFFFE0] =	vst v2;
	v2 =	vpop (erf);
	(erf) = vpow2.f32 v51;
	v6 =	vmul.f32 $1.442695020e+00, v53  }
0xbb: {  	[tilespmem:s15+$0xFFFFFFF0] =	vst v52;
	v7 =	vmul.f32 $1.442695020e+00, v7;
	v1 =	vmul.f32 v55, v1  }
0xbc: {  	[tilespmem:s10+$0x0] =	vst v9;
	v56 =	vbroadcast v2, $0x0;
	(erf) = vpow2.f32 v6;
	v57 =	vpop (erf)  }
0xbd: {  	[tilespmem:s15+$0x10] =	vst v2;
	v2 =	vld [tilespmem:s16+$0x0];
	(erf) = vpow2.f32 v7;
	v58 =	vbroadcast v57, $0x0  }
0xbe: {  	[tilespmem:s15+$0xFFFFFFE0] =	vst v1;
	v1 =	vmul.f32 v56, v54  }
0xbf: {  	v59 =	vpop (erf);
	[tilespmem:s16+$0xFFFFFFF0] =	vst v57;
	v3 =	vmul.f32 v58, v3  }
0xc0: {  	[tilespmem:s15+$0x0] =	vst v1;
	v1 =	vbroadcast v59, $0x0  }
0xc1: {  	v60 =	vld [tilespmem:s17+$0x0];
	[tilespmem:s16+$0x10] =	vst v59;
	v61 =	vpop (erf)  }
0xc2: {  	v1 =	vmul.f32 v1, v2;
	v2 =	vbroadcast v61, $0x0;
	[tilespmem:s17+$0xFFFFFFF0] =	vst v61  }
0xc3: {  	[tilespmem:s16+$0xFFFFFFE0] =	vst v3;
	v3 =	vpop (erf)  }
0xc4: {  	v62 =	vld [tilespmem:s19+$0x0];
	[tilespmem:s16+$0x0] =	vst v1;
	v2 =	vmul.f32 v2, v5;
	v1 =	vbroadcast v3, $0x0  }
0xc5: {  	[tilespmem:s17+$0x10] =	vst v3;
	v3 =	vpop (erf)  }
0xc6: {  	[tilespmem:s17+$0xFFFFFFE0] =	vst v2;
	v2 =	vbroadcast v3, $0x0;
	v63 =	vpop (erf);
	v1 =	vmul.f32 v1, v60  }
0xc7: {  	[tilespmem:s19+$0xFFFFFFF0] =	vst v3;
	v3 =	vbroadcast v63, $0x0  }
0xc8: {  	[tilespmem:s17+$0x0] =	vst v1;
	v1 =	vmul.f32 v2, v4  }
0xc9: {  	[tilespmem:s19+$0x10] =	vst v63;
	v2 =	vmul.f32 v3, v62  }
0xca: {  	[tilespmem:s19+$0xFFFFFFE0] =	vst v1  }
0xcb: {  	s21 =	sadd.s32 $0x5050, s14;
	[tilespmem:s19+$0x0] =	vst v2  }
0xcc: {  	[spmem:s3] =	stream.indirect.scatter.add.f32 [tilespmem:s28], [sflag:$0x7], $0x20, s21, s23, $0xb8;
	[tilespmem:$0x95C0] =	vst v63  }
0xcd: {  	_ =	swait.ge [sflag:s29], $0xA00  }
0xce: {  	[sflag:s29] =	ssyncset.done $0x0  }
0xcf: {  	[sflag:s29] =	ssyncadd.s32 $0xFFFFF600  }
0xd0: {  	s25 =	smul.u32 $0x140, s12;
	_ =	swait.ge [sflag:s22], $0x50  }
.Ltmp2:
0xd1: {  	[sflag:s22] =	ssyncset.done $0x0;
	(pc) =	sbr.rel @p0 .LBB2_8-.Ltmp2, $4  }
0xd2: {  	s10 =	sshra.s32 s25, $0x2;
	[sflag:s22] =	ssyncadd.s32 $0xFFFFFFB0  }
0xd3: {  	[tilespmem:s24], [sflag:$0x1] =	stream.indirect.gather [hbm4b:s5+s23], $0x20, s20, s23, $0xb8;
	[tilespmem:$0x95C0] =	vst v63  }
0xd4: {  	s30 =	simm.s32 $0x8BB0;
	s10 =	sadd.s32 $0x5000, s10  }
0xd5: {  	[tilespmem:s30], [sflag:$0x2] =	stream.indirect.gather [hbm4b:s2+s23], $0x10, s10, s23, $0xb8;
	[tilespmem:$0x95C0] =	vst v63  }
0xd6: {  	_ =	swait.ge [sflag:s7], $0xA00  }
0xd7: {  	[sflag:s7] =	ssyncset.done $0x0  }
0xd8: {  	[sflag:s7] =	ssyncadd.s32 $0xFFFFF600  }
0xd9: {  	s10 =	smul.u32 $0x140, s13;
	_ =	swait.ge [sflag:s26], $0x50  }
.Ltmp3:
0xda: {  	[sflag:s26] =	ssyncset.done $0x0;
	(pc) =	sbr.rel .LBB2_2-.Ltmp3, $4  }
0xdb: {  	s11 =	simm.s32 $0x7760;
	s10 =	sshra.s32 s10, $0x2;
	[sflag:s26] =	ssyncadd.s32 $0xFFFFFFB0  }
0xdc: {  	[tilespmem:s28], [sflag:$0x5] =	stream.indirect.gather [hbm4b:s5+s23], $0x20, s11, s23, $0xb8;
	[tilespmem:$0x95C0] =	vst v63  }
0xdd: {  	s30 =	simm.s32 $0x90B0;
	s9 =	sadd.s32 $0x1, s9;
	s10 =	sadd.s32 $0x5000, s10  }
0xde: {  	[tilespmem:s30], [sflag:$0x6] =	stream.indirect.gather [hbm4b:s2+s23], $0x10, s10, s23, $0xb8;
	[tilespmem:$0x95C0] =	vst v63  }
.LBB2_8:
0xdf: {  	_ =	swait.ge [sflag:s31], $0xA00  }
0xe0: {  	[sflag:s31] =	ssyncset.done $0x0  }
0xe1: {  	[sflag:s31] =	ssyncadd.s32 $0xFFFFF600  }
0xe2: {  	_ =	swait.ge [sflag:s1], $0x500  }
0xe3: {  	[sflag:s1] =	ssyncset.done $0x0  }
0xe4: {  	s9 =	simm.s32 $0x8BC0;
	[sflag:s1] =	ssyncadd.s32 $0xFFFFFB00  }
0xe5: {  	v1 =	vld [tilespmem:s9+$0x0]  }
0xe6: {  	s11 =	simm.s32 $0x77D0;
	v2 =	vld [tilespmem:s9+$0xFFFFFFF0]  }
0xe7: {  	v3 =	vld [tilespmem:s11+$0x10]  }
0xe8: {  	v4 =	vld [tilespmem:s11+$0xFFFFFFF0]  }
0xe9: {  	s25 =	simm.s32 $0x8BE0;
	v17 =	vld [tilespmem:s11+$0xFFFFFFE0]  }
0xea: {  	v5 =	vld [tilespmem:s25+$0x0]  }
0xeb: {  	s10 =	simm.s32 $0x7810;
	v6 =	vld [tilespmem:s25+$0xFFFFFFF0]  }
0xec: {  	v8 =	vld [tilespmem:s10+$0xFFFFFFF0]  }
0xed: {  	s12 =	simm.s32 $0x8C00;
	v7 =	vld [tilespmem:s10+$0x10]  }
0xee: {  	s9 =	simm.s32 $0x7850;
	v10 =	vld [tilespmem:s12+$0xFFFFFFF0]  }
0xef: {  	v12 =	vld [tilespmem:s9+$0x10];
	v4 =	vadd.f32 v2, v4  }
0xf0: {  	v2 =	vld [tilespmem:s10+$0xFFFFFFE0];
	v1 =	vadd.f32 v1, v3  }
0xf1: {  	v3 =	vld [tilespmem:s12+$0x0];
	v6 =	vadd.f32 v6, v8;
	v9 =	vmul.f32 $2.000000030e-01, v4  }
0xf2: {  	v5 =	vadd.f32 v5, v7;
	v7 =	vld [tilespmem:s9+$0xFFFFFFF0];
	s12 =	simm.s32 $0x7890;
	v11 =	vmul.f32 $2.000000030e-01, v1;
	vm0 =	vge.f32 v4, $0.0e+00  }
0xf3: {  	v13 =	vld [tilespmem:s12+$0x10];
	vm1 =	vge.f32 v1, $0.0e+00;
	v14 =	vmul.f32 $2.000000030e-01, v6;
	v4 =	vsel vm0, v4, v9  }
0xf4: {  	s13 =	simm.s32 $0x8C20;
	v15 =	vld [tilespmem:s12+$0xFFFFFFF0];
	v9 =	vsel vm1, v1, v11;
	vm0 =	vge.f32 v5, $0.0e+00;
	v4 =	vsub.f32 v4, v0  }
0xf5: {  	v11 =	vld [tilespmem:s13+$0x0];
	vm1 =	vge.f32 v6, $0.0e+00;
	v8 =	vsub.f32 v9, v0;
	v9 =	vmul.f32 $2.000000030e-01, v5  }
0xf6: {  	v1 =	vld [tilespmem:s9+$0xFFFFFFE0];
	v12 =	vadd.f32 v3, v12;
	v6 =	vsel vm1, v6, v14;
	v4 =	vmul.f32 $1.442695020e+00, v4  }
0xf7: {  	s14 =	simm.s32 $0x8C40;
	v6 =	vsub.f32 v6, v0;
	v5 =	vsel vm0, v5, v9;
	v9 =	vld [tilespmem:s13+$0xFFFFFFF0];
	v8 =	vmul.f32 $1.442695020e+00, v8  }
0xf8: {  	v14 =	vld [tilespmem:s14+$0x0];
	s13 =	simm.s32 $0x78D0;
	(erf) = vpow2.f32 v4;
	v4 =	vadd.f32 v10, v7;
	v7 =	vmul.f32 $2.000000030e-01, v12  }
0xf9: {  	vm0 =	vge.f32 v12, $0.0e+00;
	v5 =	vsub.f32 v5, v0;
	v18 =	vld [tilespmem:s13+$0xFFFFFFF0];
	(erf) = vpow2.f32 v8  }
0xfa: {  	v6 =	vmul.f32 $1.442695020e+00, v6;
	v10 =	vadd.f32 v11, v13;
	v7 =	vsel vm0, v12, v7;
	v12 =	vld [tilespmem:s13+$0x10]  }
0xfb: {  	v8 =	vld [tilespmem:s14+$0xFFFFFFF0];
	v16 =	vmul.f32 $1.442695020e+00, v5;
	vm1 =	vge.f32 v4, $0.0e+00;
	v11 =	vmul.f32 $2.000000030e-01, v4  }
0xfc: {  	v3 =	vld [tilespmem:s12+$0xFFFFFFE0];
	v13 =	vmul.f32 $2.000000030e-01, v10;
	(erf) = vpow2.f32 v6;
	v9 =	vadd.f32 v9, v15  }
0xfd: {  	s30 =	simm.s32 $0x8C60;
	v5 =	vld [tilespmem:s13+$0xFFFFFFE0];
	vm0 =	vge.f32 v10, $0.0e+00;
	v7 =	vsub.f32 v7, v0;
	v4 =	vsel vm1, v4, v11  }
0xfe: {  	v15 =	vld [tilespmem:s30+$0x0];
	(erf) = vpow2.f32 v16;
	v4 =	vsub.f32 v4, v0;
	v19 =	vmul.f32 $2.000000030e-01, v9  }
0xff: {  	v6 =	vsel vm0, v10, v13;
	v13 =	vld [tilespmem:s11+$0x0];
	vm1 =	vge.f32 v9, $0.0e+00;
	v20 =	vadd.f32 v14, v12  }
0x100: {  	s15 =	simm.s32 $0x7910;
	v10 =	vld [tilespmem:s30+$0xFFFFFFF0];
	v6 =	vsub.f32 v6, v0;
	v8 =	vadd.f32 v8, v18;
	v4 =	vmul.f32 $1.442695020e+00, v4  }
0x101: {  	v11 =	vld [tilespmem:s15+$0x10];
	v7 =	vmul.f32 $1.442695020e+00, v7;
	v9 =	vsel vm1, v9, v19;
	v16 =	vpop (erf);
	v18 =	vmul.f32 $2.000000030e-01, v20  }
0x102: {  	v12 =	vld [tilespmem:s15+$0xFFFFFFF0];
	vm0 =	vge.f32 v8, $0.0e+00;
	(erf) = vpow2.f32 v4;
	v21 =	vbroadcast v16, $0x0;
	v19 =	vpop (erf)  }
0x103: {  	v14 =	vmul.f32 $2.000000030e-01, v8;
	vm1 =	vge.f32 v20, $0.0e+00;
	v4 =	vld [tilespmem:s15+$0xFFFFFFE0];
	[tilespmem:s11+$0xFFFFFFF0] =	vst v16;
	v16 =	vbroadcast v19, $0x0  }
0x104: {  	s16 =	simm.s32 $0xA;
	s17 =	simm.s32 $0x8C80;
	s14 =	simm.s32 $0x7910;
	[tilespmem:s11+$0x10] =	vst v19;
	v19 =	vsel vm1, v20, v18;
	v18 =	vsub.f32 v9, v0;
	v9 =	vld [tilespmem:s10+$0x0];
	v17 =	vmul.f32 v21, v17  }
.LBB2_9:
0x105: {  	s16 =	sadd.s32 $0x2, s16;
	(erf) = vpow2.f32 v7;
	v7 =	vmul.f32 $1.442695020e+00, v6;
	v6 =	vsub.f32 v19, v0;
	v19 =	vpop (erf)  }
0x106: {  	v20 =	vld [tilespmem:s17+$0x0];
	s15 =	sadd.s32 $0x40, s15;
	v21 =	vmovc v10;
	v22 =	vmovc v2;
	v2 =	vmov v1;
	v1 =	vmov v3;
	v3 =	vmov v5;
	p0 =	slt.u32 s16, $0x4E  }
.Ltmp4:
0x107: {  	v24 =	vmul.f32 v16, v13;
	v10 =	vld [tilespmem:s17+$0xFFFFFFF0];
	v15 =	vadd.f32 v15, v11;
	v23 =	vmul.f32 $1.442695020e+00, v18;
	[tilespmem:s11+$0xFFFFFFE0] =	vst v17;
	(pc) =	sbr.rel @p0 .LBB2_9-.Ltmp4, $4  }
0x108: {  	v17 =	vsel vm0, v8, v14;
	v11 =	vld [tilespmem:s15+$0x10];
	v8 =	vadd.f32 v21, v12;
	v21 =	vbroadcast v19, $0x0;
	[tilespmem:s10+$0xFFFFFFF0] =	vst v19  }
0x109: {  	v12 =	vld [tilespmem:s15+$0xFFFFFFF0];
	vm1 =	vge.f32 v15, $0.0e+00;
	v18 =	vmul.f32 $2.000000030e-01, v15;
	(erf) = vpow2.f32 v23;
	v5 =	vpop (erf);
	[tilespmem:s11+$0x0] =	vst v24;
	s11 =	smov.u32 s10;
	s10 =	smov.u32 s9;
	s9 =	smov.u32 s12  }
0x10a: {  	s12 =	smov.u32 s13;
	s13 =	smov.u32 s14;
	s14 =	smov.u32 s15;
	vm0 =	vge.f32 v8, $0.0e+00;
	v14 =	vmul.f32 $2.000000030e-01, v8;
	v16 =	vbroadcast v5, $0x0;
	[tilespmem:s11+$0x10] =	vst v5;
	v5 =	vmovc v4;
	v4 =	vld [tilespmem:s15+$0xFFFFFFE0];
	v13 =	vmovc v9  }
0x10b: {  	s17 =	sadd.s32 $0x20, s17;
	v19 =	vsel vm1, v15, v18;
	v18 =	vsub.f32 v17, v0;
	v9 =	vld [tilespmem:s10+$0x0];
	v17 =	vmul.f32 v21, v22;
	v15 =	vmovc v20  }
0x10c: {  	v6 =	vmul.f32 $1.442695020e+00, v6  }
0x10d: {  	v19 =	vsub.f32 v19, v0;
	(erf) = vpow2.f32 v7;
	v13 =	vmul.f32 v16, v13  }
0x10e: {  	v27 =	vpop (erf);
	v8 =	vsel vm0, v8, v14;
	v11 =	vadd.f32 v15, v11;
	v28 =	vmul.f32 $1.442695020e+00, v18  }
0x10f: {  	v29 =	vbroadcast v27, $0x0;
	v10 =	vadd.f32 v10, v12;
	v37 =	vmul.f32 $1.442695020e+00, v19  }
0x110: {  	v8 =	vsub.f32 v8, v0;
	v31 =	vpop (erf);
	v30 =	vmul.f32 $2.000000030e-01, v11;
	(erf) = vpow2.f32 v28  }
0x111: {  	vm15 =	vge.f32 v11, $0.0e+00;
	v33 =	vbroadcast v31, $0x0;
	v32 =	vmul.f32 $2.000000030e-01, v10  }
0x112: {  	[tilespmem:s11+$0xFFFFFFE0] =	vst v17;
	v34 =	vmul.f32 $1.442695020e+00, v8;
	vm1 =	vge.f32 v10, $0.0e+00;
	(erf) = vpow2.f32 v6  }
0x113: {  	[tilespmem:s10+$0xFFFFFFF0] =	vst v27;
	v2 =	vmul.f32 v29, v2;
	v35 =	vsel vm15, v11, v30;
	v36 =	vsel vm1, v10, v32  }
0x114: {  	[tilespmem:s11+$0x0] =	vst v13;
	v38 =	vpop (erf);
	(erf) = vpow2.f32 v34;
	v41 =	vsub.f32 v35, v0;
	v39 =	vsub.f32 v36, v0  }
0x115: {  	v40 =	vld [tilespmem:s9+$0x0];
	[tilespmem:s10+$0x10] =	vst v31;
	v42 =	vmul.f32 v33, v9;
	v43 =	vbroadcast v38, $0x0  }
0x116: {  	[tilespmem:s10+$0xFFFFFFE0] =	vst v2;
	v0 =	vmul.f32 $1.442695020e+00, v41;
	v6 =	vmul.f32 $1.442695020e+00, v39  }
0x117: {  	[tilespmem:s9+$0xFFFFFFF0] =	vst v38;
	v44 =	vpop (erf);
	(erf) = vpow2.f32 v37;
	v1 =	vmul.f32 v43, v1  }
0x118: {  	[tilespmem:s10+$0x0] =	vst v42;
	v45 =	vbroadcast v44, $0x0;
	(erf) = vpow2.f32 v6  }
0x119: {  	v46 =	vld [tilespmem:s12+$0x0];
	[tilespmem:s9+$0x10] =	vst v44;
	v47 =	vpop (erf);
	(erf) = vpow2.f32 v0  }
0x11a: {  	[tilespmem:s9+$0xFFFFFFE0] =	vst v1;
	v48 =	vmul.f32 v45, v40  }
0x11b: {  	v49 =	vbroadcast v47, $0x0;
	v50 =	vpop (erf);
	[tilespmem:s12+$0xFFFFFFF0] =	vst v47  }
0x11c: {  	[tilespmem:s9+$0x0] =	vst v48;
	v51 =	vbroadcast v50, $0x0  }
0x11d: {  	[tilespmem:s12+$0x10] =	vst v50;
	v1 =	vmul.f32 v49, v3;
	v53 =	vpop (erf)  }
0x11e: {  	v52 =	vld [tilespmem:s13+$0x0];
	v0 =	vmul.f32 v51, v46;
	v54 =	vbroadcast v53, $0x0;
	[tilespmem:s13+$0xFFFFFFF0] =	vst v53  }
0x11f: {  	[tilespmem:s12+$0xFFFFFFE0] =	vst v1  }
0x120: {  	v57 =	vld [tilespmem:s14+$0x0];
	v55 =	vpop (erf);
	[tilespmem:s12+$0x0] =	vst v0;
	v1 =	vmul.f32 v54, v5  }
0x121: {  	v56 =	vbroadcast v55, $0x0;
	[tilespmem:s13+$0x10] =	vst v55;
	v58 =	vpop (erf)  }
0x122: {  	[tilespmem:s13+$0xFFFFFFE0] =	vst v1;
	v59 =	vbroadcast v58, $0x0;
	v60 =	vpop (erf)  }
0x123: {  	v0 =	vmul.f32 v56, v52;
	[tilespmem:s14+$0xFFFFFFF0] =	vst v58;
	v61 =	vbroadcast v60, $0x0  }
0x124: {  	[tilespmem:s14+$0x10] =	vst v60;
	v62 =	vmul.f32 v59, v4  }
0x125: {  	[tilespmem:s13+$0x0] =	vst v0;
	v63 =	vmul.f32 v61, v57  }
0x126: {  	[tilespmem:s14+$0xFFFFFFE0] =	vst v62  }
0x127: {  	s4 =	simm.s32 $0x76C0;
	[tilespmem:s14+$0x0] =	vst v63  }
0x128: {  	[spmem:s3] =	stream.indirect.scatter.add.f32 [tilespmem:s24], [sflag:$0x3], $0x20, s4, s23, $0xb8;
	[tilespmem:$0x95C0] =	vst v63  }
0x129: {  	_ =	swait.ge [sflag:s29], $0xA00  }
0x12a: {  	[sflag:s29] =	ssyncset.done $0x0  }
0x12b: {  	[sflag:s29] =	ssyncadd.s32 $0xFFFFF600  }
0x12c: {  	_ =	swait.ge [sflag:s7], $0xA00  }
0x12d: {  	[sflag:s7] =	ssyncset.done $0x0  }
0x12e: {  	[sflag:s7] =	ssyncadd.s32 $0xFFFFF600  }
0x12f: {  	[bflag:$0x0] =	sbarrier.arrive $0xFFFF  }
0x130: {  	s12 =	rddreg [dreg:$0x7]  }
0x131: {  	s21 =	rddreg [dreg:$0xa]  }
0x132: {  	s11 =	simm.s32 $0x9;
	s10 =	rddreg [dreg:$0xc]  }
0x133: {  	[hbm:s21], [sflag:s12] =	dma.local [spmem:s10], $0xA00  }
0x134: {  	_ =	swait.ge [sflag:s11], $0xA00  }
0x135: {  	s25 =	rddreg [dreg:$0xd]  }
0x136: {  	s30 =	rddreg [dreg:$0xb];
	s4 =	sadd.s32 $0x1, s25  }
0x137: {  	p0 =	sne.s32 s4, s30  }
.Ltmp5:
0x138: {  	_ = 	snop;
	(pc) =	sbr.rel @p0 .LBB2_1-.Ltmp5, $3  }
0x139: {  	_ =	sdelay $0x1  }
0x13a: {  	[sflag:s11] =	ssyncset.done $0x0  }
0x13b: {  	[sflag:s11] =	ssyncadd.s32 $0xFFFFF600  }
0x13c: {  	_ =	sfence.sel $0x180000  }
0x13d: {  	[bflag:$0x0] =	sbarrier.arrive $0xFFFF  }
0x13e: {  	_ =	strace $0x9000004A  }
0x13f: {  	s0 =	stileid.u32;
	[bflag:$0x2] =	sbarrier.arrive $0xFFFF  }
0x140: {  	p0 =	sne.s32 s0, $0x0;
	s0 =	rddreg [dreg:$0x3]  }
0x141: {  	s0 =	sadd.s32 @!p0 $0x100000, s0  }
0x142: {  	[sflag:s0] =	ssyncadd.tile.s32 @!p0 $0x1;
	_ =	shalt  }
.Lfunc_end2:
_tile_overlayer_lowered:
.L_overlay_start_2:
0x143: {  	(tag) =	ssettag $0x2  }
0x144: {  	s0 =	rddreg [dreg:$0x0];
	s2 =	stileid.u32  }
0x145: {  	s1 =	rddreg [dreg:$0x1];
	p0 =	sne.s32 s2, $0x0  }
0x146: {  	s3 =	rddreg [dreg:$0x2];
	[bflag:$0x3] =	sbarrier.arrive $0xFFFF;
	s2 =	simm.s32 @!p0 $0x1C09  }
0x147: {  	[timem:s3], [sflag:s2] =	dma.local @!p0 [hbm:s0], s1  }
0x148: {  	s0 =	simm.s32 @!p0 $0x9  }
0x149: {  	_ =	swait.ge @!p0 [sflag:s0], s1  }
0x14a: {  	s1 =	ssub.s32 @!p0 $0x0, s1;
	[sflag:s0] =	ssyncset.done @!p0 $0x0  }
0x14b: {  	[sflag:s0] =	ssyncadd.s32 @!p0 s1  }
0x14c: {  	[bflag:$0x3] =	sbarrier.arrive $0xFFFF  }
0x14d: {  	_ =	shalt  }

// kernel: kernel.7.cloned.1.call-start
scs
__scs_entry_jumppad:
0x0: {  	(pc) =	sbr.rel $0x88, $3  }
0x1: {  	(tag) =	ssettag $0x0;
	lr =	simm.s32 $0x1  }
0x2: {  	[smem:$0x3F97] =	sst lr;
	_ =	strace $0xD0000000  }
0x3: {  	_ = 	snop  }
0x4: {  	_ = 	snop  }
0x5: {  	_ = 	snop  }
0x6: {  	_ = 	snop  }
0x7: {  	_ = 	snop  }
__scs_overlays_trampoline_lowered:
0x8: {  	[smem:$0x3FA6] =	sst s0  }
0x9: {  	[smem:$0x3FA7] =	sst s1  }
0xa: {  	[smem:$0x3FA8] =	sst s2  }
0xb: {  	[smem:$0x3FA9] =	sst s3  }
0xc: {  	[smem:$0x3FAA] =	sst s4  }
0xd: {  	[smem:$0x3FAB] =	sst s5  }
0xe: {  	[smem:$0x3FAC] =	sst s6  }
0xf: {  	[smem:$0x3FAD] =	sst s7  }
0x10: {  	[smem:$0x3FAE] =	sst s8  }
0x11: {  	[smem:$0x3FAF] =	sst s9;
	s0 =	simm.s32 @!p0 $0x0  }
0x12: {  	s1 =	sld [smem:$0x3F95];
	s0 =	simm.s32 @p0 $0x1  }
0x13: {  	[smem:$0x3FB0] =	sst s0;
	s0 =	simm.s32 @!p1 $0x0  }
0x14: {  	s2 =	sld [smem:$0x3F94];
	s0 =	simm.s32 @p1 $0x1  }
0x15: {  	[smem:$0x3FB1] =	sst s0;
	s0 =	simm.s32 @!p2 $0x0  }
0x16: {  	s3 =	sld [smem:$0x3FDB];
	s0 =	simm.s32 @p2 $0x1  }
0x17: {  	s4 =	simm.s32 $0x1BF5;
	[smem:$0x3FB3] =	sst s0  }
0x18: {  	s0 =	sld [smem:$0x3F96];
	_ =	swait.ge [sflag:s4], $0x0  }
0x19: {  	s7 =	sld [smem:$0x3F97]  }
0x1a: {  	s8 =	sadd.s32 $0xFFFFE003, lr  }
0x1b: {  	s9 =	sadd.s32 $0xFFFFFEF7, lr;
	s5 =	simm.s32 $0xFFFFFFFF;
	p2 =	slt.u32 s8, $0xFFFFF086  }
0x1c: {  	p1 =	slt.u32 s9, $0xF7A;
	s5 =	simm.s32 @!p2 $0x0  }
0x1d: {  	s5 =	simm.s32 @p1 $0x1;
	p0 =	seq.s32 s7, s2  }
0x1e: {  	s7 =	smul.u32 @!p0 $0xF7A, s2;
	p2 =	seq.s32 @!p0 s5, $0x0  }
0x1f: {  	s9 =	smul.u32 $0xF7A, s1;
	s8 =	simm.s32 @!p0 $0x1BF5;
	p2 =	por !p2, p0  }
0x20: {  	[sflag:s8] =	ssyncset.s32 @!p0 $0xFFFFF086;
	s6 =	sadd.s32 @!p0 s3, s7;
	s7 =	simm.s32 @!p0 $0x108  }
0x21: {  	s3 =	sadd.s32 s3, s9;
	s6 =	sadd.s32 @!p0 $0x88, s6;
	s7 =	simm.s32 @p2 $0x1082  }
0x22: {  	[simem:s7], [sflag:s8] =	dma.local @!p0 [hbm:s6], $0xF7A  }
0x23: {  	s9 =	sor.u32 $0xD0000000, s2;
	s6 =	simm.s32 $0x108;
	_ =	swait.ge @!p0 [sflag:s8], $0x0  }
0x24: {  	s3 =	sadd.s32 $0x88, s3;
	s6 =	simm.s32 @!p1 $0x1082;
	[sflag:s4] =	ssyncset.s32 $0xFFFFF086  }
0x25: {  	[simem:s6], [sflag:s4] =	dma.local [hbm:s3], $0xF7A  }
0x26: {  	[smem:$0x3F97] =	sst s1;
	(tag) =	ssettag s2;
	_ =	strace s9  }
0x27: {  	s1 =	sld [smem:$0x3FA7]  }
0x28: {  	s2 =	sld [smem:$0x3FA8]  }
0x29: {  	s4 =	sld [smem:$0x3FAA]  }
0x2a: {  	p0 =	seq.s32 s5, $0x0;
	s5 =	sld [smem:$0x3FAB]  }
0x2b: {  	s6 =	sld [smem:$0x3FAC]  }
0x2c: {  	s7 =	sld [smem:$0x3FAD]  }
0x2d: {  	s3 =	simm.s32 $0x108;
	s8 =	sld [smem:$0x3FAE]  }
0x2e: {  	s3 =	simm.s32 @!p0 $0x1082;
	s9 =	sld [smem:$0x3FAF]  }
0x2f: {  	lr =	sadd.s32 s0, s3;
	s0 =	sld [smem:$0x3FA6]  }
0x30: {  	s3 =	sld [smem:$0x3FA9]  }
0x31: {  	[smem:$0x3FB2] =	sst s10  }
0x32: {  	s10 =	sld [smem:$0x3FB0];
	_ =	sdelay $0x3  }
0x33: {  	p0 =	seq.s32 s10, $0x1;
	s10 =	sld [smem:$0x3FB2];
	_ =	sdelay $0x3  }
0x34: {  	[smem:$0x3FB2] =	sst s10  }
0x35: {  	s10 =	sld [smem:$0x3FB1];
	_ =	sdelay $0x3  }
0x36: {  	p1 =	seq.s32 s10, $0x1;
	s10 =	sld [smem:$0x3FB2];
	_ =	sdelay $0x3  }
0x37: {  	[smem:$0x3FB2] =	sst s10  }
0x38: {  	s10 =	sld [smem:$0x3FB3]  }
0x39: {  	_ = 	snop;
	(pc) =	sbr.ind lr, $3  }
0x3a: {  	_ = 	snop  }
0x3b: {  	_ = 	snop  }
0x3c: {  	p2 =	seq.s32 s10, $0x1;
	s10 =	sld [smem:$0x3FB2]  }
0x3d: {  	_ =	shalt  }
0x3e: {  	_ =	shalt  }
0x3f: {  	_ =	shalt  }
0x40: {  	_ =	shalt  }
0x41: {  	_ =	shalt  }
0x42: {  	_ =	shalt  }
0x43: {  	_ =	shalt  }
0x44: {  	_ =	shalt  }
0x45: {  	_ =	shalt  }
0x46: {  	_ =	shalt  }
0x47: {  	_ =	shalt  }
0x48: {  	_ =	shalt  }
0x49: {  	_ =	shalt  }
0x4a: {  	_ =	shalt  }
0x4b: {  	_ =	shalt  }
0x4c: {  	_ =	shalt  }
0x4d: {  	_ =	shalt  }
0x4e: {  	_ =	shalt  }
0x4f: {  	_ =	shalt  }
0x50: {  	_ =	shalt  }
0x51: {  	_ =	shalt  }
0x52: {  	_ =	shalt  }
0x53: {  	_ =	shalt  }
0x54: {  	_ =	shalt  }
0x55: {  	_ =	shalt  }
0x56: {  	_ =	shalt  }
0x57: {  	_ =	shalt  }
0x58: {  	_ =	shalt  }
0x59: {  	_ =	shalt  }
0x5a: {  	_ =	shalt  }
0x5b: {  	_ =	shalt  }
0x5c: {  	_ =	shalt  }
0x5d: {  	_ =	shalt  }
0x5e: {  	_ =	shalt  }
0x5f: {  	_ =	shalt  }
0x60: {  	_ =	shalt  }
0x61: {  	_ =	shalt  }
0x62: {  	_ =	shalt  }
0x63: {  	_ =	shalt  }
0x64: {  	_ =	shalt  }
0x65: {  	_ =	shalt  }
0x66: {  	_ =	shalt  }
0x67: {  	_ =	shalt  }
0x68: {  	_ =	shalt  }
0x69: {  	_ =	shalt  }
0x6a: {  	_ =	shalt  }
0x6b: {  	_ =	shalt  }
0x6c: {  	_ =	shalt  }
0x6d: {  	_ =	shalt  }
0x6e: {  	_ =	shalt  }
0x6f: {  	_ =	shalt  }
0x70: {  	_ =	shalt  }
0x71: {  	_ =	shalt  }
0x72: {  	_ =	shalt  }
0x73: {  	_ =	shalt  }
0x74: {  	_ =	shalt  }
0x75: {  	_ =	shalt  }
0x76: {  	_ =	shalt  }
0x77: {  	_ =	shalt  }
0x78: {  	_ =	shalt  }
0x79: {  	_ =	shalt  }
0x7a: {  	_ =	shalt  }
0x7b: {  	_ =	shalt  }
0x7c: {  	_ =	shalt  }
0x7d: {  	_ =	shalt  }
0x7e: {  	_ =	shalt  }
0x7f: {  	_ =	shalt  }
0x80: {  	_ =	shalt  }
0x81: {  	_ =	shalt  }
0x82: {  	_ =	shalt  }
0x83: {  	_ =	shalt  }
0x84: {  	_ =	shalt  }
0x85: {  	_ =	shalt  }
0x86: {  	_ =	shalt  }
0x87: {  	_ =	shalt  }
.Lfunc_end0:
.L_simem_size_0:
called_computation_lowered:
.L_overlay_start_0:
0x88: {  	s2 =	sld [smem:$0x3FD9]  }
0x89: {  	s3 =	sld [smem:$0x3FFE];
	_ =	sdelay $0x1  }
0x8a: {  	s1 =	srdreg.scid  }
0x8b: {  	s0 =	sand.u32 $0x1, s1  }
0x8c: {  	s17 =	sshll.u32 s0, $0xA;
	s2 =	sadd.s32 s3, s2  }
0x8d: {  	s2 =	sadd.s32 s2, s17  }
0x8e: {  	[smem:$0x3FBE] =	sst s2  }
0x8f: {  	_ = 	snop  }
0x90: {  	s2 =	sld [smem:$0x3FD0];
	(tm) =	ssettm $0x1  }
0x91: {  	s18 =	sld [smem:$0x3FFB];
	_ =	sdelay $0x3  }
0x92: {  	_ =	strace s18  }
0x93: {  	s3 =	sld [smem:$0x3FFC];
	_ =	sdelay $0x3  }
0x94: {  	_ =	strace s3  }
0x95: {  	s3 =	sld [smem:$0x3FFD];
	_ =	sdelay $0x3  }
0x96: {  	_ =	strace s3  }
0x97: {  	_ =	strace $0x8FFFFFFF  }
0x98: {  	s19 =	sld [smem:$0x3FDB];
	_ =	sdelay $0x1  }
0x99: {  	s4 =	simm.s32 $_scs_section_size  }
0x9a: {  	s5 =	simm.s32 $_size__tile_overlayer_lowered;
	s6 =	simm.s32 $_tile_overlayer_lowered  }
0x9b: {  	s22 =	simm.s32 $0x1BFF;
	s21 =	sshll.u32 s6, $0x1;
	s3 =	sadd.s32 s4, s19  }
0x9c: {  	s7 =	simm.s32 $0x0;
	s20 =	sshll.u32 s5, $0x1;
	s5 =	sadd.s32 s21, s3  }
0x9d: {  	[timem:s7], [sflag:s22] =	dma.local [hbm:s5], s20  }
0x9e: {  	_ =	swait.ge [sflag:s22], s20  }
0x9f: {  	s4 =	ssub.s32 $0x0, s20;
	[sflag:s22] =	ssyncset.done $0x0  }
0xa0: {  	[sflag:s22] =	ssyncadd.s32 s4;
	_ =	sdelay $0x1  }
0xa1: {  	s23 =	simm.s32 $0x1B8B  }
0xa2: {  	_ =	swait.ge [sflag:s23], $0x1  }
0xa3: {  	[sflag:s23] =	ssyncset.done $0x0  }
0xa4: {  	s25 =	simm.s32 $0x1B8E;
	s24 =	sld [smem:$0x3FFE];
	[sflag:s23] =	ssyncadd.s32 $0xFFFFFFFF  }
0xa5: {  	s26 =	simm.s32 $execute0_lowered;
	[smem:$0x3FD2] =	sst s25  }
0xa6: {  	s5 =	sshll.u32 s26, $0x1;
	_ =	strace $0x80000046;
	[dreg:$0x1] =	wrdreg $0xFFFFFFFF  }
0xa7: {  	s28 =	simm.s32 $_size_execute0_lowered;
	s3 =	sadd.s32 s3, s5;
	[dreg:$0x0] =	wrdreg $0x0  }
0xa8: {  	s5 =	sshll.u32 s28, $0x1;
	[dreg:$0x2] =	wrdreg s3  }
0xa9: {  	[dreg:$0x3] =	wrdreg s5  }
0xaa: {  	[dreg:$0x4] =	wrdreg $0xC0  }
0xab: {  	_ =	task [dreg:s7], $0x5FFFF  }
0xac: {  	[dreg:$0x1] =	wrdreg $0xFFFFFFFF  }
0xad: {  	[dreg:$0x0] =	wrdreg $0x60  }
0xae: {  	[dreg:$0x2] =	wrdreg s24  }
0xaf: {  	[dreg:$0x3] =	wrdreg s2  }
0xb0: {  	[dreg:$0x4] =	wrdreg $0x0  }
0xb1: {  	[dreg:$0x5] =	wrdreg $0x9  }
0xb2: {  	_ =	task.clear_ibuf [dreg:s7], $0x6FFFF;
	_ =	strace $0x90000046  }
0xb3: {  	s29 =	simm.s32 $0x9;
	_ =	strace $0x80000048  }
0xb4: {  	_ =	swait.ge [sflag:s29], $0x1  }
0xb5: {  	[sflag:s29] =	ssyncadd.s32 $0xFFFFFFFF  }
0xb6: {  	_ =	strace $0x90000048  }
0xb7: {  	_ =	sfence  }
0xb8: {  	s30 =	sld [smem:$0x0];
	_ =	sdelay $0x2  }
0xb9: {  	s31 =	sshll.u32 s1, $0xD;
	s1 =	sshrl.u32 s1, $0x2  }
0xba: {  	s3 =	sand.u32 $0x4000, s31;
	s1 =	sadd.s32 s1, s30  }
0xbb: {  	s0 =	sor.u32 s3, s0;
	s1 =	sshll.u32 s1, $0x11  }
0xbc: {  	s0 =	sor.u32 s1, s0  }
0xbd: {  	s0 =	sadd.s32 $0x8F2B, s0  }
0xbe: {  	[sflag:s0] =	ssyncadd.remote.s32 $0x1  }
0xbf: {  	_ =	sfence.sel $0xFFFF  }
0xc0: {  	[dreg:$0x0] =	wrdreg $0xFFFFFFFF;
	(pc) =	sbr.abs _section_cstart, $3  }
0xc1: {  	[dreg:$0x1] =	wrdreg $0xFFFFFFFF  }
0xc2: {  	_ =	task.clear_ibuf [dreg:s7], $0x2FFFF;
	_ =	strace $0x9FFFFFFF  }
0xc3: {  	(tm) =	ssettm $0x7FFFFFFF  }
tec
execute0_lowered:
.L_overlay_start_1:
0x0: {  	(tag) =	ssettag $0x1  }
0x1: {  	s0 =	srdreg.scid;
	s1 =	rddreg [dreg:$0x0]  }
0x2: {  	s2 =	rddreg [dreg:$0x1];
	s13 =	stileid.u32  }
0x3: {  	s3 =	rddreg [dreg:$0x2];
	s28 =	simm.s32 $0x1BCB0;
	s30 =	simm.s32 $0x1EEB0  }
0x4: {  	s31 =	simm.s32 $0x1;
	s18 =	simm.s32 $0x6;
	s29 =	simm.s32 $0x3  }
0x5: {  	s0 =	sand.u32 $0x1, s0;
	s9 =	smul.u32 $0x16800, s13;
	s5 =	sadd.s32 $0x1E00, s1  }
0x6: {  	s6 =	sadd.s32 $0x37C00, s1;
	s19 =	sadd.s32 $0x1C00, s1;
	s24 =	sshll.u32 s13, $0x6  }
0x7: {  	s4 =	sshll.u32 s0, $0x4;
	s10 =	smul.u32 $0x168000, s0;
	s0 =	ssub.s32 $0x2, s0  }
0x8: {  	s7 =	sor.u32 s13, s4;
	s4 =	simm.s32 $0x0;
	s12 =	sshrl.u32 s9, $0x3  }
0x9: {  	s22 =	sshrl.u32 s0, $0x1;
	s8 =	smul.u32 $0x4E2, s7;
	[smem:$0x7FF] =	sst s4  }
0xa: {  	s20 =	sadd.s32 s9, s10;
	s21 =	sadd.s32 s12, s1;
	s0 =	ssub.s32 s0, s22  }
0xb: {  	s9 =	sadd.s32 s9, s3;
	s12 =	sor.u32 $0x1C09, s24;
	s22 =	simm.s32 $0x4  }
0xc: {  	s24 =	simm.s32 $0x18FB0;
	_ =	strace $0x80000047;
	[dreg:$0x4] =	wrdreg s19  }
0xd: {  	s10 =	sshrl.u32 s20, $0x3;
	s0 =	smax.u32 s0, $0x1;
	s20 =	simm.s32 $0x18F10  }
0xe: {  	s19 =	simm.s32 $0x0;
	[dreg:$0x7] =	wrdreg s12;
	s11 =	sadd.s32 s8, s1  }
0xf: {  	s8 =	smul.u32 $0x2710, s7;
	s1 =	sadd.s32 s10, s1;
	s7 =	sadd.s32 $0x41A00, s21  }
0x10: {  	[dreg:$0xb] =	wrdreg s0;
	s21 =	simm.s32 $0x18F60;
	s0 =	simm.s32 $0x5  }
0x11: {  	[dreg:$0x5] =	wrdreg s7;
	s25 =	sadd.s32 $0x2DE00, s11;
	s1 =	sadd.s32 $0x6EA00, s1  }
0x12: {  	s11 =	simm.s32 $0x9;
	s23 =	sshrl.u32 s8, $0x3;
	[dreg:$0x8] =	wrdreg s25  }
0x13: {  	s7 =	simm.s32 $0x7;
	[dreg:$0xa] =	wrdreg s1;
	s10 =	sadd.s32 s6, s23  }
0x14: {  	s25 =	simm.s32 $0x1E9B0;
	[dreg:$0x6] =	wrdreg s10;
	s26 =	sadd.s32 $0xA, s10  }
0x15: {  	s1 =	simm.s32 $0x2;
	s10 =	sshrl.u32 s9, $0x3;
	[dreg:$0x9] =	wrdreg s26  }
0x16: {  	s23 =	simm.s32 $0x50;
	s26 =	simm.s32 $0x8;
	[dreg:$0xc] =	wrdreg s10  }
.LBB2_1:
0x17: {  	s9 =	rddreg [dreg:$0x5]  }
0x18: {  	[spmem:s10], [sflag:s12] =	dma.local [hbm:s9], $0x2D00  }
0x19: {  	_ =	swait.ge [sflag:s11], $0x2D00  }
0x1a: {  	[sflag:s11] =	ssyncset.done $0x0  }
0x1b: {  	s12 =	simm.s32 $0x1F3B0;
	s10 =	rddreg [dreg:$0x4];
	[sflag:s11] =	ssyncadd.s32 $0xFFFFD300  }
0x1c: {  	[tilespmem:s12], [sflag:$0x9] =	stream.linear.gather [hbm4b:s10+s4], $0x10, $0x38;
	[tilespmem:$0x1F3C0] =	vst v63  }
0x1d: {  	_ =	swait.ge [sflag:s11], $0x10  }
0x1e: {  	[sflag:s11] =	ssyncset.done $0x0  }
0x1f: {  	s14 =	simm.s32 $0x16800;
	s13 =	rddreg [dreg:$0x8];
	[sflag:s11] =	ssyncadd.s32 $0xFFFFFFF0  }
0x20: {  	[tilespmem:s14], [sflag:$0x9] =	stream.linear.gather [hbm4b:s13+s4], $0x2710, $0x38;
	[tilespmem:$0x1F3C0] =	vst v63  }
0x21: {  	_ =	swait.ge [sflag:s11], $0x2710  }
0x22: {  	[sflag:s11] =	ssyncset.done $0x0  }
0x23: {  	[sflag:s11] =	ssyncadd.s32 $0xFFFFD8F0  }
0x24: {  	[bflag:$0x0] =	sbarrier.arrive $0xFFFF  }
0x25: {  	s15 =	rddreg [dreg:$0x6]  }
0x26: {  	v0 =	vld [tilespmem:$0x1F3B0];
	[tilespmem:s20], [sflag:$0x4] =	stream.linear.gather [hbm4b:s15+s4], $0x50, $0x38  }
0x27: {  	s16 =	rddreg [dreg:$0x9]  }
0x28: {  	[tilespmem:s21], [sflag:$0x8] =	stream.linear.gather [hbm4b:s16+s4], $0x50, $0x38;
	[tilespmem:$0x1F3C0] =	vst v63  }
0x29: {  	_ =	swait.ge [sflag:s22], $0x50  }
0x2a: {  	[sflag:s22] =	ssyncset.done $0x0  }
0x2b: {  	[sflag:s22] =	ssyncadd.s32 $0xFFFFFFB0  }
0x2c: {  	[tilespmem:s24], [sflag:$0x1] =	stream.indirect.gather [hbm4b:s5+s23], $0x90, s20, s23, $0xb8;
	[tilespmem:$0x1F3C0] =	vst v63  }
0x2d: {  	_ = 	snop  }
0x2e: {  	[tilespmem:s25], [sflag:$0x2] =	stream.indirect.gather [hbm4b:s2+s23], $0x10, s14, s23, $0xb8;
	[tilespmem:$0x1F3C0] =	vst v63  }
0x2f: {  	_ =	swait.ge [sflag:s26], $0x50  }
0x30: {  	[sflag:s26] =	ssyncset.done $0x0  }
0x31: {  	[sflag:s26] =	ssyncadd.s32 $0xFFFFFFB0  }
0x32: {  	[tilespmem:s28], [sflag:$0x5] =	stream.indirect.gather [hbm4b:s5+s23], $0x90, s21, s23, $0xb8;
	[tilespmem:$0x1F3C0] =	vst v63  }
0x33: {  	s17 =	simm.s32 $0x16850;
	s9 =	simm.s32 $0x0  }
0x34: {  	[tilespmem:s30], [sflag:$0x6] =	stream.indirect.gather [hbm4b:s2+s23], $0x10, s17, s23, $0xb8;
	[tilespmem:$0x1F3C0] =	vst v63  }
.LBB2_2:
0x35: {  	s13 =	sshll.u32 s9, $0x1  }
0x36: {  	_ =	swait.ge [sflag:s31], $0x2D00;
	s12 =	sadd.s32 $0x2, s13  }
0x37: {  	[sflag:s31] =	ssyncset.done $0x0;
	s10 =	smul.u32 $0x50, s12  }
0x38: {  	[sflag:s31] =	ssyncadd.s32 $0xFFFFD300  }
0x39: {  	_ =	swait.ge [sflag:s1], $0x500;
	s10 =	sadd.s32 s8, s10  }
0x3a: {  	[sflag:s1] =	ssyncset.done $0x0;
	s10 =	sshrl.u32 s10, $0x3  }
0x3b: {  	s14 =	simm.s32 $0x19040;
	[sflag:s1] =	ssyncadd.s32 $0xFFFFFB00;
	s10 =	sadd.s32 s6, s10  }
0x3c: {  	[tilespmem:s20], [sflag:$0x4] =	stream.linear.gather [hbm4b:s10+s4], $0x50, $0x38;
	[tilespmem:$0x1F3C0] =	vst v63  }
0x3d: {  	s17 =	simm.s32 $0x1E9C0;
	v1 =	vld [tilespmem:s14+$0x80]  }
0x3e: {  	v2 =	vld [tilespmem:s17+$0x0]  }
0x3f: {  	v3 =	vld [tilespmem:s17+$0xFFFFFFF0]  }
0x40: {  	v4 =	vld [tilespmem:s14+$0xFFFFFFF0]  }
0x41: {  	v27 =	vld [tilespmem:s14+$0xFFFFFF70]  }
0x42: {  	v28 =	vld [tilespmem:s14+$0xFFFFFF80]  }
0x43: {  	v29 =	vld [tilespmem:s14+$0xFFFFFF90];
	v1 =	vadd.f32 v2, v1  }
0x44: {  	v36 =	vld [tilespmem:s14+$0xFFFFFFA0]  }
0x45: {  	v40 =	vld [tilespmem:s14+$0xFFFFFFB0];
	v2 =	vmul.f32 $2.000000030e-01, v1  }
0x46: {  	v11 =	vld [tilespmem:s14+$0xFFFFFFC0];
	vm0 =	vge.f32 v1, $0.0e+00  }
0x47: {  	v8 =	vld [tilespmem:s14+$0xFFFFFFD0];
	v3 =	vadd.f32 v3, v4;
	v1 =	vsel vm0, v1, v2  }
0x48: {  	v12 =	vld [tilespmem:s14+$0xFFFFFFE0];
	v1 =	vsub.f32 v1, v0  }
0x49: {  	v13 =	vld [tilespmem:s14+$0x0];
	v2 =	vmul.f32 $2.000000030e-01, v3  }
0x4a: {  	v9 =	vld [tilespmem:s14+$0x10];
	vm13 =	vge.f32 v3, $0.0e+00;
	v1 =	vmul.f32 $1.442695020e+00, v1  }
0x4b: {  	v5 =	vld [tilespmem:s14+$0x30];
	v2 =	vsel vm13, v3, v2  }
0x4c: {  	v6 =	vld [tilespmem:s14+$0x40];
	v2 =	vsub.f32 v2, v0;
	(erf) = vpow2.f32 v1  }
0x4d: {  	s15 =	simm.s32 $0x19160;
	v15 =	vld [tilespmem:s14+$0x60]  }
0x4e: {  	s10 =	simm.s32 $0x1E9E0;
	v7 =	vld [tilespmem:s15+$0x80];
	v2 =	vmul.f32 $1.442695020e+00, v2  }
0x4f: {  	v10 =	vld [tilespmem:s10+$0x0]  }
0x50: {  	v20 =	vld [tilespmem:s10+$0xFFFFFFF0];
	(erf) = vpow2.f32 v2  }
0x51: {  	v21 =	vld [tilespmem:s15+$0xFFFFFFF0]  }
0x52: {  	v14 =	vld [tilespmem:s14+$0x70]  }
0x53: {  	v4 =	vld [tilespmem:s14+$0x20]  }
0x54: {  	v23 =	vadd.f32 v10, v7;
	v7 =	vld [tilespmem:s15+$0xFFFFFF90]  }
0x55: {  	v10 =	vld [tilespmem:s15+$0xFFFFFFA0];
	v38 =	vpop (erf)  }
0x56: {  	v24 =	vadd.f32 v20, v21;
	v20 =	vld [tilespmem:s15+$0xFFFFFFC0];
	v18 =	vbroadcast v38, $0x0;
	v22 =	vbroadcast v38, $0x7  }
0x57: {  	v3 =	vld [tilespmem:s15+$0xFFFFFF80];
	v19 =	vbroadcast v38, $0x1;
	v17 =	vbroadcast v38, $0x2  }
0x58: {  	v1 =	vld [tilespmem:s14+$0x50];
	v26 =	vmul.f32 v14, v22;
	v22 =	vmul.f32 $2.000000030e-01, v23  }
0x59: {  	vm14 =	vge.f32 v23, $0.0e+00;
	v2 =	vld [tilespmem:s15+$0xFFFFFF70];
	v16 =	vbroadcast v38, $0x3;
	v30 =	vbroadcast v38, $0x4;
	v37 =	vpop (erf)  }
0x5a: {  	v39 =	vbroadcast v37, $0x0;
	v14 =	vld [tilespmem:s15+$0xFFFFFFB0];
	v41 =	vbroadcast v37, $0x1;
	v21 =	vsel vm14, v23, v22  }
0x5b: {  	v42 =	vbroadcast v37, $0x2;
	v23 =	vmul.f32 $2.000000030e-01, v24;
	v22 =	vld [tilespmem:s15+$0xFFFFFFD0];
	v25 =	vsub.f32 v21, v0  }
0x5c: {  	vm15 =	vge.f32 v24, $0.0e+00;
	v43 =	vbroadcast v37, $0x3;
	v44 =	vbroadcast v37, $0x4;
	[tilespmem:s14+$0x70] =	vst v26;
	v26 =	vld [tilespmem:s15+$0x30]  }
0x5d: {  	v39 =	vmul.f32 v39, v27;
	v27 =	vld [tilespmem:s15+$0x40];
	v23 =	vsel vm15, v24, v23;
	v31 =	vmul.f32 $1.442695020e+00, v25  }
0x5e: {  	v33 =	vbroadcast v37, $0x5;
	v35 =	vbroadcast v37, $0x6;
	v21 =	vld [tilespmem:s15+$0xFFFFFFE0];
	v32 =	vsub.f32 v23, v0  }
0x5f: {  	v34 =	vbroadcast v37, $0x7;
	v24 =	vld [tilespmem:s15+$0x0];
	(erf) = vpow2.f32 v31  }
0x60: {  	[tilespmem:s14+$0xFFFFFFF0] =	vst v37;
	v37 =	vmul.f32 v41, v28;
	v23 =	vld [tilespmem:s15+$0x10];
	v45 =	vmul.f32 $1.442695020e+00, v32  }
0x61: {  	[tilespmem:s14+$0xFFFFFF70] =	vst v39;
	v39 =	vmul.f32 v43, v36;
	v36 =	vmul.f32 v40, v44;
	v25 =	vld [tilespmem:s15+$0x20]  }
0x62: {  	v28 =	vld [tilespmem:s15+$0x50];
	v31 =	vbroadcast v38, $0x5;
	(erf) = vpow2.f32 v45  }
0x63: {  	s11 =	simm.s32 $0x2;
	s16 =	simm.s32 $0x19280;
	[tilespmem:s14+$0x80] =	vst v38;
	v32 =	vbroadcast v38, $0x6;
	v38 =	vmul.f32 v42, v29;
	v29 =	vld [tilespmem:s15+$0x60]  }
.LBB2_3:
0x64: {  	v40 =	vld [tilespmem:s16+$0x80];
	s10 =	sadd.s32 $0x20, s10;
	[tilespmem:s14+$0xFFFFFF80] =	vst v37;
	v33 =	vmul.f32 v11, v33;
	v35 =	vmul.f32 v8, v35;
	v11 =	vmovc v20;
	v8 =	vmov v22  }
0x65: {  	s11 =	sadd.s32 $0x2, s11;
	v22 =	vmul.f32 v12, v34;
	v34 =	vmul.f32 v18, v13;
	v12 =	vmovc v21;
	v13 =	vmov v24;
	v20 =	vld [tilespmem:s10+$0x0];
	[tilespmem:s14+$0xFFFFFF90] =	vst v38  }
0x66: {  	v24 =	vmul.f32 v19, v9;
	v37 =	vmul.f32 v17, v4;
	v9 =	vmovc v23;
	v4 =	vmov v25;
	p0 =	slt.u32 s11, $0x4E;
	v21 =	vld [tilespmem:s15+$0x70];
	[tilespmem:s14+$0xFFFFFFA0] =	vst v39  }
0x67: {  	v25 =	vmul.f32 v16, v5;
	v30 =	vmul.f32 v6, v30;
	v5 =	vmovc v26;
	v6 =	vmov v27;
	v23 =	vld [tilespmem:s10+$0xFFFFFFF0];
	[tilespmem:s14+$0xFFFFFFB0] =	vst v36  }
0x68: {  	v31 =	vmul.f32 v1, v31;
	v32 =	vmul.f32 v15, v32;
	v1 =	vmov v28;
	v26 =	vld [tilespmem:s16+$0xFFFFFFF0];
	v27 =	vpop (erf);
	[tilespmem:s14+$0xFFFFFFC0] =	vst v33  }
0x69: {  	v15 =	vmov v29;
	v28 =	vld [tilespmem:s16+$0xFFFFFF70];
	v18 =	vbroadcast v27, $0x0;
	v33 =	vbroadcast v27, $0x7;
	[tilespmem:s14+$0xFFFFFFD0] =	vst v35  }
0x6a: {  	v19 =	vbroadcast v27, $0x1;
	v17 =	vbroadcast v27, $0x2;
	v29 =	vld [tilespmem:s16+$0xFFFFFF80];
	v35 =	vadd.f32 v20, v40;
	[tilespmem:s14+$0xFFFFFFE0] =	vst v22  }
0x6b: {  	v16 =	vbroadcast v27, $0x3;
	v36 =	vld [tilespmem:s16+$0xFFFFFF90];
	v20 =	vmul.f32 v21, v33;
	v38 =	vpop (erf);
	[tilespmem:s14+$0x0] =	vst v34  }
0x6c: {  	v40 =	vld [tilespmem:s16+$0xFFFFFFA0];
	v21 =	vmul.f32 $2.000000030e-01, v35;
	v39 =	vbroadcast v38, $0x0;
	[tilespmem:s14+$0x10] =	vst v24  }
0x6d: {  	vm0 =	vge.f32 v35, $0.0e+00;
	v42 =	vbroadcast v38, $0x1;
	v23 =	vadd.f32 v23, v26;
	v41 =	vld [tilespmem:s16+$0xFFFFFFB0];
	[tilespmem:s15+$0x70] =	vst v20  }
0x6e: {  	v43 =	vbroadcast v38, $0x2;
	v44 =	vbroadcast v38, $0x3;
	v20 =	vld [tilespmem:s16+$0xFFFFFFC0];
	v21 =	vsel vm0, v35, v21;
	[tilespmem:s14+$0x20] =	vst v37  }
0x6f: {  	vm0 =	vge.f32 v23, $0.0e+00;
	v24 =	vmul.f32 $2.000000030e-01, v23;
	v22 =	vld [tilespmem:s16+$0xFFFFFFD0];
	v26 =	vsub.f32 v21, v0;
	[tilespmem:s14+$0x30] =	vst v25  }
0x70: {  	v45 =	vbroadcast v38, $0x4;
	v33 =	vbroadcast v38, $0x5;
	v21 =	vld [tilespmem:s16+$0xFFFFFFE0];
	[tilespmem:s14+$0x40] =	vst v30  }
0x71: {  	v35 =	vbroadcast v38, $0x6;
	v23 =	vsel vm0, v23, v24;
	v26 =	vmul.f32 $1.442695020e+00, v26;
	v24 =	vld [tilespmem:s16+$0x0];
	[tilespmem:s14+$0x50] =	vst v31  }
0x72: {  	v34 =	vbroadcast v38, $0x7;
	v30 =	vbroadcast v27, $0x4;
	v37 =	vsub.f32 v23, v0;
	v23 =	vld [tilespmem:s16+$0x10];
	[tilespmem:s14+$0x60] =	vst v32;
	s14 =	smov.u32 s15;
	s15 =	smov.u32 s16  }
.Ltmp0:
0x73: {  	v31 =	vbroadcast v27, $0x5;
	v25 =	vld [tilespmem:s16+$0x20];
	(erf) = vpow2.f32 v26;
	[tilespmem:s14+$0xFFFFFFF0] =	vst v38;
	(pc) =	sbr.rel @p0 .LBB2_3-.Ltmp0, $4  }
0x74: {  	v32 =	vbroadcast v27, $0x6;
	v38 =	vmul.f32 $1.442695020e+00, v37;
	v26 =	vld [tilespmem:s16+$0x30];
	[tilespmem:s14+$0x80] =	vst v27  }
0x75: {  	v39 =	vmul.f32 v39, v2;
	v2 =	vmovc v28;
	v37 =	vmul.f32 v42, v3;
	v3 =	vmov v29;
	v27 =	vld [tilespmem:s16+$0x40]  }
0x76: {  	v28 =	vld [tilespmem:s16+$0x50];
	(erf) = vpow2.f32 v38;
	v38 =	vmul.f32 v43, v7;
	v7 =	vmov v36  }
0x77: {  	s16 =	sadd.s32 $0x120, s16;
	v36 =	vmul.f32 v14, v45;
	v14 =	vmovc v41;
	v29 =	vld [tilespmem:s15+$0x60];
	[tilespmem:s14+$0xFFFFFF70] =	vst v39;
	v39 =	vmul.f32 v44, v10;
	v10 =	vmov v40  }
0x78: {  	[tilespmem:s14+$0xFFFFFF80] =	vst v37  }
0x79: {  	[tilespmem:s14+$0xFFFFFF90] =	vst v38  }
0x7a: {  	v11 =	vmul.f32 v11, v33;
	[tilespmem:s14+$0xFFFFFFA0] =	vst v39  }
0x7b: {  	v8 =	vmul.f32 v8, v35;
	[tilespmem:s14+$0xFFFFFFB0] =	vst v36  }
0x7c: {  	v12 =	vmul.f32 v12, v34;
	[tilespmem:s14+$0xFFFFFFC0] =	vst v11  }
0x7d: {  	v4 =	vmul.f32 v17, v4;
	[tilespmem:s14+$0xFFFFFFD0] =	vst v8  }
0x7e: {  	v5 =	vmul.f32 v16, v5;
	[tilespmem:s14+$0xFFFFFFE0] =	vst v12  }
0x7f: {  	v6 =	vmul.f32 v6, v30;
	[tilespmem:s14+$0x20] =	vst v4  }
0x80: {  	v1 =	vmul.f32 v1, v31;
	[tilespmem:s14+$0x30] =	vst v5  }
0x81: {  	v57 =	vld [tilespmem:s15+$0x70];
	v11 =	vmul.f32 v18, v13;
	[tilespmem:s14+$0x40] =	vst v6  }
0x82: {  	v8 =	vmul.f32 v19, v9;
	[tilespmem:s14+$0x50] =	vst v1  }
0x83: {  	v4 =	vmul.f32 v15, v32;
	v58 =	vpop (erf);
	[tilespmem:s14+$0x0] =	vst v11  }
0x84: {  	[tilespmem:s14+$0x10] =	vst v8;
	v13 =	vbroadcast v58, $0x7;
	v5 =	vpop (erf)  }
0x85: {  	[tilespmem:s14+$0x60] =	vst v4;
	v6 =	vbroadcast v5, $0x0  }
0x86: {  	[tilespmem:s15+$0x80] =	vst v58;
	v9 =	vmul.f32 v57, v13;
	v1 =	vbroadcast v5, $0x1  }
0x87: {  	v4 =	vbroadcast v5, $0x2;
	[tilespmem:s15+$0xFFFFFFF0] =	vst v5;
	v2 =	vmul.f32 v6, v2  }
0x88: {  	[tilespmem:s15+$0x70] =	vst v9;
	v6 =	vbroadcast v5, $0x3;
	v1 =	vmul.f32 v1, v3  }
0x89: {  	v3 =	vbroadcast v5, $0x4;
	v4 =	vmul.f32 v4, v7;
	[tilespmem:s15+$0xFFFFFF70] =	vst v2  }
0x8a: {  	v2 =	vbroadcast v5, $0x5;
	v6 =	vmul.f32 v6, v10;
	[tilespmem:s15+$0xFFFFFF80] =	vst v1  }
0x8b: {  	v1 =	vbroadcast v5, $0x6;
	v3 =	vmul.f32 v14, v3;
	[tilespmem:s15+$0xFFFFFF90] =	vst v4  }
0x8c: {  	v4 =	vbroadcast v5, $0x7;
	v2 =	vmul.f32 v20, v2;
	[tilespmem:s15+$0xFFFFFFA0] =	vst v6  }
0x8d: {  	v5 =	vbroadcast v58, $0x0;
	v1 =	vmul.f32 v22, v1;
	[tilespmem:s15+$0xFFFFFFB0] =	vst v3  }
0x8e: {  	v3 =	vbroadcast v58, $0x1;
	v4 =	vmul.f32 v21, v4;
	[tilespmem:s15+$0xFFFFFFC0] =	vst v2  }
0x8f: {  	v5 =	vmul.f32 v5, v24;
	v2 =	vbroadcast v58, $0x2;
	[tilespmem:s15+$0xFFFFFFD0] =	vst v1  }
0x90: {  	v1 =	vbroadcast v58, $0x3;
	v3 =	vmul.f32 v3, v23;
	[tilespmem:s15+$0xFFFFFFE0] =	vst v4  }
0x91: {  	v4 =	vbroadcast v58, $0x4;
	[tilespmem:s15+$0x0] =	vst v5;
	v2 =	vmul.f32 v2, v25  }
0x92: {  	v5 =	vbroadcast v58, $0x5;
	v1 =	vmul.f32 v1, v26;
	[tilespmem:s15+$0x10] =	vst v3  }
0x93: {  	v3 =	vbroadcast v58, $0x6;
	v4 =	vmul.f32 v27, v4;
	[tilespmem:s15+$0x20] =	vst v2  }
0x94: {  	s10 =	smul.u32 $0x280, s9;
	v2 =	vmul.f32 v28, v5;
	[tilespmem:s15+$0x30] =	vst v1  }
0x95: {  	v1 =	vmul.f32 v29, v3;
	[tilespmem:s15+$0x40] =	vst v4  }
0x96: {  	s14 =	sshra.s32 s10, $0x2;
	[tilespmem:s15+$0x50] =	vst v2  }
0x97: {  	s10 =	sadd.s32 $0x16800, s14;
	[tilespmem:s15+$0x60] =	vst v1  }
0x98: {  	[spmem:s3] =	stream.indirect.scatter.add.f32 [tilespmem:s24], [sflag:$0x3], $0x90, s10, s23, $0xb8;
	[tilespmem:$0x1F3C0] =	vst v63  }
0x99: {  	s13 =	sadd.s32 $0x3, s13;
	p0 =	seq.s32 s9, $0x3D;
	_ =	swait.ge [sflag:s0], $0x2D00  }
0x9a: {  	s10 =	smul.u32 @!p0 $0x50, s13;
	[sflag:s0] =	ssyncset.done $0x0  }
0x9b: {  	[sflag:s0] =	ssyncadd.s32 $0xFFFFD300  }
0x9c: {  	s10 =	sadd.s32 @!p0 s8, s10;
	_ =	swait.ge [sflag:s18], $0x500  }
0x9d: {  	s11 =	simm.s32 @!p0 $0x0;
	s10 =	sshrl.u32 @!p0 s10, $0x3;
	[sflag:s18] =	ssyncset.done $0x0  }
0x9e: {  	s15 =	simm.s32 @!p0 $0x18F60;
	s10 =	sadd.s32 @!p0 s6, s10;
	[sflag:s18] =	ssyncadd.s32 $0xFFFFFB00  }
0x9f: {  	[tilespmem:s15], [sflag:$0x8] =	stream.linear.gather @!p0 [hbm4b:s10+s11], $0x50, $0x38;
	[tilespmem:$0x1F3C0] =	vst v63  }
0xa0: {  	s10 =	simm.s32 $0x1BD40  }
0xa1: {  	s17 =	simm.s32 $0x1EEC0;
	v1 =	vld [tilespmem:s10+$0x80]  }
0xa2: {  	v2 =	vld [tilespmem:s17+$0x0]  }
0xa3: {  	v3 =	vld [tilespmem:s17+$0xFFFFFFF0]  }
0xa4: {  	v4 =	vld [tilespmem:s10+$0xFFFFFFF0]  }
0xa5: {  	v27 =	vld [tilespmem:s10+$0xFFFFFF70]  }
0xa6: {  	v28 =	vld [tilespmem:s10+$0xFFFFFF80]  }
0xa7: {  	v29 =	vld [tilespmem:s10+$0xFFFFFF90];
	v1 =	vadd.f32 v2, v1  }
0xa8: {  	v59 =	vld [tilespmem:s10+$0xFFFFFFA0]  }
0xa9: {  	v40 =	vld [tilespmem:s10+$0xFFFFFFB0];
	v2 =	vmul.f32 $2.000000030e-01, v1  }
0xaa: {  	v11 =	vld [tilespmem:s10+$0xFFFFFFC0];
	vm0 =	vge.f32 v1, $0.0e+00  }
0xab: {  	v8 =	vld [tilespmem:s10+$0xFFFFFFD0];
	v3 =	vadd.f32 v3, v4;
	v1 =	vsel vm0, v1, v2  }
0xac: {  	v12 =	vld [tilespmem:s10+$0xFFFFFFE0];
	v1 =	vsub.f32 v1, v0  }
0xad: {  	v13 =	vld [tilespmem:s10+$0x0];
	v2 =	vmul.f32 $2.000000030e-01, v3  }
0xae: {  	v9 =	vld [tilespmem:s10+$0x10];
	vm13 =	vge.f32 v3, $0.0e+00;
	v1 =	vmul.f32 $1.442695020e+00, v1  }
0xaf: {  	v5 =	vld [tilespmem:s10+$0x30];
	v2 =	vsel vm13, v3, v2  }
0xb0: {  	v6 =	vld [tilespmem:s10+$0x40];
	v2 =	vsub.f32 v2, v0;
	(erf) = vpow2.f32 v1  }
0xb1: {  	s15 =	simm.s32 $0x1BE60;
	v15 =	vld [tilespmem:s10+$0x60]  }
0xb2: {  	s11 =	simm.s32 $0x1EEE0;
	v7 =	vld [tilespmem:s15+$0x80];
	v2 =	vmul.f32 $1.442695020e+00, v2  }
0xb3: {  	v10 =	vld [tilespmem:s11+$0x0]  }
0xb4: {  	v20 =	vld [tilespmem:s11+$0xFFFFFFF0];
	(erf) = vpow2.f32 v2  }
0xb5: {  	v21 =	vld [tilespmem:s15+$0xFFFFFFF0]  }
0xb6: {  	v14 =	vld [tilespmem:s10+$0x70]  }
0xb7: {  	v4 =	vld [tilespmem:s10+$0x20]  }
0xb8: {  	v23 =	vadd.f32 v10, v7;
	v7 =	vld [tilespmem:s15+$0xFFFFFF90]  }
0xb9: {  	v10 =	vld [tilespmem:s15+$0xFFFFFFA0];
	v60 =	vpop (erf)  }
0xba: {  	v24 =	vadd.f32 v20, v21;
	v20 =	vld [tilespmem:s15+$0xFFFFFFC0];
	v18 =	vbroadcast v60, $0x0;
	v22 =	vbroadcast v60, $0x7  }
0xbb: {  	v3 =	vld [tilespmem:s15+$0xFFFFFF80];
	v19 =	vbroadcast v60, $0x1;
	v17 =	vbroadcast v60, $0x2  }
0xbc: {  	v1 =	vld [tilespmem:s10+$0x50];
	v26 =	vmul.f32 v14, v22;
	v22 =	vmul.f32 $2.000000030e-01, v23  }
0xbd: {  	vm14 =	vge.f32 v23, $0.0e+00;
	v2 =	vld [tilespmem:s15+$0xFFFFFF70];
	v16 =	vbroadcast v60, $0x3;
	v30 =	vbroadcast v60, $0x4;
	v61 =	vpop (erf)  }
0xbe: {  	v32 =	vbroadcast v60, $0x6;
	v62 =	vbroadcast v61, $0x0;
	v14 =	vld [tilespmem:s15+$0xFFFFFFB0];
	v21 =	vsel vm14, v23, v22  }
0xbf: {  	v41 =	vbroadcast v61, $0x1;
	v23 =	vmul.f32 $2.000000030e-01, v24;
	v22 =	vld [tilespmem:s15+$0xFFFFFFD0];
	v25 =	vsub.f32 v21, v0  }
0xc0: {  	vm15 =	vge.f32 v24, $0.0e+00;
	v42 =	vbroadcast v61, $0x2;
	v43 =	vbroadcast v61, $0x3;
	[tilespmem:s10+$0x70] =	vst v26;
	v26 =	vld [tilespmem:s15+$0x30]  }
0xc1: {  	v39 =	vmul.f32 v62, v27;
	v27 =	vld [tilespmem:s15+$0x40];
	v23 =	vsel vm15, v24, v23;
	v31 =	vmul.f32 $1.442695020e+00, v25  }
0xc2: {  	v44 =	vbroadcast v61, $0x4;
	v33 =	vbroadcast v61, $0x5;
	v21 =	vld [tilespmem:s15+$0xFFFFFFE0];
	v63 =	vsub.f32 v23, v0  }
0xc3: {  	v35 =	vbroadcast v61, $0x6;
	v24 =	vld [tilespmem:s15+$0x0];
	(erf) = vpow2.f32 v31  }
0xc4: {  	v34 =	vbroadcast v61, $0x7;
	v23 =	vld [tilespmem:s15+$0x10];
	v45 =	vmul.f32 $1.442695020e+00, v63  }
0xc5: {  	[tilespmem:s10+$0x80] =	vst v60;
	v37 =	vmul.f32 v41, v28;
	v38 =	vmul.f32 v42, v29;
	v25 =	vld [tilespmem:s15+$0x20]  }
0xc6: {  	[tilespmem:s10+$0xFFFFFFF0] =	vst v61;
	v28 =	vld [tilespmem:s15+$0x50];
	v36 =	vmul.f32 v40, v44;
	(erf) = vpow2.f32 v45  }
0xc7: {  	s16 =	simm.s32 $0x2;
	s17 =	simm.s32 $0x1BF80;
	v29 =	vld [tilespmem:s15+$0x60];
	[tilespmem:s10+$0xFFFFFF70] =	vst v39;
	v39 =	vmul.f32 v43, v59;
	v31 =	vbroadcast v60, $0x5  }
.LBB2_5:
0xc8: {  	v40 =	vld [tilespmem:s17+$0x80];
	s11 =	sadd.s32 $0x20, s11;
	[tilespmem:s10+$0xFFFFFF80] =	vst v37;
	v33 =	vmul.f32 v11, v33;
	v35 =	vmul.f32 v8, v35;
	v11 =	vmovc v20;
	v8 =	vmov v22  }
0xc9: {  	s16 =	sadd.s32 $0x2, s16;
	v22 =	vmul.f32 v12, v34;
	v34 =	vmul.f32 v18, v13;
	v12 =	vmovc v21;
	v13 =	vmov v24;
	v20 =	vld [tilespmem:s11+$0x0];
	[tilespmem:s10+$0xFFFFFF90] =	vst v38  }
0xca: {  	v24 =	vmul.f32 v19, v9;
	v37 =	vmul.f32 v17, v4;
	v9 =	vmovc v23;
	v4 =	vmov v25;
	p1 =	slt.u32 s16, $0x4E;
	v21 =	vld [tilespmem:s15+$0x70];
	[tilespmem:s10+$0xFFFFFFA0] =	vst v39  }
0xcb: {  	v25 =	vmul.f32 v16, v5;
	v30 =	vmul.f32 v6, v30;
	v5 =	vmovc v26;
	v6 =	vmov v27;
	v23 =	vld [tilespmem:s11+$0xFFFFFFF0];
	[tilespmem:s10+$0xFFFFFFB0] =	vst v36  }
0xcc: {  	v31 =	vmul.f32 v1, v31;
	v32 =	vmul.f32 v15, v32;
	v1 =	vmov v28;
	v26 =	vld [tilespmem:s17+$0xFFFFFFF0];
	v27 =	vpop (erf);
	[tilespmem:s10+$0xFFFFFFC0] =	vst v33  }
0xcd: {  	v15 =	vmov v29;
	v28 =	vld [tilespmem:s17+$0xFFFFFF70];
	v18 =	vbroadcast v27, $0x0;
	v33 =	vbroadcast v27, $0x7;
	[tilespmem:s10+$0xFFFFFFD0] =	vst v35  }
0xce: {  	v19 =	vbroadcast v27, $0x1;
	v17 =	vbroadcast v27, $0x2;
	v29 =	vld [tilespmem:s17+$0xFFFFFF80];
	v35 =	vadd.f32 v20, v40;
	[tilespmem:s10+$0xFFFFFFE0] =	vst v22  }
0xcf: {  	v16 =	vbroadcast v27, $0x3;
	v36 =	vld [tilespmem:s17+$0xFFFFFF90];
	v20 =	vmul.f32 v21, v33;
	v38 =	vpop (erf);
	[tilespmem:s10+$0x0] =	vst v34  }
0xd0: {  	v40 =	vld [tilespmem:s17+$0xFFFFFFA0];
	v21 =	vmul.f32 $2.000000030e-01, v35;
	v39 =	vbroadcast v38, $0x0;
	[tilespmem:s10+$0x10] =	vst v24  }
0xd1: {  	vm0 =	vge.f32 v35, $0.0e+00;
	v42 =	vbroadcast v38, $0x1;
	v23 =	vadd.f32 v23, v26;
	v41 =	vld [tilespmem:s17+$0xFFFFFFB0];
	[tilespmem:s15+$0x70] =	vst v20  }
0xd2: {  	v43 =	vbroadcast v38, $0x2;
	v44 =	vbroadcast v38, $0x3;
	v20 =	vld [tilespmem:s17+$0xFFFFFFC0];
	v21 =	vsel vm0, v35, v21;
	[tilespmem:s10+$0x20] =	vst v37  }
0xd3: {  	vm0 =	vge.f32 v23, $0.0e+00;
	v24 =	vmul.f32 $2.000000030e-01, v23;
	v22 =	vld [tilespmem:s17+$0xFFFFFFD0];
	v26 =	vsub.f32 v21, v0;
	[tilespmem:s10+$0x30] =	vst v25  }
0xd4: {  	v45 =	vbroadcast v38, $0x4;
	v33 =	vbroadcast v38, $0x5;
	v21 =	vld [tilespmem:s17+$0xFFFFFFE0];
	[tilespmem:s10+$0x40] =	vst v30  }
0xd5: {  	v35 =	vbroadcast v38, $0x6;
	v23 =	vsel vm0, v23, v24;
	v26 =	vmul.f32 $1.442695020e+00, v26;
	v24 =	vld [tilespmem:s17+$0x0];
	[tilespmem:s10+$0x50] =	vst v31  }
0xd6: {  	v34 =	vbroadcast v38, $0x7;
	v30 =	vbroadcast v27, $0x4;
	v37 =	vsub.f32 v23, v0;
	v23 =	vld [tilespmem:s17+$0x10];
	[tilespmem:s10+$0x60] =	vst v32;
	s10 =	smov.u32 s15;
	s15 =	smov.u32 s17  }
.Ltmp1:
0xd7: {  	v31 =	vbroadcast v27, $0x5;
	v25 =	vld [tilespmem:s17+$0x20];
	(erf) = vpow2.f32 v26;
	[tilespmem:s10+$0xFFFFFFF0] =	vst v38;
	(pc) =	sbr.rel @p1 .LBB2_5-.Ltmp1, $4  }
0xd8: {  	v32 =	vbroadcast v27, $0x6;
	v38 =	vmul.f32 $1.442695020e+00, v37;
	v26 =	vld [tilespmem:s17+$0x30];
	[tilespmem:s10+$0x80] =	vst v27  }
0xd9: {  	v39 =	vmul.f32 v39, v2;
	v2 =	vmovc v28;
	v37 =	vmul.f32 v42, v3;
	v3 =	vmov v29;
	v27 =	vld [tilespmem:s17+$0x40]  }
0xda: {  	v28 =	vld [tilespmem:s17+$0x50];
	(erf) = vpow2.f32 v38;
	v38 =	vmul.f32 v43, v7;
	v7 =	vmov v36  }
0xdb: {  	s17 =	sadd.s32 $0x120, s17;
	v36 =	vmul.f32 v14, v45;
	v14 =	vmovc v41;
	v29 =	vld [tilespmem:s15+$0x60];
	[tilespmem:s10+$0xFFFFFF70] =	vst v39;
	v39 =	vmul.f32 v44, v10;
	v10 =	vmov v40  }
0xdc: {  	[tilespmem:s10+$0xFFFFFF80] =	vst v37  }
0xdd: {  	[tilespmem:s10+$0xFFFFFF90] =	vst v38  }
0xde: {  	v11 =	vmul.f32 v11, v33;
	[tilespmem:s10+$0xFFFFFFA0] =	vst v39  }
0xdf: {  	v8 =	vmul.f32 v8, v35;
	[tilespmem:s10+$0xFFFFFFB0] =	vst v36  }
0xe0: {  	v12 =	vmul.f32 v12, v34;
	[tilespmem:s10+$0xFFFFFFC0] =	vst v11  }
0xe1: {  	v51 =	vmul.f32 v18, v13;
	[tilespmem:s10+$0xFFFFFFD0] =	vst v8  }
0xe2: {  	v53 =	vmul.f32 v19, v9;
	[tilespmem:s10+$0xFFFFFFE0] =	vst v12  }
0xe3: {  	v4 =	vmul.f32 v17, v4;
	[tilespmem:s10+$0x0] =	vst v51  }
0xe4: {  	v5 =	vmul.f32 v16, v5;
	[tilespmem:s10+$0x10] =	vst v53  }
0xe5: {  	v49 =	vld [tilespmem:s15+$0x70];
	v6 =	vmul.f32 v6, v30;
	[tilespmem:s10+$0x20] =	vst v4  }
0xe6: {  	v1 =	vmul.f32 v1, v31;
	[tilespmem:s10+$0x30] =	vst v5  }
0xe7: {  	v55 =	vmul.f32 v15, v32;
	[tilespmem:s10+$0x40] =	vst v6;
	v50 =	vpop (erf)  }
0xe8: {  	[tilespmem:s10+$0x50] =	vst v1;
	v52 =	vbroadcast v50, $0x7  }
0xe9: {  	[tilespmem:s10+$0x60] =	vst v55;
	v61 =	vbroadcast v50, $0x0;
	v56 =	vpop (erf)  }
0xea: {  	[tilespmem:s15+$0x80] =	vst v50;
	v54 =	vmul.f32 v49, v52;
	v57 =	vbroadcast v56, $0x0  }
0xeb: {  	v5 =	vmul.f32 v61, v24;
	v1 =	vbroadcast v56, $0x1;
	[tilespmem:s15+$0xFFFFFFF0] =	vst v56  }
0xec: {  	v58 =	vbroadcast v56, $0x2;
	[tilespmem:s15+$0x70] =	vst v54;
	v2 =	vmul.f32 v57, v2  }
0xed: {  	v59 =	vbroadcast v56, $0x3;
	[tilespmem:s15+$0x0] =	vst v5;
	v1 =	vmul.f32 v1, v3  }
0xee: {  	v3 =	vbroadcast v56, $0x4;
	v4 =	vmul.f32 v58, v7;
	[tilespmem:s15+$0xFFFFFF70] =	vst v2  }
0xef: {  	v60 =	vbroadcast v56, $0x7;
	v6 =	vmul.f32 v59, v10;
	[tilespmem:s15+$0xFFFFFF80] =	vst v1  }
0xf0: {  	v2 =	vbroadcast v56, $0x5;
	v3 =	vmul.f32 v14, v3;
	[tilespmem:s15+$0xFFFFFF90] =	vst v4  }
0xf1: {  	v1 =	vbroadcast v56, $0x6;
	[tilespmem:s15+$0xFFFFFFA0] =	vst v6;
	v4 =	vmul.f32 v21, v60  }
0xf2: {  	v62 =	vbroadcast v50, $0x4;
	v2 =	vmul.f32 v20, v2;
	[tilespmem:s15+$0xFFFFFFB0] =	vst v3  }
0xf3: {  	v1 =	vmul.f32 v22, v1;
	v3 =	vbroadcast v50, $0x1;
	[tilespmem:s15+$0xFFFFFFE0] =	vst v4  }
0xf4: {  	v4 =	vmul.f32 v27, v62;
	[tilespmem:s15+$0xFFFFFFC0] =	vst v2;
	v2 =	vbroadcast v50, $0x2  }
0xf5: {  	[tilespmem:s15+$0xFFFFFFD0] =	vst v1;
	v1 =	vbroadcast v50, $0x3;
	v3 =	vmul.f32 v3, v23  }
0xf6: {  	v63 =	vbroadcast v50, $0x5;
	[tilespmem:s15+$0x40] =	vst v4;
	v2 =	vmul.f32 v2, v25  }
0xf7: {  	v1 =	vmul.f32 v1, v26;
	[tilespmem:s15+$0x10] =	vst v3;
	v3 =	vbroadcast v50, $0x6  }
0xf8: {  	[tilespmem:s15+$0x20] =	vst v2;
	v2 =	vmul.f32 v28, v63  }
0xf9: {  	[tilespmem:s15+$0x30] =	vst v1;
	v1 =	vmul.f32 v29, v3  }
0xfa: {  	[tilespmem:s15+$0x50] =	vst v2  }
0xfb: {  	s16 =	sadd.s32 $0x16850, s14;
	[tilespmem:s15+$0x60] =	vst v1  }
0xfc: {  	[spmem:s3] =	stream.indirect.scatter.add.f32 [tilespmem:s28], [sflag:$0x7], $0x90, s16, s23, $0xb8;
	[tilespmem:$0x1F3C0] =	vst v63  }
0xfd: {  	_ =	swait.ge [sflag:s29], $0x2D00  }
0xfe: {  	[sflag:s29] =	ssyncset.done $0x0  }
0xff: {  	[sflag:s29] =	ssyncadd.s32 $0xFFFFD300  }
0x100: {  	s17 =	smul.u32 $0x140, s12;
	_ =	swait.ge [sflag:s22], $0x50  }
.Ltmp2:
0x101: {  	[sflag:s22] =	ssyncset.done $0x0;
	(pc) =	sbr.rel @p0 .LBB2_8-.Ltmp2, $4  }
0x102: {  	s10 =	sshra.s32 s17, $0x2;
	[sflag:s22] =	ssyncadd.s32 $0xFFFFFFB0  }
0x103: {  	[tilespmem:s24], [sflag:$0x1] =	stream.indirect.gather [hbm4b:s5+s23], $0x90, s20, s23, $0xb8;
	[tilespmem:$0x1F3C0] =	vst v63  }
0x104: {  	s10 =	sadd.s32 $0x16800, s10  }
0x105: {  	[tilespmem:s25], [sflag:$0x2] =	stream.indirect.gather [hbm4b:s2+s23], $0x10, s10, s23, $0xb8;
	[tilespmem:$0x1F3C0] =	vst v63  }
0x106: {  	_ =	swait.ge [sflag:s7], $0x2D00  }
0x107: {  	[sflag:s7] =	ssyncset.done $0x0  }
0x108: {  	[sflag:s7] =	ssyncadd.s32 $0xFFFFD300  }
0x109: {  	s10 =	smul.u32 $0x140, s13;
	_ =	swait.ge [sflag:s26], $0x50  }
.Ltmp3:
0x10a: {  	[sflag:s26] =	ssyncset.done $0x0;
	(pc) =	sbr.rel .LBB2_2-.Ltmp3, $4  }
0x10b: {  	s10 =	sshra.s32 s10, $0x2;
	[sflag:s26] =	ssyncadd.s32 $0xFFFFFFB0  }
0x10c: {  	[tilespmem:s28], [sflag:$0x5] =	stream.indirect.gather [hbm4b:s5+s23], $0x90, s21, s23, $0xb8;
	[tilespmem:$0x1F3C0] =	vst v63  }
0x10d: {  	s9 =	sadd.s32 $0x1, s9;
	s10 =	sadd.s32 $0x16800, s10  }
0x10e: {  	[tilespmem:s30], [sflag:$0x6] =	stream.indirect.gather [hbm4b:s2+s23], $0x10, s10, s23, $0xb8;
	[tilespmem:$0x1F3C0] =	vst v63  }
.LBB2_8:
0x10f: {  	_ =	swait.ge [sflag:s31], $0x2D00  }
0x110: {  	[sflag:s31] =	ssyncset.done $0x0  }
0x111: {  	[sflag:s31] =	ssyncadd.s32 $0xFFFFD300  }
0x112: {  	_ =	swait.ge [sflag:s1], $0x500  }
0x113: {  	[sflag:s1] =	ssyncset.done $0x0  }
0x114: {  	s10 =	simm.s32 $0x19040;
	[sflag:s1] =	ssyncadd.s32 $0xFFFFFB00  }
0x115: {  	s9 =	simm.s32 $0x1E9C0;
	v1 =	vld [tilespmem:s10+$0x80]  }
0x116: {  	v2 =	vld [tilespmem:s9+$0x0]  }
0x117: {  	v3 =	vld [tilespmem:s9+$0xFFFFFFF0]  }
0x118: {  	v4 =	vld [tilespmem:s10+$0xFFFFFFF0]  }
0x119: {  	v27 =	vld [tilespmem:s10+$0xFFFFFF70]  }
0x11a: {  	v28 =	vld [tilespmem:s10+$0xFFFFFF80]  }
0x11b: {  	v29 =	vld [tilespmem:s10+$0xFFFFFF90];
	v1 =	vadd.f32 v2, v1  }
0x11c: {  	v36 =	vld [tilespmem:s10+$0xFFFFFFA0]  }
0x11d: {  	v40 =	vld [tilespmem:s10+$0xFFFFFFB0];
	v2 =	vmul.f32 $2.000000030e-01, v1  }
0x11e: {  	v11 =	vld [tilespmem:s10+$0xFFFFFFC0];
	vm0 =	vge.f32 v1, $0.0e+00  }
0x11f: {  	v8 =	vld [tilespmem:s10+$0xFFFFFFD0];
	v3 =	vadd.f32 v3, v4;
	v1 =	vsel vm0, v1, v2  }
0x120: {  	v12 =	vld [tilespmem:s10+$0xFFFFFFE0];
	v1 =	vsub.f32 v1, v0  }
0x121: {  	v13 =	vld [tilespmem:s10+$0x0];
	v2 =	vmul.f32 $2.000000030e-01, v3  }
0x122: {  	v9 =	vld [tilespmem:s10+$0x10];
	vm13 =	vge.f32 v3, $0.0e+00;
	v1 =	vmul.f32 $1.442695020e+00, v1  }
0x123: {  	v5 =	vld [tilespmem:s10+$0x30];
	v2 =	vsel vm13, v3, v2  }
0x124: {  	v6 =	vld [tilespmem:s10+$0x40];
	v2 =	vsub.f32 v2, v0;
	(erf) = vpow2.f32 v1  }
0x125: {  	s11 =	simm.s32 $0x1E9E0;
	v15 =	vld [tilespmem:s10+$0x60]  }
0x126: {  	s9 =	simm.s32 $0x19160;
	v10 =	vld [tilespmem:s11+$0x0];
	v2 =	vmul.f32 $1.442695020e+00, v2  }
0x127: {  	v7 =	vld [tilespmem:s9+$0x80]  }
0x128: {  	v20 =	vld [tilespmem:s11+$0xFFFFFFF0];
	(erf) = vpow2.f32 v2  }
0x129: {  	v21 =	vld [tilespmem:s9+$0xFFFFFFF0]  }
0x12a: {  	v14 =	vld [tilespmem:s10+$0x70]  }
0x12b: {  	v4 =	vld [tilespmem:s10+$0x20]  }
0x12c: {  	v23 =	vadd.f32 v10, v7;
	v7 =	vld [tilespmem:s9+$0xFFFFFF90]  }
0x12d: {  	v10 =	vld [tilespmem:s9+$0xFFFFFFA0];
	v38 =	vpop (erf)  }
0x12e: {  	v24 =	vadd.f32 v20, v21;
	v20 =	vld [tilespmem:s9+$0xFFFFFFC0];
	v18 =	vbroadcast v38, $0x0;
	v22 =	vbroadcast v38, $0x7  }
0x12f: {  	v3 =	vld [tilespmem:s9+$0xFFFFFF80];
	v19 =	vbroadcast v38, $0x1;
	v17 =	vbroadcast v38, $0x2  }
0x130: {  	v1 =	vld [tilespmem:s10+$0x50];
	v26 =	vmul.f32 v14, v22;
	v22 =	vmul.f32 $2.000000030e-01, v23  }
0x131: {  	vm14 =	vge.f32 v23, $0.0e+00;
	v2 =	vld [tilespmem:s9+$0xFFFFFF70];
	v16 =	vbroadcast v38, $0x3;
	v30 =	vbroadcast v38, $0x4;
	v37 =	vpop (erf)  }
0x132: {  	v39 =	vbroadcast v37, $0x0;
	v14 =	vld [tilespmem:s9+$0xFFFFFFB0];
	v41 =	vbroadcast v37, $0x1;
	v21 =	vsel vm14, v23, v22  }
0x133: {  	v42 =	vbroadcast v37, $0x2;
	v23 =	vmul.f32 $2.000000030e-01, v24;
	v22 =	vld [tilespmem:s9+$0xFFFFFFD0];
	v25 =	vsub.f32 v21, v0  }
0x134: {  	vm15 =	vge.f32 v24, $0.0e+00;
	v43 =	vbroadcast v37, $0x3;
	v44 =	vbroadcast v37, $0x4;
	[tilespmem:s10+$0x70] =	vst v26;
	v26 =	vld [tilespmem:s9+$0x30]  }
0x135: {  	v39 =	vmul.f32 v39, v27;
	v27 =	vld [tilespmem:s9+$0x40];
	v23 =	vsel vm15, v24, v23;
	v31 =	vmul.f32 $1.442695020e+00, v25  }
0x136: {  	v33 =	vbroadcast v37, $0x5;
	v35 =	vbroadcast v37, $0x6;
	v21 =	vld [tilespmem:s9+$0xFFFFFFE0];
	v32 =	vsub.f32 v23, v0  }
0x137: {  	v34 =	vbroadcast v37, $0x7;
	v24 =	vld [tilespmem:s9+$0x0];
	(erf) = vpow2.f32 v31  }
0x138: {  	[tilespmem:s10+$0xFFFFFFF0] =	vst v37;
	v37 =	vmul.f32 v41, v28;
	v23 =	vld [tilespmem:s9+$0x10];
	v45 =	vmul.f32 $1.442695020e+00, v32  }
0x139: {  	[tilespmem:s10+$0xFFFFFF70] =	vst v39;
	v39 =	vmul.f32 v43, v36;
	v36 =	vmul.f32 v40, v44;
	v25 =	vld [tilespmem:s9+$0x20]  }
0x13a: {  	v28 =	vld [tilespmem:s9+$0x50];
	v31 =	vbroadcast v38, $0x5;
	(erf) = vpow2.f32 v45  }
0x13b: {  	s12 =	simm.s32 $0x2;
	s13 =	simm.s32 $0x19280;
	[tilespmem:s10+$0x80] =	vst v38;
	v32 =	vbroadcast v38, $0x6;
	v38 =	vmul.f32 v42, v29;
	v29 =	vld [tilespmem:s9+$0x60]  }
.LBB2_9:
0x13c: {  	v40 =	vld [tilespmem:s13+$0x80];
	s11 =	sadd.s32 $0x20, s11;
	[tilespmem:s10+$0xFFFFFF80] =	vst v37;
	v33 =	vmul.f32 v11, v33;
	v35 =	vmul.f32 v8, v35;
	v11 =	vmovc v20;
	v8 =	vmov v22  }
0x13d: {  	s12 =	sadd.s32 $0x2, s12;
	v22 =	vmul.f32 v12, v34;
	v34 =	vmul.f32 v18, v13;
	v12 =	vmovc v21;
	v13 =	vmov v24;
	v20 =	vld [tilespmem:s11+$0x0];
	[tilespmem:s10+$0xFFFFFF90] =	vst v38  }
0x13e: {  	v24 =	vmul.f32 v19, v9;
	v37 =	vmul.f32 v17, v4;
	v9 =	vmovc v23;
	v4 =	vmov v25;
	p0 =	slt.u32 s12, $0x4E;
	v21 =	vld [tilespmem:s9+$0x70];
	[tilespmem:s10+$0xFFFFFFA0] =	vst v39  }
0x13f: {  	v25 =	vmul.f32 v16, v5;
	v30 =	vmul.f32 v6, v30;
	v5 =	vmovc v26;
	v6 =	vmov v27;
	v23 =	vld [tilespmem:s11+$0xFFFFFFF0];
	[tilespmem:s10+$0xFFFFFFB0] =	vst v36  }
0x140: {  	v31 =	vmul.f32 v1, v31;
	v32 =	vmul.f32 v15, v32;
	v1 =	vmov v28;
	v26 =	vld [tilespmem:s13+$0xFFFFFFF0];
	v27 =	vpop (erf);
	[tilespmem:s10+$0xFFFFFFC0] =	vst v33  }
0x141: {  	v15 =	vmov v29;
	v28 =	vld [tilespmem:s13+$0xFFFFFF70];
	v18 =	vbroadcast v27, $0x0;
	v33 =	vbroadcast v27, $0x7;
	[tilespmem:s10+$0xFFFFFFD0] =	vst v35  }
0x142: {  	v19 =	vbroadcast v27, $0x1;
	v17 =	vbroadcast v27, $0x2;
	v29 =	vld [tilespmem:s13+$0xFFFFFF80];
	v35 =	vadd.f32 v20, v40;
	[tilespmem:s10+$0xFFFFFFE0] =	vst v22  }
0x143: {  	v16 =	vbroadcast v27, $0x3;
	v36 =	vld [tilespmem:s13+$0xFFFFFF90];
	v20 =	vmul.f32 v21, v33;
	v38 =	vpop (erf);
	[tilespmem:s10+$0x0] =	vst v34  }
0x144: {  	v40 =	vld [tilespmem:s13+$0xFFFFFFA0];
	v21 =	vmul.f32 $2.000000030e-01, v35;
	v39 =	vbroadcast v38, $0x0;
	[tilespmem:s10+$0x10] =	vst v24  }
0x145: {  	vm0 =	vge.f32 v35, $0.0e+00;
	v42 =	vbroadcast v38, $0x1;
	v23 =	vadd.f32 v23, v26;
	v41 =	vld [tilespmem:s13+$0xFFFFFFB0];
	[tilespmem:s9+$0x70] =	vst v20  }
0x146: {  	v43 =	vbroadcast v38, $0x2;
	v44 =	vbroadcast v38, $0x3;
	v20 =	vld [tilespmem:s13+$0xFFFFFFC0];
	v21 =	vsel vm0, v35, v21;
	[tilespmem:s10+$0x20] =	vst v37  }
0x147: {  	vm0 =	vge.f32 v23, $0.0e+00;
	v24 =	vmul.f32 $2.000000030e-01, v23;
	v22 =	vld [tilespmem:s13+$0xFFFFFFD0];
	v26 =	vsub.f32 v21, v0;
	[tilespmem:s10+$0x30] =	vst v25  }
0x148: {  	v45 =	vbroadcast v38, $0x4;
	v33 =	vbroadcast v38, $0x5;
	v21 =	vld [tilespmem:s13+$0xFFFFFFE0];
	[tilespmem:s10+$0x40] =	vst v30  }
0x149: {  	v35 =	vbroadcast v38, $0x6;
	v23 =	vsel vm0, v23, v24;
	v26 =	vmul.f32 $1.442695020e+00, v26;
	v24 =	vld [tilespmem:s13+$0x0];
	[tilespmem:s10+$0x50] =	vst v31  }
0x14a: {  	v34 =	vbroadcast v38, $0x7;
	v30 =	vbroadcast v27, $0x4;
	v37 =	vsub.f32 v23, v0;
	v23 =	vld [tilespmem:s13+$0x10];
	[tilespmem:s10+$0x60] =	vst v32;
	s10 =	smov.u32 s9;
	s9 =	smov.u32 s13  }
.Ltmp4:
0x14b: {  	v31 =	vbroadcast v27, $0x5;
	v25 =	vld [tilespmem:s13+$0x20];
	(erf) = vpow2.f32 v26;
	[tilespmem:s10+$0xFFFFFFF0] =	vst v38;
	(pc) =	sbr.rel @p0 .LBB2_9-.Ltmp4, $4  }
0x14c: {  	v32 =	vbroadcast v27, $0x6;
	v38 =	vmul.f32 $1.442695020e+00, v37;
	v26 =	vld [tilespmem:s13+$0x30];
	[tilespmem:s10+$0x80] =	vst v27  }
0x14d: {  	v39 =	vmul.f32 v39, v2;
	v2 =	vmovc v28;
	v37 =	vmul.f32 v42, v3;
	v3 =	vmov v29;
	v27 =	vld [tilespmem:s13+$0x40]  }
0x14e: {  	v28 =	vld [tilespmem:s13+$0x50];
	(erf) = vpow2.f32 v38;
	v38 =	vmul.f32 v43, v7;
	v7 =	vmov v36  }
0x14f: {  	s13 =	sadd.s32 $0x120, s13;
	v36 =	vmul.f32 v14, v45;
	v14 =	vmovc v41;
	v29 =	vld [tilespmem:s9+$0x60];
	[tilespmem:s10+$0xFFFFFF70] =	vst v39;
	v39 =	vmul.f32 v44, v10;
	v10 =	vmov v40  }
0x150: {  	[tilespmem:s10+$0xFFFFFF80] =	vst v37  }
0x151: {  	[tilespmem:s10+$0xFFFFFF90] =	vst v38  }
0x152: {  	v0 =	vmul.f32 v11, v33;
	[tilespmem:s10+$0xFFFFFFA0] =	vst v39  }
0x153: {  	v8 =	vmul.f32 v8, v35;
	[tilespmem:s10+$0xFFFFFFB0] =	vst v36  }
0x154: {  	v12 =	vmul.f32 v12, v34;
	[tilespmem:s10+$0xFFFFFFC0] =	vst v0  }
0x155: {  	v37 =	vmul.f32 v18, v13;
	[tilespmem:s10+$0xFFFFFFD0] =	vst v8  }
0x156: {  	v41 =	vmul.f32 v17, v4;
	[tilespmem:s10+$0xFFFFFFE0] =	vst v12  }
0x157: {  	v42 =	vmul.f32 v16, v5;
	[tilespmem:s10+$0x0] =	vst v37  }
0x158: {  	v43 =	vmul.f32 v6, v30;
	[tilespmem:s10+$0x20] =	vst v41  }
0x159: {  	v63 =	vld [tilespmem:s9+$0x70];
	v44 =	vmul.f32 v1, v31;
	[tilespmem:s10+$0x30] =	vst v42  }
0x15a: {  	v45 =	vmul.f32 v15, v32;
	[tilespmem:s10+$0x40] =	vst v43  }
0x15b: {  	v39 =	vmul.f32 v19, v9;
	[tilespmem:s10+$0x50] =	vst v44;
	v36 =	vpop (erf)  }
0x15c: {  	[tilespmem:s10+$0x60] =	vst v45;
	v38 =	vbroadcast v36, $0x7  }
0x15d: {  	[tilespmem:s10+$0x10] =	vst v39;
	v55 =	vbroadcast v36, $0x0  }
0x15e: {  	[tilespmem:s9+$0x80] =	vst v36;
	v60 =	vbroadcast v36, $0x5;
	v40 =	vmul.f32 v63, v38;
	v46 =	vpop (erf)  }
0x15f: {  	v61 =	vbroadcast v36, $0x6;
	v4 =	vmul.f32 v55, v24;
	[tilespmem:s9+$0xFFFFFFF0] =	vst v46  }
0x160: {  	v62 =	vmul.f32 v28, v60;
	v47 =	vbroadcast v46, $0x0;
	[tilespmem:s9+$0x70] =	vst v40  }
0x161: {  	v63 =	vmul.f32 v29, v61;
	v48 =	vbroadcast v46, $0x1;
	[tilespmem:s9+$0x0] =	vst v4  }
0x162: {  	v49 =	vbroadcast v46, $0x2;
	[tilespmem:s9+$0x50] =	vst v62;
	v2 =	vmul.f32 v47, v2  }
0x163: {  	v50 =	vbroadcast v46, $0x3;
	[tilespmem:s9+$0x60] =	vst v63;
	v0 =	vmul.f32 v48, v3  }
0x164: {  	v51 =	vbroadcast v46, $0x4;
	v1 =	vmul.f32 v49, v7;
	[tilespmem:s9+$0xFFFFFF70] =	vst v2  }
0x165: {  	v52 =	vbroadcast v46, $0x5;
	v5 =	vmul.f32 v50, v10;
	[tilespmem:s9+$0xFFFFFF80] =	vst v0  }
0x166: {  	v53 =	vbroadcast v46, $0x6;
	v3 =	vmul.f32 v14, v51;
	[tilespmem:s9+$0xFFFFFF90] =	vst v1  }
0x167: {  	v54 =	vbroadcast v46, $0x7;
	v2 =	vmul.f32 v20, v52;
	[tilespmem:s9+$0xFFFFFFA0] =	vst v5  }
0x168: {  	v56 =	vbroadcast v36, $0x1;
	v0 =	vmul.f32 v22, v53;
	[tilespmem:s9+$0xFFFFFFB0] =	vst v3  }
0x169: {  	v57 =	vbroadcast v36, $0x2;
	v1 =	vmul.f32 v21, v54;
	[tilespmem:s9+$0xFFFFFFC0] =	vst v2  }
0x16a: {  	v58 =	vbroadcast v36, $0x3;
	v3 =	vmul.f32 v56, v23;
	[tilespmem:s9+$0xFFFFFFD0] =	vst v0  }
0x16b: {  	v59 =	vbroadcast v36, $0x4;
	[tilespmem:s9+$0xFFFFFFE0] =	vst v1;
	v2 =	vmul.f32 v57, v25  }
0x16c: {  	v0 =	vmul.f32 v58, v26;
	[tilespmem:s9+$0x10] =	vst v3  }
0x16d: {  	v1 =	vmul.f32 v27, v59;
	[tilespmem:s9+$0x20] =	vst v2  }
0x16e: {  	[tilespmem:s9+$0x30] =	vst v0  }
0x16f: {  	s15 =	simm.s32 $0x18EC0;
	[tilespmem:s9+$0x40] =	vst v1  }
0x170: {  	[spmem:s3] =	stream.indirect.scatter.add.f32 [tilespmem:s24], [sflag:$0x3], $0x90, s15, s23, $0xb8;
	[tilespmem:$0x1F3C0] =	vst v63  }
0x171: {  	_ =	swait.ge [sflag:s29], $0x2D00  }
0x172: {  	[sflag:s29] =	ssyncset.done $0x0  }
0x173: {  	[sflag:s29] =	ssyncadd.s32 $0xFFFFD300  }
0x174: {  	_ =	swait.ge [sflag:s7], $0x2D00  }
0x175: {  	[sflag:s7] =	ssyncset.done $0x0  }
0x176: {  	[sflag:s7] =	ssyncadd.s32 $0xFFFFD300  }
0x177: {  	[bflag:$0x0] =	sbarrier.arrive $0xFFFF  }
0x178: {  	s12 =	rddreg [dreg:$0x7]  }
0x179: {  	s16 =	rddreg [dreg:$0xa]  }
0x17a: {  	s11 =	simm.s32 $0x9;
	s10 =	rddreg [dreg:$0xc]  }
0x17b: {  	[hbm:s16], [sflag:s12] =	dma.local [spmem:s10], $0x2D00  }
0x17c: {  	_ =	swait.ge [sflag:s11], $0x2D00  }
0x17d: {  	s19 =	sadd.s32 $0x1, s19;
	s17 =	rddreg [dreg:$0xb]  }
0x17e: {  	p0 =	sne.s32 s19, s17  }
.Ltmp5:
0x17f: {  	_ = 	snop;
	(pc) =	sbr.rel @p0 .LBB2_1-.Ltmp5, $3  }
0x180: {  	_ =	sdelay $0x1  }
0x181: {  	[sflag:s11] =	ssyncset.done $0x0  }
0x182: {  	[sflag:s11] =	ssyncadd.s32 $0xFFFFD300  }
0x183: {  	_ =	sfence.sel $0x180000  }
0x184: {  	[bflag:$0x0] =	sbarrier.arrive $0xFFFF  }
0x185: {  	_ =	strace $0x90000047  }
0x186: {  	s0 =	stileid.u32;
	[bflag:$0x2] =	sbarrier.arrive $0xFFFF  }
0x187: {  	p0 =	sne.s32 s0, $0x0;
	s0 =	rddreg [dreg:$0x3]  }
0x188: {  	s0 =	sadd.s32 @!p0 $0x100000, s0  }
0x189: {  	[sflag:s0] =	ssyncadd.tile.s32 @!p0 $0x1;
	_ =	shalt  }
.Lfunc_end2:
_tile_overlayer_lowered:
.L_overlay_start_2:
0x18a: {  	(tag) =	ssettag $0x2  }
0x18b: {  	s0 =	rddreg [dreg:$0x0];
	s2 =	stileid.u32  }
0x18c: {  	s1 =	rddreg [dreg:$0x1];
	p0 =	sne.s32 s2, $0x0  }
0x18d: {  	s3 =	rddreg [dreg:$0x2];
	[bflag:$0x3] =	sbarrier.arrive $0xFFFF;
	s2 =	simm.s32 @!p0 $0x1C09  }
0x18e: {  	[timem:s3], [sflag:s2] =	dma.local @!p0 [hbm:s0], s1  }
0x18f: {  	s0 =	simm.s32 @!p0 $0x9  }
0x190: {  	_ =	swait.ge @!p0 [sflag:s0], s1  }
0x191: {  	s1 =	ssub.s32 @!p0 $0x0, s1;
	[sflag:s0] =	ssyncset.done @!p0 $0x0  }
0x192: {  	[sflag:s0] =	ssyncadd.s32 @!p0 s1  }
0x193: {  	[bflag:$0x3] =	sbarrier.arrive $0xFFFF  }
0x194: {  	_ =	shalt  }

</sc_bundles>
